<compile_context>
chip_gen: v7x
topology: tpu7x:2x2x1
jax: 0.10.2.dev20260603
libtpu: 0.0.44.dev20260713+nightly
codegen_flags: <defaults>
</compile_context>

<pallas_src>
import jax
import jax.numpy as jnp
from jax import lax
from jax.experimental import pallas as pl
from jax.experimental.pallas import tpu as pltpu
from jax.experimental.pallas import tpu_sc as plsc

N = 10000
E = 320000
D_IN = 128
D_H = 128
N_CLASSES = 64

NC = 2
NS = 16
NW = NC * NS
EPT = E // NW
CHUNK = 128
NCHUNK = 158
NBUF = 2
E_PAD = NS * NCHUNK * CHUNK
DUMMY = 512
ACC_ROWS = N + DUMMY
ZROWS = 624
RB = 1000

_mesh = plsc.VectorSubcoreMesh(core_axis_name="c", subcore_axis_name="s")
_sc_params = pltpu.CompilerParams(needs_layout_passes=False, use_tc_tiling_on_sc=False)



def _deg_body(src_hbm, dst_hbm, osrc_hbm, odst_hbm, idx_v, hist_v):
    cid = lax.axis_index("c")
    sid = lax.axis_index("s")
    w = cid * NS + sid
    zeros16 = jnp.zeros((16,), jnp.float32)
    ones16 = jnp.ones((16,), jnp.float32)
    for ix_hbm, out_hbm in ((src_hbm, osrc_hbm), (dst_hbm, odst_hbm)):
        pltpu.sync_copy(ix_hbm.at[w], idx_v)

        @pl.loop(0, N // 16)
        def _(i):
            hist_v[pl.ds(i * 16, 16)] = zeros16

        @pl.loop(0, EPT // 16)
        def _(i):
            idx = idx_v[pl.ds(i * 16, 16)]
            plsc.addupdate_scatter(hist_v, [idx], ones16)

        pltpu.sync_copy(hist_v, out_hbm.at[w])


def _sc_degrees(src_flat, dst_flat):
    return pl.kernel(
        _deg_body,
        out_type=(
            jax.ShapeDtypeStruct((NW, N), jnp.float32),
            jax.ShapeDtypeStruct((NW, N), jnp.float32),
        ),
        mesh=_mesh,
        scratch_types=[
            pltpu.VMEM((EPT,), jnp.int32),
            pltpu.VMEM((N,), jnp.float32),
        ],
        compiler_params=_sc_params,
    )(src_flat, dst_flat)


def _make_agg_body(dh):
    def _agg_body(hw_hbm, src_hbm, dst_hbm, zeros_hbm, out_hbm,
                  src_v, dst_v, *rest):
        bufs = rest[:NBUF]
        acc_sh = rest[NBUF]
        gsems = rest[NBUF + 1:2 * NBUF + 1]
        cid = lax.axis_index("c")
        sid = lax.axis_index("s")
        hw_c = hw_hbm.at[cid]
        pltpu.sync_copy(src_hbm.at[sid], src_v)
        pltpu.sync_copy(dst_hbm.at[sid], dst_v)
        pltpu.sync_copy(zeros_hbm, acc_sh.at[pl.ds(sid * ZROWS, ZROWS)])

        @pl.when(sid == NS - 1)
        def _():
            pltpu.sync_copy(zeros_hbm.at[pl.ds(0, ACC_ROWS - NS * ZROWS)],
                            acc_sh.at[pl.ds(NS * ZROWS, ACC_ROWS - NS * ZROWS)])

        plsc.subcore_barrier()

        buf_a, buf_b = bufs[0], bufs[1]
        sem_a, sem_b = gsems[0], gsems[1]
        pltpu.async_copy(hw_c.at[src_v.at[0]], buf_a, sem_a)

        @pl.loop(0, NCHUNK, step=2)
        def _(j):
            pltpu.async_copy(hw_c.at[src_v.at[j + 1]], buf_b, sem_b)
            pltpu.make_async_copy(hw_c.at[src_v.at[j]], buf_a, sem_a).wait()
            pltpu.sync_copy(buf_a, acc_sh.at[dst_v.at[j]], add=True)

            @pl.when(j + 2 < NCHUNK)
            def _():
                pltpu.async_copy(hw_c.at[src_v.at[j + 2]], buf_a, sem_a)

            pltpu.make_async_copy(hw_c.at[src_v.at[j + 1]], buf_b, sem_b).wait()
            pltpu.sync_copy(buf_b, acc_sh.at[dst_v.at[j + 1]], add=True)

        plsc.subcore_barrier()

        @pl.loop(0, ZROWS // 104)
        def _(k):
            r0 = sid * ZROWS + k * 104
            pltpu.sync_copy(acc_sh.at[pl.ds(r0, 104)], bufs[0].at[pl.ds(0, 104)])
            pltpu.sync_copy(bufs[0].at[pl.ds(0, 104)],
                            out_hbm.at[cid, pl.ds(r0, 104)])

        @pl.when(sid == NS - 1)
        def _():
            r0 = NS * ZROWS
            pltpu.sync_copy(acc_sh.at[pl.ds(r0, N - r0)],
                            bufs[0].at[pl.ds(0, N - r0)])
            pltpu.sync_copy(bufs[0].at[pl.ds(0, N - r0)],
                            out_hbm.at[cid, pl.ds(r0, N - r0)])

    return _agg_body


def _sc_aggregate(hw, src_t, dst_t, zeros_blk, dh):
    return pl.kernel(
        _make_agg_body(dh),
        out_type=jax.ShapeDtypeStruct((NC, N, dh), jnp.float32),
        mesh=_mesh,
        scratch_types=[
            pltpu.VMEM((NCHUNK, CHUNK), jnp.int32),
            pltpu.VMEM((NCHUNK, CHUNK), jnp.int32),
        ] + [pltpu.VMEM((CHUNK, dh), jnp.float32) for _ in range(NBUF)]
        + [pltpu.VMEM_SHARED((ACC_ROWS, dh), jnp.float32)]
        + [pltpu.SemaphoreType.DMA for _ in range(NBUF)],
        compiler_params=_sc_params,
    )(hw, src_t, dst_t, zeros_blk)



def _fused0_body(x_ref, w_ref, hs_ref, hd_ref, ns_ref, nd_ref, hw_ref):
    ns = lax.rsqrt(jnp.clip(jnp.sum(hs_ref[...], axis=0), 1.0, None))
    nd = lax.rsqrt(jnp.clip(jnp.sum(hd_ref[...], axis=0), 1.0, None))
    ns_ref[...] = ns[:, None]
    nd_ref[...] = nd[:, None]
    h = jnp.maximum(x_ref[...], 0.0) * ns[:, None]
    hw = jnp.dot(h, w_ref[...], preferred_element_type=jnp.float32)
    hw_ref[0] = hw[:, : D_H // 2]
    hw_ref[1] = hw[:, D_H // 2:]


def _tc_fused0(x, w0, hist_src, hist_dst):
    return pl.pallas_call(
        _fused0_body,
        out_shape=[
            jax.ShapeDtypeStruct((N, 1), jnp.float32),
            jax.ShapeDtypeStruct((N, 1), jnp.float32),
            jax.ShapeDtypeStruct((NC, N, D_H // 2), jnp.float32),
        ],
    )(x, w0, hist_src, hist_dst)


def _layer_body(p_ref, nd_ref, ns_ref, b_ref, w_ref, o_ref):
    agg = jnp.concatenate([p_ref[0], p_ref[1]], axis=1)
    h = jnp.maximum(agg * nd_ref[...] + b_ref[...], 0.0)
    hw = jnp.dot(h * ns_ref[...], w_ref[...],
                 preferred_element_type=jnp.float32)
    dh = hw.shape[-1] // 2
    o_ref[0] = hw[:, :dh]
    o_ref[1] = hw[:, dh:]


def _tc_layer(p, norm_dst, norm_src, b, w, d_out):
    d_in_h = p.shape[-1]
    return pl.pallas_call(
        _layer_body,
        grid=(N // RB,),
        in_specs=[
            pl.BlockSpec((NC, RB, d_in_h), lambda i: (0, i, 0)),
            pl.BlockSpec((RB, 1), lambda i: (i, 0)),
            pl.BlockSpec((RB, 1), lambda i: (i, 0)),
            pl.BlockSpec((1, 2 * d_in_h), lambda i: (0, 0)),
            pl.BlockSpec((2 * d_in_h, d_out), lambda i: (0, 0)),
        ],
        out_specs=pl.BlockSpec((NC, RB, d_out // 2), lambda i: (0, i, 0)),
        out_shape=jax.ShapeDtypeStruct((NC, N, d_out // 2), jnp.float32),
    )(p, norm_dst, norm_src, b, w)


def _final_body(p_ref, nd_ref, b_ref, o_ref):
    agg = jnp.concatenate([p_ref[0], p_ref[1]], axis=1)
    o_ref[...] = agg * nd_ref[...] + b_ref[...]


def _tc_final(p, norm_dst, b):
    dh = p.shape[-1]
    return pl.pallas_call(
        _final_body,
        grid=(N // RB,),
        in_specs=[
            pl.BlockSpec((NC, RB, dh), lambda i: (0, i, 0)),
            pl.BlockSpec((RB, 1), lambda i: (i, 0)),
            pl.BlockSpec((1, 2 * dh), lambda i: (0, 0)),
        ],
        out_specs=pl.BlockSpec((RB, 2 * dh), lambda i: (i, 0)),
        out_shape=jax.ShapeDtypeStruct((N, 2 * dh), jnp.float32),
    )(p, norm_dst, b)



def kernel(x, edge_index, W0, b0, W1, b1, W2, b2):
    src = edge_index[0]
    dst = edge_index[1]
    src_flat = src.reshape(NW, EPT)
    dst_flat = dst.reshape(NW, EPT)
    pad = E_PAD - E
    src_t = jnp.concatenate(
        [src, jnp.zeros((pad,), jnp.int32)]).reshape(NS, NCHUNK, CHUNK)
    dst_t = jnp.concatenate(
        [dst, N + (jnp.arange(pad, dtype=jnp.int32) % DUMMY)]
    ).reshape(NS, NCHUNK, CHUNK)
    zeros64 = jnp.zeros((ZROWS, D_H // 2), jnp.float32)
    zeros32 = jnp.zeros((ZROWS, N_CLASSES // 2), jnp.float32)

    hist_src, hist_dst = _sc_degrees(src_flat, dst_flat)
    norm_src, norm_dst, hw0 = _tc_fused0(x, W0, hist_src, hist_dst)

    p0 = _sc_aggregate(hw0, src_t, dst_t, zeros64, D_H // 2)
    hw1 = _tc_layer(p0, norm_dst, norm_src, b0.reshape(1, D_H), W1, D_H)
    p1 = _sc_aggregate(hw1, src_t, dst_t, zeros64, D_H // 2)
    hw2 = _tc_layer(p1, norm_dst, norm_src, b1.reshape(1, D_H), W2, N_CLASSES)
    p2 = _sc_aggregate(hw2, src_t, dst_t, zeros32, N_CLASSES // 2)
    return _tc_final(p2, norm_dst, b2.reshape(1, N_CLASSES))

# --- scband reference (transcript-rebuilt; emitter-appended) ---
"""Pipeline reference for scband-gcn-9818295239119 (READ-ONLY COPY).

The authoritative reference and input builder live on the scoring server;
editing this copy changes nothing except your own understanding.
"""

import jax, jax.numpy as jnp
import numpy as np

N = 10000
E = 320000
D_IN = 128
D_H = 128
N_CLASSES = 64


def setup_inputs(seed: int = 0) -> dict:
    key = jax.random.key(seed)
    ks = jax.random.split(key, 9)
    x = jax.random.normal(ks[0], (N, D_IN), dtype=jnp.float32)
    edge_index = jax.random.randint(ks[1], (2, E), 0, N, dtype=jnp.int32)
    # GraphConv weights (glorot-style scaling)
    W0 = jax.random.normal(ks[2], (D_IN, D_H), dtype=jnp.float32) * (1.0 / np.sqrt(D_IN))
    b0 = jnp.zeros((D_H,), dtype=jnp.float32)
    W1 = jax.random.normal(ks[3], (D_H, D_H), dtype=jnp.float32) * (1.0 / np.sqrt(D_H))
    b1 = jnp.zeros((D_H,), dtype=jnp.float32)
    W2 = jax.random.normal(ks[4], (D_H, N_CLASSES), dtype=jnp.float32) * (1.0 / np.sqrt(D_H))
    b2 = jnp.zeros((N_CLASSES,), dtype=jnp.float32)
    return {"x": x, "edge_index": edge_index, "W0": W0, "b0": b0, "W1": W1, "b1": b1, "W2": W2, "b2": b2}


def reference(x, edge_index, W0, b0, W1, b1, W2, b2):
    # DGL GraphConv with norm='both': out = D_dst^{-1/2} * A @ (D_src^{-1/2} * x @ W) + b
    src = edge_index[0]
    dst = edge_index[1]
    ones = jnp.ones((src.shape[0],), dtype=jnp.float32)
    deg_out = jax.ops.segment_sum(ones, src, num_segments=N)
    deg_in = jax.ops.segment_sum(ones, dst, num_segments=N)
    norm_src = jax.lax.rsqrt(jnp.clip(deg_out, 1.0, None))
    norm_dst = jax.lax.rsqrt(jnp.clip(deg_in, 1.0, None))

    def conv(h, W, b):
        h = h * norm_src[:, None]
        h = h @ W
        msg = jnp.take(h, src, axis=0)
        agg = jax.ops.segment_sum(msg, dst, num_segments=N)
        return agg * norm_dst[:, None] + b

    h = x
    # layer 0: pre-activation per forward loop, conv, GraphConv post-activation
    h = jax.nn.relu(h)  # dropout omitted (eval mode)
    h = conv(h, W0, b0)
    h = jax.nn.relu(h)
    # layer 1
    h = jax.nn.relu(h)
    h = conv(h, W1, b1)
    h = jax.nn.relu(h)
    # layer 2 (last): no activation
    h = conv(h, W2, b2)
    return h

if __name__ == "__main__":
    import jax
    _d = setup_inputs()
    print(jax.jit(kernel)(*tuple(_d.values())))

</pallas_src>

<mosaic_0001>
#map = affine_map<(d0, d1) -> (0, 0)>
module attributes {stable_mosaic.version = 14 : i64} {
  func.func @_deg_body(%arg0: i32, %arg1: i32, %arg2: memref<32x10000xi32, #tpu.memory_space<hbm>>, %arg3: memref<32x10000xi32, #tpu.memory_space<hbm>>, %arg4: memref<32x10000xf32, #tpu.memory_space<hbm>>, %arg5: memref<32x10000xf32, #tpu.memory_space<hbm>>, %arg6: memref<10000xi32, #tpu.memory_space<vmem>>, %arg7: memref<10000xf32, #tpu.memory_space<vmem>>) attributes {dimension_semantics = [#tpu.dimension_semantics<core_parallel>, #tpu.dimension_semantics<subcore_parallel>], iteration_bounds = array<i64: 2, 16>, scalar_prefetch = 0 : i64, scratch_operands = 2 : i64, tpu.core_type = #tpu.core_type<sc_vector_subcore>, window_params = [{transform_indices = #map}, {transform_indices = #map}, {transform_indices = #map}, {transform_indices = #map}]} {
    %mul3A = arith.constant 16 : i32
    %mul3A_0 = arith.muli %arg0, %mul3A : i32
    %add3A = arith.addi %mul3A_0, %arg1 : i32
    %broadcast_in_dim3A = arith.constant 0.000000e+00 : f32
    %broadcast_in_dim3A_1 = vector.broadcast %broadcast_in_dim3A : f32 to vector<16xf32>
    %broadcast_in_dim3A_2 = arith.constant 1.000000e+00 : f32
    %broadcast_in_dim3A_3 = vector.broadcast %broadcast_in_dim3A_2 : f32 to vector<16xf32>
    "tpu.region"() ({
      %run_scoped3A = tpu.sem_alloc : memref<!tpu.dma_semaphore, #tpu.memory_space<semaphore_mem>>
      %dma_start3A = arith.constant 0 : i32
      %dma_start3A_23 = tpu.memref_slice %arg2[%add3A, %dma_start3A] : memref<32x10000xi32, #tpu.memory_space<hbm>> -> memref<1x10000xi32, #tpu.memory_space<hbm>>
      %dma_start3A_24 = tpu.memref_squeeze %dma_start3A_23 : memref<1x10000xi32, #tpu.memory_space<hbm>> -> memref<10000xi32, #tpu.memory_space<hbm>>
      %dma_start3A_25 = arith.constant 0 : i32
      %dma_start3A_26 = tpu.memref_slice %arg2[%add3A, %dma_start3A_25] : memref<32x10000xi32, #tpu.memory_space<hbm>> -> memref<1x10000xi32, #tpu.memory_space<hbm>>
      %dma_start3A_27 = tpu.memref_squeeze %dma_start3A_26 : memref<1x10000xi32, #tpu.memory_space<hbm>> -> memref<10000xi32, #tpu.memory_space<hbm>>
      tpu.enqueue_dma source(%dma_start3A_27 : memref<10000xi32, #tpu.memory_space<hbm>>) target(%arg6 : memref<10000xi32, #tpu.memory_space<vmem>>) target_semaphore(%run_scoped3A : memref<!tpu.dma_semaphore, #tpu.memory_space<semaphore_mem>>)
      %dma_wait3A = arith.constant 0 : i32
      %dma_wait3A_28 = tpu.memref_slice %arg2[%add3A, %dma_wait3A] : memref<32x10000xi32, #tpu.memory_space<hbm>> -> memref<1x10000xi32, #tpu.memory_space<hbm>>
      %dma_wait3A_29 = tpu.memref_squeeze %dma_wait3A_28 : memref<1x10000xi32, #tpu.memory_space<hbm>> -> memref<10000xi32, #tpu.memory_space<hbm>>
      %dma_wait3A_30 = arith.constant 0 : i32
      %dma_wait3A_31 = tpu.memref_slice %arg2[%add3A, %dma_wait3A_30] : memref<32x10000xi32, #tpu.memory_space<hbm>> -> memref<1x10000xi32, #tpu.memory_space<hbm>>
      %dma_wait3A_32 = tpu.memref_squeeze %dma_wait3A_31 : memref<1x10000xi32, #tpu.memory_space<hbm>> -> memref<10000xi32, #tpu.memory_space<hbm>>
      tpu.wait_dma2 semaphore(%run_scoped3A : memref<!tpu.dma_semaphore, #tpu.memory_space<semaphore_mem>>) src(%dma_wait3A_32 : memref<10000xi32, #tpu.memory_space<hbm>>) dst(%arg6 : memref<10000xi32, #tpu.memory_space<vmem>>)
      tpu.yield
    }) : () -> ()
    %scan3A = arith.constant 0 : i32
    %scan3A_4 = arith.constant 625 : i32
    %scan3A_5 = arith.addi %scan3A, %scan3A_4 : i32
    %scan3A_6 = arith.constant 1 : i32
    scf.for %scan3A_23 = %scan3A to %scan3A_5 step %scan3A_6  : i32 {
      %mul3A_24 = arith.constant 1 : i32
      %mul3A_25 = arith.muli %scan3A_23, %mul3A_24 : i32
      %add3A_26 = arith.constant 0 : i32
      %add3A_27 = arith.addi %add3A_26, %mul3A_25 : i32
      %mul3A_28 = arith.constant 16 : i32
      %mul3A_29 = arith.muli %add3A_27, %mul3A_28 : i32
      %swap3A = arith.index_cast %mul3A_29 : i32 to index
      %swap3A_30 = tpu.vector_load %arg7[%swap3A] {strides = array<i32>} : memref<10000xf32, #tpu.memory_space<vmem>>, vector<16xf32>,
      tpu.vector_store %arg7[%swap3A], %broadcast_in_dim3A_1 {strides = array<i32>} : memref<10000xf32, #tpu.memory_space<vmem>>, vector<16xf32>,
    }
    %scan3A_7 = arith.constant 625 : i32
    %scan3A_8 = arith.constant 0 : i32
    %scan3A_9 = arith.constant 625 : i32
    %scan3A_10 = arith.addi %scan3A_8, %scan3A_9 : i32
    %scan3A_11 = arith.constant 1 : i32
    scf.for %scan3A_23 = %scan3A_8 to %scan3A_10 step %scan3A_11  : i32 {
      %mul3A_24 = arith.constant 1 : i32
      %mul3A_25 = arith.muli %scan3A_23, %mul3A_24 : i32
      %add3A_26 = arith.constant 0 : i32
      %add3A_27 = arith.addi %add3A_26, %mul3A_25 : i32
      %mul3A_28 = arith.constant 16 : i32
      %mul3A_29 = arith.muli %add3A_27, %mul3A_28 : i32
      %get3A = arith.index_cast %mul3A_29 : i32 to index
      %get3A_30 = tpu.vector_load %arg6[%get3A] {strides = array<i32>} : memref<10000xi32, #tpu.memory_space<vmem>>, vector<16xi32>,
      tpu.vector_store_idx %arg7[%get3A_30], %broadcast_in_dim3A_3 {add = true} : memref<10000xf32, #tpu.memory_space<vmem>>[vector<16xi32>], vector<16xf32>,
    }
    %scan3A_12 = arith.constant 625 : i32
    "tpu.region"() ({
      %run_scoped3A = tpu.sem_alloc : memref<!tpu.dma_semaphore, #tpu.memory_space<semaphore_mem>>
      %dma_start3A = arith.constant 0 : i32
      %dma_start3A_23 = tpu.memref_slice %arg4[%add3A, %dma_start3A] : memref<32x10000xf32, #tpu.memory_space<hbm>> -> memref<1x10000xf32, #tpu.memory_space<hbm>>
      %dma_start3A_24 = tpu.memref_squeeze %dma_start3A_23 : memref<1x10000xf32, #tpu.memory_space<hbm>> -> memref<10000xf32, #tpu.memory_space<hbm>>
      %dma_start3A_25 = arith.constant 0 : i32
      %dma_start3A_26 = tpu.memref_slice %arg4[%add3A, %dma_start3A_25] : memref<32x10000xf32, #tpu.memory_space<hbm>> -> memref<1x10000xf32, #tpu.memory_space<hbm>>
      %dma_start3A_27 = tpu.memref_squeeze %dma_start3A_26 : memref<1x10000xf32, #tpu.memory_space<hbm>> -> memref<10000xf32, #tpu.memory_space<hbm>>
      tpu.enqueue_dma source(%arg7 : memref<10000xf32, #tpu.memory_space<vmem>>) target(%dma_start3A_27 : memref<10000xf32, #tpu.memory_space<hbm>>) target_semaphore(%run_scoped3A : memref<!tpu.dma_semaphore, #tpu.memory_space<semaphore_mem>>)
      %dma_wait3A = arith.constant 0 : i32
      %dma_wait3A_28 = tpu.memref_slice %arg4[%add3A, %dma_wait3A] : memref<32x10000xf32, #tpu.memory_space<hbm>> -> memref<1x10000xf32, #tpu.memory_space<hbm>>
      %dma_wait3A_29 = tpu.memref_squeeze %dma_wait3A_28 : memref<1x10000xf32, #tpu.memory_space<hbm>> -> memref<10000xf32, #tpu.memory_space<hbm>>
      %dma_wait3A_30 = arith.constant 0 : i32
      %dma_wait3A_31 = tpu.memref_slice %arg4[%add3A, %dma_wait3A_30] : memref<32x10000xf32, #tpu.memory_space<hbm>> -> memref<1x10000xf32, #tpu.memory_space<hbm>>
      %dma_wait3A_32 = tpu.memref_squeeze %dma_wait3A_31 : memref<1x10000xf32, #tpu.memory_space<hbm>> -> memref<10000xf32, #tpu.memory_space<hbm>>
      tpu.wait_dma2 semaphore(%run_scoped3A : memref<!tpu.dma_semaphore, #tpu.memory_space<semaphore_mem>>) src(%arg7 : memref<10000xf32, #tpu.memory_space<vmem>>) dst(%dma_wait3A_32 : memref<10000xf32, #tpu.memory_space<hbm>>)
      tpu.yield
    }) : () -> ()
    "tpu.region"() ({
      %run_scoped3A = tpu.sem_alloc : memref<!tpu.dma_semaphore, #tpu.memory_space<semaphore_mem>>
      %dma_start3A = arith.constant 0 : i32
      %dma_start3A_23 = tpu.memref_slice %arg3[%add3A, %dma_start3A] : memref<32x10000xi32, #tpu.memory_space<hbm>> -> memref<1x10000xi32, #tpu.memory_space<hbm>>
      %dma_start3A_24 = tpu.memref_squeeze %dma_start3A_23 : memref<1x10000xi32, #tpu.memory_space<hbm>> -> memref<10000xi32, #tpu.memory_space<hbm>>
      %dma_start3A_25 = arith.constant 0 : i32
      %dma_start3A_26 = tpu.memref_slice %arg3[%add3A, %dma_start3A_25] : memref<32x10000xi32, #tpu.memory_space<hbm>> -> memref<1x10000xi32, #tpu.memory_space<hbm>>
      %dma_start3A_27 = tpu.memref_squeeze %dma_start3A_26 : memref<1x10000xi32, #tpu.memory_space<hbm>> -> memref<10000xi32, #tpu.memory_space<hbm>>
      tpu.enqueue_dma source(%dma_start3A_27 : memref<10000xi32, #tpu.memory_space<hbm>>) target(%arg6 : memref<10000xi32, #tpu.memory_space<vmem>>) target_semaphore(%run_scoped3A : memref<!tpu.dma_semaphore, #tpu.memory_space<semaphore_mem>>)
      %dma_wait3A = arith.constant 0 : i32
      %dma_wait3A_28 = tpu.memref_slice %arg3[%add3A, %dma_wait3A] : memref<32x10000xi32, #tpu.memory_space<hbm>> -> memref<1x10000xi32, #tpu.memory_space<hbm>>
      %dma_wait3A_29 = tpu.memref_squeeze %dma_wait3A_28 : memref<1x10000xi32, #tpu.memory_space<hbm>> -> memref<10000xi32, #tpu.memory_space<hbm>>
      %dma_wait3A_30 = arith.constant 0 : i32
      %dma_wait3A_31 = tpu.memref_slice %arg3[%add3A, %dma_wait3A_30] : memref<32x10000xi32, #tpu.memory_space<hbm>> -> memref<1x10000xi32, #tpu.memory_space<hbm>>
      %dma_wait3A_32 = tpu.memref_squeeze %dma_wait3A_31 : memref<1x10000xi32, #tpu.memory_space<hbm>> -> memref<10000xi32, #tpu.memory_space<hbm>>
      tpu.wait_dma2 semaphore(%run_scoped3A : memref<!tpu.dma_semaphore, #tpu.memory_space<semaphore_mem>>) src(%dma_wait3A_32 : memref<10000xi32, #tpu.memory_space<hbm>>) dst(%arg6 : memref<10000xi32, #tpu.memory_space<vmem>>)
      tpu.yield
    }) : () -> ()
    %scan3A_13 = arith.constant 0 : i32
    %scan3A_14 = arith.constant 625 : i32
    %scan3A_15 = arith.addi %scan3A_13, %scan3A_14 : i32
    %scan3A_16 = arith.constant 1 : i32
    scf.for %scan3A_23 = %scan3A_13 to %scan3A_15 step %scan3A_16  : i32 {
      %mul3A_24 = arith.constant 1 : i32
      %mul3A_25 = arith.muli %scan3A_23, %mul3A_24 : i32
      %add3A_26 = arith.constant 0 : i32
      %add3A_27 = arith.addi %add3A_26, %mul3A_25 : i32
      %mul3A_28 = arith.constant 16 : i32
      %mul3A_29 = arith.muli %add3A_27, %mul3A_28 : i32
      %swap3A = arith.index_cast %mul3A_29 : i32 to index
      %swap3A_30 = tpu.vector_load %arg7[%swap3A] {strides = array<i32>} : memref<10000xf32, #tpu.memory_space<vmem>>, vector<16xf32>,
      tpu.vector_store %arg7[%swap3A], %broadcast_in_dim3A_1 {strides = array<i32>} : memref<10000xf32, #tpu.memory_space<vmem>>, vector<16xf32>,
    }
    %scan3A_17 = arith.constant 625 : i32
    %scan3A_18 = arith.constant 0 : i32
    %scan3A_19 = arith.constant 625 : i32
    %scan3A_20 = arith.addi %scan3A_18, %scan3A_19 : i32
    %scan3A_21 = arith.constant 1 : i32
    scf.for %scan3A_23 = %scan3A_18 to %scan3A_20 step %scan3A_21  : i32 {
      %mul3A_24 = arith.constant 1 : i32
      %mul3A_25 = arith.muli %scan3A_23, %mul3A_24 : i32
      %add3A_26 = arith.constant 0 : i32
      %add3A_27 = arith.addi %add3A_26, %mul3A_25 : i32
      %mul3A_28 = arith.constant 16 : i32
      %mul3A_29 = arith.muli %add3A_27, %mul3A_28 : i32
      %get3A = arith.index_cast %mul3A_29 : i32 to index
      %get3A_30 = tpu.vector_load %arg6[%get3A] {strides = array<i32>} : memref<10000xi32, #tpu.memory_space<vmem>>, vector<16xi32>,
      tpu.vector_store_idx %arg7[%get3A_30], %broadcast_in_dim3A_3 {add = true} : memref<10000xf32, #tpu.memory_space<vmem>>[vector<16xi32>], vector<16xf32>,
    }
    %scan3A_22 = arith.constant 625 : i32
    "tpu.region"() ({
      %run_scoped3A = tpu.sem_alloc : memref<!tpu.dma_semaphore, #tpu.memory_space<semaphore_mem>>
      %dma_start3A = arith.constant 0 : i32
      %dma_start3A_23 = tpu.memref_slice %arg5[%add3A, %dma_start3A] : memref<32x10000xf32, #tpu.memory_space<hbm>> -> memref<1x10000xf32, #tpu.memory_space<hbm>>
      %dma_start3A_24 = tpu.memref_squeeze %dma_start3A_23 : memref<1x10000xf32, #tpu.memory_space<hbm>> -> memref<10000xf32, #tpu.memory_space<hbm>>
      %dma_start3A_25 = arith.constant 0 : i32
      %dma_start3A_26 = tpu.memref_slice %arg5[%add3A, %dma_start3A_25] : memref<32x10000xf32, #tpu.memory_space<hbm>> -> memref<1x10000xf32, #tpu.memory_space<hbm>>
      %dma_start3A_27 = tpu.memref_squeeze %dma_start3A_26 : memref<1x10000xf32, #tpu.memory_space<hbm>> -> memref<10000xf32, #tpu.memory_space<hbm>>
      tpu.enqueue_dma source(%arg7 : memref<10000xf32, #tpu.memory_space<vmem>>) target(%dma_start3A_27 : memref<10000xf32, #tpu.memory_space<hbm>>) target_semaphore(%run_scoped3A : memref<!tpu.dma_semaphore, #tpu.memory_space<semaphore_mem>>)
      %dma_wait3A = arith.constant 0 : i32
      %dma_wait3A_28 = tpu.memref_slice %arg5[%add3A, %dma_wait3A] : memref<32x10000xf32, #tpu.memory_space<hbm>> -> memref<1x10000xf32, #tpu.memory_space<hbm>>
      %dma_wait3A_29 = tpu.memref_squeeze %dma_wait3A_28 : memref<1x10000xf32, #tpu.memory_space<hbm>> -> memref<10000xf32, #tpu.memory_space<hbm>>
      %dma_wait3A_30 = arith.constant 0 : i32
      %dma_wait3A_31 = tpu.memref_slice %arg5[%add3A, %dma_wait3A_30] : memref<32x10000xf32, #tpu.memory_space<hbm>> -> memref<1x10000xf32, #tpu.memory_space<hbm>>
      %dma_wait3A_32 = tpu.memref_squeeze %dma_wait3A_31 : memref<1x10000xf32, #tpu.memory_space<hbm>> -> memref<10000xf32, #tpu.memory_space<hbm>>
      tpu.wait_dma2 semaphore(%run_scoped3A : memref<!tpu.dma_semaphore, #tpu.memory_space<semaphore_mem>>) src(%arg7 : memref<10000xf32, #tpu.memory_space<vmem>>) dst(%dma_wait3A_32 : memref<10000xf32, #tpu.memory_space<hbm>>)
      tpu.yield
    }) : () -> ()
    return
  }
}

#map = affine_map<(d0, d1) -> (0, 0, 0)>
#map1 = affine_map<(d0, d1) -> (0, 0)>
module attributes {stable_mosaic.version = 14 : i64} {
  func.func @_agg_body(%arg0: i32, %arg1: i32, %arg2: memref<2x10000x64xf32, #tpu.memory_space<hbm>>, %arg3: memref<16x158x128xi32, #tpu.memory_space<hbm>>, %arg4: memref<16x158x128xi32, #tpu.memory_space<hbm>>, %arg5: memref<624x64xf32, #tpu.memory_space<hbm>>, %arg6: memref<2x10000x64xf32, #tpu.memory_space<hbm>>, %arg7: memref<158x128xi32, #tpu.memory_space<vmem>>, %arg8: memref<158x128xi32, #tpu.memory_space<vmem>>, %arg9: memref<128x64xf32, #tpu.memory_space<vmem>>, %arg10: memref<128x64xf32, #tpu.memory_space<vmem>>, %arg11: memref<10512x64xf32, #tpu.memory_space<vmem_shared>>, %arg12: memref<!tpu.dma_semaphore, #tpu.memory_space<semaphore_mem>>, %arg13: memref<!tpu.dma_semaphore, #tpu.memory_space<semaphore_mem>>) attributes {dimension_semantics = [#tpu.dimension_semantics<core_parallel>, #tpu.dimension_semantics<subcore_parallel>], iteration_bounds = array<i64: 2, 16>, scalar_prefetch = 0 : i64, scratch_operands = 7 : i64, tpu.core_type = #tpu.core_type<sc_vector_subcore>, window_params = [{transform_indices = #map}, {transform_indices = #map}, {transform_indices = #map}, {transform_indices = #map1}, {transform_indices = #map}]} {
    "tpu.region"() ({
      %run_scoped3A = tpu.sem_alloc : memref<!tpu.dma_semaphore, #tpu.memory_space<semaphore_mem>>
      %dma_start3A_28 = arith.constant 0 : i32
      %dma_start3A_29 = arith.constant 0 : i32
      %dma_start3A_30 = tpu.memref_slice %arg3[%arg1, %dma_start3A_28, %dma_start3A_29] : memref<16x158x128xi32, #tpu.memory_space<hbm>> -> memref<1x158x128xi32, #tpu.memory_space<hbm>>
      %dma_start3A_31 = tpu.memref_squeeze %dma_start3A_30 : memref<1x158x128xi32, #tpu.memory_space<hbm>> -> memref<158x128xi32, #tpu.memory_space<hbm>>
      %dma_start3A_32 = arith.constant 0 : i32
      %dma_start3A_33 = arith.constant 0 : i32
      %dma_start3A_34 = tpu.memref_slice %arg3[%arg1, %dma_start3A_32, %dma_start3A_33] : memref<16x158x128xi32, #tpu.memory_space<hbm>> -> memref<1x158x128xi32, #tpu.memory_space<hbm>>
      %dma_start3A_35 = tpu.memref_squeeze %dma_start3A_34 : memref<1x158x128xi32, #tpu.memory_space<hbm>> -> memref<158x128xi32, #tpu.memory_space<hbm>>
      tpu.enqueue_dma source(%dma_start3A_35 : memref<158x128xi32, #tpu.memory_space<hbm>>) target(%arg7 : memref<158x128xi32, #tpu.memory_space<vmem>>) target_semaphore(%run_scoped3A : memref<!tpu.dma_semaphore, #tpu.memory_space<semaphore_mem>>)
      %dma_wait3A = arith.constant 0 : i32
      %dma_wait3A_36 = arith.constant 0 : i32
      %dma_wait3A_37 = tpu.memref_slice %arg3[%arg1, %dma_wait3A, %dma_wait3A_36] : memref<16x158x128xi32, #tpu.memory_space<hbm>> -> memref<1x158x128xi32, #tpu.memory_space<hbm>>
      %dma_wait3A_38 = tpu.memref_squeeze %dma_wait3A_37 : memref<1x158x128xi32, #tpu.memory_space<hbm>> -> memref<158x128xi32, #tpu.memory_space<hbm>>
      %dma_wait3A_39 = arith.constant 0 : i32
      %dma_wait3A_40 = arith.constant 0 : i32
      %dma_wait3A_41 = tpu.memref_slice %arg3[%arg1, %dma_wait3A_39, %dma_wait3A_40] : memref<16x158x128xi32, #tpu.memory_space<hbm>> -> memref<1x158x128xi32, #tpu.memory_space<hbm>>
      %dma_wait3A_42 = tpu.memref_squeeze %dma_wait3A_41 : memref<1x158x128xi32, #tpu.memory_space<hbm>> -> memref<158x128xi32, #tpu.memory_space<hbm>>
      tpu.wait_dma2 semaphore(%run_scoped3A : memref<!tpu.dma_semaphore, #tpu.memory_space<semaphore_mem>>) src(%dma_wait3A_42 : memref<158x128xi32, #tpu.memory_space<hbm>>) dst(%arg7 : memref<158x128xi32, #tpu.memory_space<vmem>>)
      tpu.yield
    }) : () -> ()
    "tpu.region"() ({
      %run_scoped3A = tpu.sem_alloc : memref<!tpu.dma_semaphore, #tpu.memory_space<semaphore_mem>>
      %dma_start3A_28 = arith.constant 0 : i32
      %dma_start3A_29 = arith.constant 0 : i32
      %dma_start3A_30 = tpu.memref_slice %arg4[%arg1, %dma_start3A_28, %dma_start3A_29] : memref<16x158x128xi32, #tpu.memory_space<hbm>> -> memref<1x158x128xi32, #tpu.memory_space<hbm>>
      %dma_start3A_31 = tpu.memref_squeeze %dma_start3A_30 : memref<1x158x128xi32, #tpu.memory_space<hbm>> -> memref<158x128xi32, #tpu.memory_space<hbm>>
      %dma_start3A_32 = arith.constant 0 : i32
      %dma_start3A_33 = arith.constant 0 : i32
      %dma_start3A_34 = tpu.memref_slice %arg4[%arg1, %dma_start3A_32, %dma_start3A_33] : memref<16x158x128xi32, #tpu.memory_space<hbm>> -> memref<1x158x128xi32, #tpu.memory_space<hbm>>
      %dma_start3A_35 = tpu.memref_squeeze %dma_start3A_34 : memref<1x158x128xi32, #tpu.memory_space<hbm>> -> memref<158x128xi32, #tpu.memory_space<hbm>>
      tpu.enqueue_dma source(%dma_start3A_35 : memref<158x128xi32, #tpu.memory_space<hbm>>) target(%arg8 : memref<158x128xi32, #tpu.memory_space<vmem>>) target_semaphore(%run_scoped3A : memref<!tpu.dma_semaphore, #tpu.memory_space<semaphore_mem>>)
      %dma_wait3A = arith.constant 0 : i32
      %dma_wait3A_36 = arith.constant 0 : i32
      %dma_wait3A_37 = tpu.memref_slice %arg4[%arg1, %dma_wait3A, %dma_wait3A_36] : memref<16x158x128xi32, #tpu.memory_space<hbm>> -> memref<1x158x128xi32, #tpu.memory_space<hbm>>
      %dma_wait3A_38 = tpu.memref_squeeze %dma_wait3A_37 : memref<1x158x128xi32, #tpu.memory_space<hbm>> -> memref<158x128xi32, #tpu.memory_space<hbm>>
      %dma_wait3A_39 = arith.constant 0 : i32
      %dma_wait3A_40 = arith.constant 0 : i32
      %dma_wait3A_41 = tpu.memref_slice %arg4[%arg1, %dma_wait3A_39, %dma_wait3A_40] : memref<16x158x128xi32, #tpu.memory_space<hbm>> -> memref<1x158x128xi32, #tpu.memory_space<hbm>>
      %dma_wait3A_42 = tpu.memref_squeeze %dma_wait3A_41 : memref<1x158x128xi32, #tpu.memory_space<hbm>> -> memref<158x128xi32, #tpu.memory_space<hbm>>
      tpu.wait_dma2 semaphore(%run_scoped3A : memref<!tpu.dma_semaphore, #tpu.memory_space<semaphore_mem>>) src(%dma_wait3A_42 : memref<158x128xi32, #tpu.memory_space<hbm>>) dst(%arg8 : memref<158x128xi32, #tpu.memory_space<vmem>>)
      tpu.yield
    }) : () -> ()
    %mul3A = arith.constant 624 : i32
    %mul3A_0 = arith.muli %arg1, %mul3A : i32
    "tpu.region"() ({
      %run_scoped3A = tpu.sem_alloc : memref<!tpu.dma_semaphore, #tpu.memory_space<semaphore_mem>>
      %dma_start3A_28 = arith.constant 0 : i32
      %dma_start3A_29 = tpu.memref_slice %arg11[%mul3A_0, %dma_start3A_28] : memref<10512x64xf32, #tpu.memory_space<vmem_shared>> -> memref<624x64xf32, #tpu.memory_space<vmem_shared>>
      tpu.enqueue_dma source(%arg5 : memref<624x64xf32, #tpu.memory_space<hbm>>) target(%dma_start3A_29 : memref<624x64xf32, #tpu.memory_space<vmem_shared>>) target_semaphore(%run_scoped3A : memref<!tpu.dma_semaphore, #tpu.memory_space<semaphore_mem>>)
      %dma_wait3A = arith.constant 0 : i32
      %dma_wait3A_30 = tpu.memref_slice %arg11[%mul3A_0, %dma_wait3A] : memref<10512x64xf32, #tpu.memory_space<vmem_shared>> -> memref<624x64xf32, #tpu.memory_space<vmem_shared>>
      tpu.wait_dma2 semaphore(%run_scoped3A : memref<!tpu.dma_semaphore, #tpu.memory_space<semaphore_mem>>) src(%arg5 : memref<624x64xf32, #tpu.memory_space<hbm>>) dst(%dma_wait3A_30 : memref<624x64xf32, #tpu.memory_space<vmem_shared>>)
      tpu.yield
    }) : () -> ()
    %eq3A = arith.constant 15 : i32
    %eq3A_1 = arith.cmpi eq, %arg1, %eq3A : i32
    %convert_element_type3A = arith.extui %eq3A_1 : i1 to i32
    %cond3A = arith.constant 0 : i32
    %cond3A_2 = arith.cmpi ne, %convert_element_type3A, %cond3A : i32
    scf.if %cond3A_2 {
      "tpu.region"() ({
        %run_scoped3A = tpu.sem_alloc : memref<!tpu.dma_semaphore, #tpu.memory_space<semaphore_mem>>
        %dma_start3A_28 = arith.constant 9984 : i32
        %dma_start3A_29 = arith.constant 0 : i32
        %dma_start3A_30 = tpu.memref_slice %arg11[%dma_start3A_28, %dma_start3A_29] : memref<10512x64xf32, #tpu.memory_space<vmem_shared>> -> memref<528x64xf32, #tpu.memory_space<vmem_shared>>
        %dma_start3A_31 = arith.constant 0 : i32
        %dma_start3A_32 = arith.constant 0 : i32
        %dma_start3A_33 = tpu.memref_slice %arg5[%dma_start3A_31, %dma_start3A_32] : memref<624x64xf32, #tpu.memory_space<hbm>> -> memref<528x64xf32, #tpu.memory_space<hbm>>
        tpu.enqueue_dma source(%dma_start3A_33 : memref<528x64xf32, #tpu.memory_space<hbm>>) target(%dma_start3A_30 : memref<528x64xf32, #tpu.memory_space<vmem_shared>>) target_semaphore(%run_scoped3A : memref<!tpu.dma_semaphore, #tpu.memory_space<semaphore_mem>>)
        %dma_wait3A = arith.constant 9984 : i32
        %dma_wait3A_34 = arith.constant 0 : i32
        %dma_wait3A_35 = tpu.memref_slice %arg11[%dma_wait3A, %dma_wait3A_34] : memref<10512x64xf32, #tpu.memory_space<vmem_shared>> -> memref<528x64xf32, #tpu.memory_space<vmem_shared>>
        %dma_wait3A_36 = arith.constant 0 : i32
        %dma_wait3A_37 = arith.constant 0 : i32
        %dma_wait3A_38 = tpu.memref_slice %arg5[%dma_wait3A_36, %dma_wait3A_37] : memref<624x64xf32, #tpu.memory_space<hbm>> -> memref<528x64xf32, #tpu.memory_space<hbm>>
        tpu.wait_dma2 semaphore(%run_scoped3A : memref<!tpu.dma_semaphore, #tpu.memory_space<semaphore_mem>>) src(%dma_wait3A_38 : memref<528x64xf32, #tpu.memory_space<hbm>>) dst(%dma_wait3A_35 : memref<528x64xf32, #tpu.memory_space<vmem_shared>>)
        tpu.yield
      }) : () -> ()
    } else {
    }
    %barrier3A = arith.constant 0 : index
    tpu.barrier barrier_id(%barrier3A)
    %dma_start3A = arith.constant 0 : i32
    %dma_start3A_3 = arith.constant 0 : i32
    %dma_start3A_4 = tpu.memref_slice %arg7[%dma_start3A, %dma_start3A_3] : memref<158x128xi32, #tpu.memory_space<vmem>> -> memref<1x128xi32, #tpu.memory_space<vmem>>
    %dma_start3A_5 = tpu.memref_squeeze %dma_start3A_4 : memref<1x128xi32, #tpu.memory_space<vmem>> -> memref<128xi32, #tpu.memory_space<vmem>>
    %dma_start3A_6 = arith.constant 0 : i32
    %dma_start3A_7 = arith.constant 0 : i32
    %dma_start3A_8 = tpu.memref_slice %arg2[%arg0, %dma_start3A_6, %dma_start3A_7] : memref<2x10000x64xf32, #tpu.memory_space<hbm>> -> memref<1x10000x64xf32, #tpu.memory_space<hbm>>
    %dma_start3A_9 = tpu.memref_squeeze %dma_start3A_8 : memref<1x10000x64xf32, #tpu.memory_space<hbm>> -> memref<10000x64xf32, #tpu.memory_space<hbm>>
    %dma_start3A_10 = arith.constant 0 : i32
    %dma_start3A_11 = arith.constant 0 : i32
    %dma_start3A_12 = tpu.memref_slice %dma_start3A_9[%dma_start3A_10, %dma_start3A_11] : memref<10000x64xf32, #tpu.memory_space<hbm>> -> memref<10000x64xf32, #tpu.memory_space<hbm>>
    tpu.enqueue_indirect_dma source(%dma_start3A_12 : memref<10000x64xf32, #tpu.memory_space<hbm>>) target(%arg9 : memref<128x64xf32, #tpu.memory_space<vmem>>) offsets(%dma_start3A_5 : memref<128xi32, #tpu.memory_space<vmem>>) semaphore(%arg12 : memref<!tpu.dma_semaphore, #tpu.memory_space<semaphore_mem>>)
    %scan3A = arith.constant 0 : i32
    %scan3A_13 = arith.constant 79 : i32
    %scan3A_14 = arith.addi %scan3A, %scan3A_13 : i32
    %scan3A_15 = arith.constant 1 : i32
    scf.for %scan3A_28 = %scan3A to %scan3A_14 step %scan3A_15  : i32 {
      %mul3A_29 = arith.constant 2 : i32
      %mul3A_30 = arith.muli %scan3A_28, %mul3A_29 : i32
      %add3A = arith.constant 0 : i32
      %add3A_31 = arith.addi %add3A, %mul3A_30 : i32
      %add3A_32 = arith.constant 1 : i32
      %add3A_33 = arith.addi %add3A_31, %add3A_32 : i32
      %dma_start3A_34 = arith.constant 0 : i32
      %dma_start3A_35 = tpu.memref_slice %arg7[%add3A_33, %dma_start3A_34] : memref<158x128xi32, #tpu.memory_space<vmem>> -> memref<1x128xi32, #tpu.memory_space<vmem>>
      %dma_start3A_36 = tpu.memref_squeeze %dma_start3A_35 : memref<1x128xi32, #tpu.memory_space<vmem>> -> memref<128xi32, #tpu.memory_space<vmem>>
      %dma_start3A_37 = arith.constant 0 : i32
      %dma_start3A_38 = arith.constant 0 : i32
      %dma_start3A_39 = tpu.memref_slice %arg2[%arg0, %dma_start3A_37, %dma_start3A_38] : memref<2x10000x64xf32, #tpu.memory_space<hbm>> -> memref<1x10000x64xf32, #tpu.memory_space<hbm>>
      %dma_start3A_40 = tpu.memref_squeeze %dma_start3A_39 : memref<1x10000x64xf32, #tpu.memory_space<hbm>> -> memref<10000x64xf32, #tpu.memory_space<hbm>>
      %dma_start3A_41 = arith.constant 0 : i32
      %dma_start3A_42 = arith.constant 0 : i32
      %dma_start3A_43 = tpu.memref_slice %dma_start3A_40[%dma_start3A_41, %dma_start3A_42] : memref<10000x64xf32, #tpu.memory_space<hbm>> -> memref<10000x64xf32, #tpu.memory_space<hbm>>
      tpu.enqueue_indirect_dma source(%dma_start3A_43 : memref<10000x64xf32, #tpu.memory_space<hbm>>) target(%arg10 : memref<128x64xf32, #tpu.memory_space<vmem>>) offsets(%dma_start3A_36 : memref<128xi32, #tpu.memory_space<vmem>>) semaphore(%arg13 : memref<!tpu.dma_semaphore, #tpu.memory_space<semaphore_mem>>)
      %dma_wait3A = arith.constant 0 : i32
      %dma_wait3A_44 = tpu.memref_slice %arg7[%add3A_31, %dma_wait3A] : memref<158x128xi32, #tpu.memory_space<vmem>> -> memref<1x128xi32, #tpu.memory_space<vmem>>
      %dma_wait3A_45 = tpu.memref_squeeze %dma_wait3A_44 : memref<1x128xi32, #tpu.memory_space<vmem>> -> memref<128xi32, #tpu.memory_space<vmem>>
      %dma_wait3A_46 = arith.constant 0 : i32
      %dma_wait3A_47 = arith.constant 0 : i32
      %dma_wait3A_48 = tpu.memref_slice %arg2[%arg0, %dma_wait3A_46, %dma_wait3A_47] : memref<2x10000x64xf32, #tpu.memory_space<hbm>> -> memref<1x10000x64xf32, #tpu.memory_space<hbm>>
      %dma_wait3A_49 = tpu.memref_squeeze %dma_wait3A_48 : memref<1x10000x64xf32, #tpu.memory_space<hbm>> -> memref<10000x64xf32, #tpu.memory_space<hbm>>
      %dma_wait3A_50 = arith.constant 0 : i32
      %dma_wait3A_51 = arith.constant 0 : i32
      %dma_wait3A_52 = tpu.memref_slice %dma_wait3A_49[%dma_wait3A_50, %dma_wait3A_51] : memref<10000x64xf32, #tpu.memory_space<hbm>> -> memref<10000x64xf32, #tpu.memory_space<hbm>>
      tpu.wait_indirect_dma semaphore(%arg12 : memref<!tpu.dma_semaphore, #tpu.memory_space<semaphore_mem>>) src(%dma_wait3A_52 : memref<10000x64xf32, #tpu.memory_space<hbm>>) dst(%arg9 : memref<128x64xf32, #tpu.memory_space<vmem>>)
      "tpu.region"() ({
        %run_scoped3A = tpu.sem_alloc : memref<!tpu.dma_semaphore, #tpu.memory_space<semaphore_mem>>
        %dma_start3A_73 = arith.constant 0 : i32
        %dma_start3A_74 = tpu.memref_slice %arg8[%add3A_31, %dma_start3A_73] : memref<158x128xi32, #tpu.memory_space<vmem>> -> memref<1x128xi32, #tpu.memory_space<vmem>>
        %dma_start3A_75 = tpu.memref_squeeze %dma_start3A_74 : memref<1x128xi32, #tpu.memory_space<vmem>> -> memref<128xi32, #tpu.memory_space<vmem>>
        %dma_start3A_76 = arith.constant 0 : i32
        %dma_start3A_77 = arith.constant 0 : i32
        %dma_start3A_78 = tpu.memref_slice %arg11[%dma_start3A_76, %dma_start3A_77] : memref<10512x64xf32, #tpu.memory_space<vmem_shared>> -> memref<10512x64xf32, #tpu.memory_space<vmem_shared>>
        tpu.enqueue_indirect_dma source(%arg9 : memref<128x64xf32, #tpu.memory_space<vmem>>) target(%dma_start3A_78 : memref<10512x64xf32, #tpu.memory_space<vmem_shared>>) offsets(%dma_start3A_75 : memref<128xi32, #tpu.memory_space<vmem>>) semaphore(%run_scoped3A : memref<!tpu.dma_semaphore, #tpu.memory_space<semaphore_mem>>) {add = true}
        %dma_wait3A_79 = arith.constant 0 : i32
        %dma_wait3A_80 = tpu.memref_slice %arg8[%add3A_31, %dma_wait3A_79] : memref<158x128xi32, #tpu.memory_space<vmem>> -> memref<1x128xi32, #tpu.memory_space<vmem>>
        %dma_wait3A_81 = tpu.memref_squeeze %dma_wait3A_80 : memref<1x128xi32, #tpu.memory_space<vmem>> -> memref<128xi32, #tpu.memory_space<vmem>>
        %dma_wait3A_82 = arith.constant 0 : i32
        %dma_wait3A_83 = arith.constant 0 : i32
        %dma_wait3A_84 = tpu.memref_slice %arg11[%dma_wait3A_82, %dma_wait3A_83] : memref<10512x64xf32, #tpu.memory_space<vmem_shared>> -> memref<10512x64xf32, #tpu.memory_space<vmem_shared>>
        tpu.wait_indirect_dma semaphore(%run_scoped3A : memref<!tpu.dma_semaphore, #tpu.memory_space<semaphore_mem>>) src(%arg9 : memref<128x64xf32, #tpu.memory_space<vmem>>) dst(%dma_wait3A_84 : memref<10512x64xf32, #tpu.memory_space<vmem_shared>>)
        tpu.yield
      }) : () -> ()
      %add3A_53 = arith.constant 2 : i32
      %add3A_54 = arith.addi %add3A_31, %add3A_53 : i32
      %lt3A = arith.constant 158 : i32
      %lt3A_55 = arith.cmpi slt, %add3A_54, %lt3A : i32
      %convert_element_type3A_56 = arith.extui %lt3A_55 : i1 to i32
      %cond3A_57 = arith.constant 0 : i32
      %cond3A_58 = arith.cmpi ne, %convert_element_type3A_56, %cond3A_57 : i32
      scf.if %cond3A_58 {
        %add3A_73 = arith.constant 2 : i32
        %add3A_74 = arith.addi %add3A_31, %add3A_73 : i32
        %dma_start3A_75 = arith.constant 0 : i32
        %dma_start3A_76 = tpu.memref_slice %arg7[%add3A_74, %dma_start3A_75] : memref<158x128xi32, #tpu.memory_space<vmem>> -> memref<1x128xi32, #tpu.memory_space<vmem>>
        %dma_start3A_77 = tpu.memref_squeeze %dma_start3A_76 : memref<1x128xi32, #tpu.memory_space<vmem>> -> memref<128xi32, #tpu.memory_space<vmem>>
        %dma_start3A_78 = arith.constant 0 : i32
        %dma_start3A_79 = arith.constant 0 : i32
        %dma_start3A_80 = tpu.memref_slice %arg2[%arg0, %dma_start3A_78, %dma_start3A_79] : memref<2x10000x64xf32, #tpu.memory_space<hbm>> -> memref<1x10000x64xf32, #tpu.memory_space<hbm>>
        %dma_start3A_81 = tpu.memref_squeeze %dma_start3A_80 : memref<1x10000x64xf32, #tpu.memory_space<hbm>> -> memref<10000x64xf32, #tpu.memory_space<hbm>>
        %dma_start3A_82 = arith.constant 0 : i32
        %dma_start3A_83 = arith.constant 0 : i32
        %dma_start3A_84 = tpu.memref_slice %dma_start3A_81[%dma_start3A_82, %dma_start3A_83] : memref<10000x64xf32, #tpu.memory_space<hbm>> -> memref<10000x64xf32, #tpu.memory_space<hbm>>
        tpu.enqueue_indirect_dma source(%dma_start3A_84 : memref<10000x64xf32, #tpu.memory_space<hbm>>) target(%arg9 : memref<128x64xf32, #tpu.memory_space<vmem>>) offsets(%dma_start3A_77 : memref<128xi32, #tpu.memory_space<vmem>>) semaphore(%arg12 : memref<!tpu.dma_semaphore, #tpu.memory_space<semaphore_mem>>)
      } else {
      }
      %add3A_59 = arith.constant 1 : i32
      %add3A_60 = arith.addi %add3A_31, %add3A_59 : i32
      %dma_wait3A_61 = arith.constant 0 : i32
      %dma_wait3A_62 = tpu.memref_slice %arg7[%add3A_60, %dma_wait3A_61] : memref<158x128xi32, #tpu.memory_space<vmem>> -> memref<1x128xi32, #tpu.memory_space<vmem>>
      %dma_wait3A_63 = tpu.memref_squeeze %dma_wait3A_62 : memref<1x128xi32, #tpu.memory_space<vmem>> -> memref<128xi32, #tpu.memory_space<vmem>>
      %dma_wait3A_64 = arith.constant 0 : i32
      %dma_wait3A_65 = arith.constant 0 : i32
      %dma_wait3A_66 = tpu.memref_slice %arg2[%arg0, %dma_wait3A_64, %dma_wait3A_65] : memref<2x10000x64xf32, #tpu.memory_space<hbm>> -> memref<1x10000x64xf32, #tpu.memory_space<hbm>>
      %dma_wait3A_67 = tpu.memref_squeeze %dma_wait3A_66 : memref<1x10000x64xf32, #tpu.memory_space<hbm>> -> memref<10000x64xf32, #tpu.memory_space<hbm>>
      %dma_wait3A_68 = arith.constant 0 : i32
      %dma_wait3A_69 = arith.constant 0 : i32
      %dma_wait3A_70 = tpu.memref_slice %dma_wait3A_67[%dma_wait3A_68, %dma_wait3A_69] : memref<10000x64xf32, #tpu.memory_space<hbm>> -> memref<10000x64xf32, #tpu.memory_space<hbm>>
      tpu.wait_indirect_dma semaphore(%arg13 : memref<!tpu.dma_semaphore, #tpu.memory_space<semaphore_mem>>) src(%dma_wait3A_70 : memref<10000x64xf32, #tpu.memory_space<hbm>>) dst(%arg10 : memref<128x64xf32, #tpu.memory_space<vmem>>)
      %add3A_71 = arith.constant 1 : i32
      %add3A_72 = arith.addi %add3A_31, %add3A_71 : i32
      "tpu.region"() ({
        %run_scoped3A = tpu.sem_alloc : memref<!tpu.dma_semaphore, #tpu.memory_space<semaphore_mem>>
        %dma_start3A_73 = arith.constant 0 : i32
        %dma_start3A_74 = tpu.memref_slice %arg8[%add3A_72, %dma_start3A_73] : memref<158x128xi32, #tpu.memory_space<vmem>> -> memref<1x128xi32, #tpu.memory_space<vmem>>
        %dma_start3A_75 = tpu.memref_squeeze %dma_start3A_74 : memref<1x128xi32, #tpu.memory_space<vmem>> -> memref<128xi32, #tpu.memory_space<vmem>>
        %dma_start3A_76 = arith.constant 0 : i32
        %dma_start3A_77 = arith.constant 0 : i32
        %dma_start3A_78 = tpu.memref_slice %arg11[%dma_start3A_76, %dma_start3A_77] : memref<10512x64xf32, #tpu.memory_space<vmem_shared>> -> memref<10512x64xf32, #tpu.memory_space<vmem_shared>>
        tpu.enqueue_indirect_dma source(%arg10 : memref<128x64xf32, #tpu.memory_space<vmem>>) target(%dma_start3A_78 : memref<10512x64xf32, #tpu.memory_space<vmem_shared>>) offsets(%dma_start3A_75 : memref<128xi32, #tpu.memory_space<vmem>>) semaphore(%run_scoped3A : memref<!tpu.dma_semaphore, #tpu.memory_space<semaphore_mem>>) {add = true}
        %dma_wait3A_79 = arith.constant 0 : i32
        %dma_wait3A_80 = tpu.memref_slice %arg8[%add3A_72, %dma_wait3A_79] : memref<158x128xi32, #tpu.memory_space<vmem>> -> memref<1x128xi32, #tpu.memory_space<vmem>>
        %dma_wait3A_81 = tpu.memref_squeeze %dma_wait3A_80 : memref<1x128xi32, #tpu.memory_space<vmem>> -> memref<128xi32, #tpu.memory_space<vmem>>
        %dma_wait3A_82 = arith.constant 0 : i32
        %dma_wait3A_83 = arith.constant 0 : i32
        %dma_wait3A_84 = tpu.memref_slice %arg11[%dma_wait3A_82, %dma_wait3A_83] : memref<10512x64xf32, #tpu.memory_space<vmem_shared>> -> memref<10512x64xf32, #tpu.memory_space<vmem_shared>>
        tpu.wait_indirect_dma semaphore(%run_scoped3A : memref<!tpu.dma_semaphore, #tpu.memory_space<semaphore_mem>>) src(%arg10 : memref<128x64xf32, #tpu.memory_space<vmem>>) dst(%dma_wait3A_84 : memref<10512x64xf32, #tpu.memory_space<vmem_shared>>)
        tpu.yield
      }) : () -> ()
    }
    %scan3A_16 = arith.constant 79 : i32
    %barrier3A_17 = arith.constant 0 : index
    tpu.barrier barrier_id(%barrier3A_17)
    %scan3A_18 = arith.constant 0 : i32
    %scan3A_19 = arith.constant 6 : i32
    %scan3A_20 = arith.addi %scan3A_18, %scan3A_19 : i32
    %scan3A_21 = arith.constant 1 : i32
    scf.for %scan3A_28 = %scan3A_18 to %scan3A_20 step %scan3A_21  : i32 {
      %mul3A_29 = arith.constant 1 : i32
      %mul3A_30 = arith.muli %scan3A_28, %mul3A_29 : i32
      %add3A = arith.constant 0 : i32
      %add3A_31 = arith.addi %add3A, %mul3A_30 : i32
      %mul3A_32 = arith.constant 624 : i32
      %mul3A_33 = arith.muli %arg1, %mul3A_32 : i32
      %mul3A_34 = arith.constant 104 : i32
      %mul3A_35 = arith.muli %add3A_31, %mul3A_34 : i32
      %add3A_36 = arith.addi %mul3A_33, %mul3A_35 : i32
      "tpu.region"() ({
        %run_scoped3A = tpu.sem_alloc : memref<!tpu.dma_semaphore, #tpu.memory_space<semaphore_mem>>
        %dma_start3A_37 = arith.constant 0 : i32
        %dma_start3A_38 = arith.constant 0 : i32
        %dma_start3A_39 = tpu.memref_slice %arg9[%dma_start3A_37, %dma_start3A_38] : memref<128x64xf32, #tpu.memory_space<vmem>> -> memref<104x64xf32, #tpu.memory_space<vmem>>
        %dma_start3A_40 = arith.constant 0 : i32
        %dma_start3A_41 = tpu.memref_slice %arg11[%add3A_36, %dma_start3A_40] : memref<10512x64xf32, #tpu.memory_space<vmem_shared>> -> memref<104x64xf32, #tpu.memory_space<vmem_shared>>
        %dma_start3A_42 = arith.constant 0 : i32
        %dma_start3A_43 = arith.constant 0 : i32
        %dma_start3A_44 = tpu.memref_slice %arg9[%dma_start3A_42, %dma_start3A_43] : memref<128x64xf32, #tpu.memory_space<vmem>> -> memref<104x64xf32, #tpu.memory_space<vmem>>
        %dma_start3A_45 = arith.constant 0 : i32
        %dma_start3A_46 = tpu.memref_slice %arg11[%add3A_36, %dma_start3A_45] : memref<10512x64xf32, #tpu.memory_space<vmem_shared>> -> memref<104x64xf32, #tpu.memory_space<vmem_shared>>
        tpu.enqueue_dma source(%dma_start3A_46 : memref<104x64xf32, #tpu.memory_space<vmem_shared>>) target(%dma_start3A_44 : memref<104x64xf32, #tpu.memory_space<vmem>>) target_semaphore(%run_scoped3A : memref<!tpu.dma_semaphore, #tpu.memory_space<semaphore_mem>>)
        %dma_wait3A = arith.constant 0 : i32
        %dma_wait3A_47 = arith.constant 0 : i32
        %dma_wait3A_48 = tpu.memref_slice %arg9[%dma_wait3A, %dma_wait3A_47] : memref<128x64xf32, #tpu.memory_space<vmem>> -> memref<104x64xf32, #tpu.memory_space<vmem>>
        %dma_wait3A_49 = arith.constant 0 : i32
        %dma_wait3A_50 = tpu.memref_slice %arg11[%add3A_36, %dma_wait3A_49] : memref<10512x64xf32, #tpu.memory_space<vmem_shared>> -> memref<104x64xf32, #tpu.memory_space<vmem_shared>>
        %dma_wait3A_51 = arith.constant 0 : i32
        %dma_wait3A_52 = arith.constant 0 : i32
        %dma_wait3A_53 = tpu.memref_slice %arg9[%dma_wait3A_51, %dma_wait3A_52] : memref<128x64xf32, #tpu.memory_space<vmem>> -> memref<104x64xf32, #tpu.memory_space<vmem>>
        %dma_wait3A_54 = arith.constant 0 : i32
        %dma_wait3A_55 = tpu.memref_slice %arg11[%add3A_36, %dma_wait3A_54] : memref<10512x64xf32, #tpu.memory_space<vmem_shared>> -> memref<104x64xf32, #tpu.memory_space<vmem_shared>>
        tpu.wait_dma2 semaphore(%run_scoped3A : memref<!tpu.dma_semaphore, #tpu.memory_space<semaphore_mem>>) src(%dma_wait3A_55 : memref<104x64xf32, #tpu.memory_space<vmem_shared>>) dst(%dma_wait3A_53 : memref<104x64xf32, #tpu.memory_space<vmem>>)
        tpu.yield
      }) : () -> ()
      "tpu.region"() ({
        %run_scoped3A = tpu.sem_alloc : memref<!tpu.dma_semaphore, #tpu.memory_space<semaphore_mem>>
        %dma_start3A_37 = arith.constant 0 : i32
        %dma_start3A_38 = arith.constant 0 : i32
        %dma_start3A_39 = tpu.memref_slice %arg9[%dma_start3A_37, %dma_start3A_38] : memref<128x64xf32, #tpu.memory_space<vmem>> -> memref<104x64xf32, #tpu.memory_space<vmem>>
        %dma_start3A_40 = arith.constant 0 : i32
        %dma_start3A_41 = tpu.memref_slice %arg6[%arg0, %add3A_36, %dma_start3A_40] : memref<2x10000x64xf32, #tpu.memory_space<hbm>> -> memref<1x104x64xf32, #tpu.memory_space<hbm>>
        %dma_start3A_42 = tpu.memref_squeeze %dma_start3A_41 : memref<1x104x64xf32, #tpu.memory_space<hbm>> -> memref<104x64xf32, #tpu.memory_space<hbm>>
        %dma_start3A_43 = arith.constant 0 : i32
        %dma_start3A_44 = tpu.memref_slice %arg6[%arg0, %add3A_36, %dma_start3A_43] : memref<2x10000x64xf32, #tpu.memory_space<hbm>> -> memref<1x104x64xf32, #tpu.memory_space<hbm>>
        %dma_start3A_45 = tpu.memref_squeeze %dma_start3A_44 : memref<1x104x64xf32, #tpu.memory_space<hbm>> -> memref<104x64xf32, #tpu.memory_space<hbm>>
        %dma_start3A_46 = arith.constant 0 : i32
        %dma_start3A_47 = arith.constant 0 : i32
        %dma_start3A_48 = tpu.memref_slice %arg9[%dma_start3A_46, %dma_start3A_47] : memref<128x64xf32, #tpu.memory_space<vmem>> -> memref<104x64xf32, #tpu.memory_space<vmem>>
        tpu.enqueue_dma source(%dma_start3A_48 : memref<104x64xf32, #tpu.memory_space<vmem>>) target(%dma_start3A_45 : memref<104x64xf32, #tpu.memory_space<hbm>>) target_semaphore(%run_scoped3A : memref<!tpu.dma_semaphore, #tpu.memory_space<semaphore_mem>>)
        %dma_wait3A = arith.constant 0 : i32
        %dma_wait3A_49 = arith.constant 0 : i32
        %dma_wait3A_50 = tpu.memref_slice %arg9[%dma_wait3A, %dma_wait3A_49] : memref<128x64xf32, #tpu.memory_space<vmem>> -> memref<104x64xf32, #tpu.memory_space<vmem>>
        %dma_wait3A_51 = arith.constant 0 : i32
        %dma_wait3A_52 = tpu.memref_slice %arg6[%arg0, %add3A_36, %dma_wait3A_51] : memref<2x10000x64xf32, #tpu.memory_space<hbm>> -> memref<1x104x64xf32, #tpu.memory_space<hbm>>
        %dma_wait3A_53 = tpu.memref_squeeze %dma_wait3A_52 : memref<1x104x64xf32, #tpu.memory_space<hbm>> -> memref<104x64xf32, #tpu.memory_space<hbm>>
        %dma_wait3A_54 = arith.constant 0 : i32
        %dma_wait3A_55 = tpu.memref_slice %arg6[%arg0, %add3A_36, %dma_wait3A_54] : memref<2x10000x64xf32, #tpu.memory_space<hbm>> -> memref<1x104x64xf32, #tpu.memory_space<hbm>>
        %dma_wait3A_56 = tpu.memref_squeeze %dma_wait3A_55 : memref<1x104x64xf32, #tpu.memory_space<hbm>> -> memref<104x64xf32, #tpu.memory_space<hbm>>
        %dma_wait3A_57 = arith.constant 0 : i32
        %dma_wait3A_58 = arith.constant 0 : i32
        %dma_wait3A_59 = tpu.memref_slice %arg9[%dma_wait3A_57, %dma_wait3A_58] : memref<128x64xf32, #tpu.memory_space<vmem>> -> memref<104x64xf32, #tpu.memory_space<vmem>>
        tpu.wait_dma2 semaphore(%run_scoped3A : memref<!tpu.dma_semaphore, #tpu.memory_space<semaphore_mem>>) src(%dma_wait3A_59 : memref<104x64xf32, #tpu.memory_space<vmem>>) dst(%dma_wait3A_56 : memref<104x64xf32, #tpu.memory_space<hbm>>)
        tpu.yield
      }) : () -> ()
    }
    %scan3A_22 = arith.constant 6 : i32
    %eq3A_23 = arith.constant 15 : i32
    %eq3A_24 = arith.cmpi eq, %arg1, %eq3A_23 : i32
    %convert_element_type3A_25 = arith.extui %eq3A_24 : i1 to i32
    %cond3A_26 = arith.constant 0 : i32
    %cond3A_27 = arith.cmpi ne, %convert_element_type3A_25, %cond3A_26 : i32
    scf.if %cond3A_27 {
      "tpu.region"() ({
        %run_scoped3A = tpu.sem_alloc : memref<!tpu.dma_semaphore, #tpu.memory_space<semaphore_mem>>
        %dma_start3A_28 = arith.constant 0 : i32
        %dma_start3A_29 = arith.constant 0 : i32
        %dma_start3A_30 = tpu.memref_slice %arg9[%dma_start3A_28, %dma_start3A_29] : memref<128x64xf32, #tpu.memory_space<vmem>> -> memref<16x64xf32, #tpu.memory_space<vmem>>
        %dma_start3A_31 = arith.constant 9984 : i32
        %dma_start3A_32 = arith.constant 0 : i32
        %dma_start3A_33 = tpu.memref_slice %arg11[%dma_start3A_31, %dma_start3A_32] : memref<10512x64xf32, #tpu.memory_space<vmem_shared>> -> memref<16x64xf32, #tpu.memory_space<vmem_shared>>
        %dma_start3A_34 = arith.constant 0 : i32
        %dma_start3A_35 = arith.constant 0 : i32
        %dma_start3A_36 = tpu.memref_slice %arg9[%dma_start3A_34, %dma_start3A_35] : memref<128x64xf32, #tpu.memory_space<vmem>> -> memref<16x64xf32, #tpu.memory_space<vmem>>
        %dma_start3A_37 = arith.constant 9984 : i32
        %dma_start3A_38 = arith.constant 0 : i32
        %dma_start3A_39 = tpu.memref_slice %arg11[%dma_start3A_37, %dma_start3A_38] : memref<10512x64xf32, #tpu.memory_space<vmem_shared>> -> memref<16x64xf32, #tpu.memory_space<vmem_shared>>
        tpu.enqueue_dma source(%dma_start3A_39 : memref<16x64xf32, #tpu.memory_space<vmem_shared>>) target(%dma_start3A_36 : memref<16x64xf32, #tpu.memory_space<vmem>>) target_semaphore(%run_scoped3A : memref<!tpu.dma_semaphore, #tpu.memory_space<semaphore_mem>>)
        %dma_wait3A = arith.constant 0 : i32
        %dma_wait3A_40 = arith.constant 0 : i32
        %dma_wait3A_41 = tpu.memref_slice %arg9[%dma_wait3A, %dma_wait3A_40] : memref<128x64xf32, #tpu.memory_space<vmem>> -> memref<16x64xf32, #tpu.memory_space<vmem>>
        %dma_wait3A_42 = arith.constant 9984 : i32
        %dma_wait3A_43 = arith.constant 0 : i32
        %dma_wait3A_44 = tpu.memref_slice %arg11[%dma_wait3A_42, %dma_wait3A_43] : memref<10512x64xf32, #tpu.memory_space<vmem_shared>> -> memref<16x64xf32, #tpu.memory_space<vmem_shared>>
        %dma_wait3A_45 = arith.constant 0 : i32
        %dma_wait3A_46 = arith.constant 0 : i32
        %dma_wait3A_47 = tpu.memref_slice %arg9[%dma_wait3A_45, %dma_wait3A_46] : memref<128x64xf32, #tpu.memory_space<vmem>> -> memref<16x64xf32, #tpu.memory_space<vmem>>
        %dma_wait3A_48 = arith.constant 9984 : i32
        %dma_wait3A_49 = arith.constant 0 : i32
        %dma_wait3A_50 = tpu.memref_slice %arg11[%dma_wait3A_48, %dma_wait3A_49] : memref<10512x64xf32, #tpu.memory_space<vmem_shared>> -> memref<16x64xf32, #tpu.memory_space<vmem_shared>>
        tpu.wait_dma2 semaphore(%run_scoped3A : memref<!tpu.dma_semaphore, #tpu.memory_space<semaphore_mem>>) src(%dma_wait3A_50 : memref<16x64xf32, #tpu.memory_space<vmem_shared>>) dst(%dma_wait3A_47 : memref<16x64xf32, #tpu.memory_space<vmem>>)
        tpu.yield
      }) : () -> ()
      "tpu.region"() ({
        %run_scoped3A = tpu.sem_alloc : memref<!tpu.dma_semaphore, #tpu.memory_space<semaphore_mem>>
        %dma_start3A_28 = arith.constant 0 : i32
        %dma_start3A_29 = arith.constant 0 : i32
        %dma_start3A_30 = tpu.memref_slice %arg9[%dma_start3A_28, %dma_start3A_29] : memref<128x64xf32, #tpu.memory_space<vmem>> -> memref<16x64xf32, #tpu.memory_space<vmem>>
        %dma_start3A_31 = arith.constant 9984 : i32
        %dma_start3A_32 = arith.constant 0 : i32
        %dma_start3A_33 = tpu.memref_slice %arg6[%arg0, %dma_start3A_31, %dma_start3A_32] : memref<2x10000x64xf32, #tpu.memory_space<hbm>> -> memref<1x16x64xf32, #tpu.memory_space<hbm>>
        %dma_start3A_34 = tpu.memref_squeeze %dma_start3A_33 : memref<1x16x64xf32, #tpu.memory_space<hbm>> -> memref<16x64xf32, #tpu.memory_space<hbm>>
        %dma_start3A_35 = arith.constant 9984 : i32
        %dma_start3A_36 = arith.constant 0 : i32
        %dma_start3A_37 = tpu.memref_slice %arg6[%arg0, %dma_start3A_35, %dma_start3A_36] : memref<2x10000x64xf32, #tpu.memory_space<hbm>> -> memref<1x16x64xf32, #tpu.memory_space<hbm>>
        %dma_start3A_38 = tpu.memref_squeeze %dma_start3A_37 : memref<1x16x64xf32, #tpu.memory_space<hbm>> -> memref<16x64xf32, #tpu.memory_space<hbm>>
        %dma_start3A_39 = arith.constant 0 : i32
        %dma_start3A_40 = arith.constant 0 : i32
        %dma_start3A_41 = tpu.memref_slice %arg9[%dma_start3A_39, %dma_start3A_40] : memref<128x64xf32, #tpu.memory_space<vmem>> -> memref<16x64xf32, #tpu.memory_space<vmem>>
        tpu.enqueue_dma source(%dma_start3A_41 : memref<16x64xf32, #tpu.memory_space<vmem>>) target(%dma_start3A_38 : memref<16x64xf32, #tpu.memory_space<hbm>>) target_semaphore(%run_scoped3A : memref<!tpu.dma_semaphore, #tpu.memory_space<semaphore_mem>>)
        %dma_wait3A = arith.constant 0 : i32
        %dma_wait3A_42 = arith.constant 0 : i32
        %dma_wait3A_43 = tpu.memref_slice %arg9[%dma_wait3A, %dma_wait3A_42] : memref<128x64xf32, #tpu.memory_space<vmem>> -> memref<16x64xf32, #tpu.memory_space<vmem>>
        %dma_wait3A_44 = arith.constant 9984 : i32
        %dma_wait3A_45 = arith.constant 0 : i32
        %dma_wait3A_46 = tpu.memref_slice %arg6[%arg0, %dma_wait3A_44, %dma_wait3A_45] : memref<2x10000x64xf32, #tpu.memory_space<hbm>> -> memref<1x16x64xf32, #tpu.memory_space<hbm>>
        %dma_wait3A_47 = tpu.memref_squeeze %dma_wait3A_46 : memref<1x16x64xf32, #tpu.memory_space<hbm>> -> memref<16x64xf32, #tpu.memory_space<hbm>>
        %dma_wait3A_48 = arith.constant 9984 : i32
        %dma_wait3A_49 = arith.constant 0 : i32
        %dma_wait3A_50 = tpu.memref_slice %arg6[%arg0, %dma_wait3A_48, %dma_wait3A_49] : memref<2x10000x64xf32, #tpu.memory_space<hbm>> -> memref<1x16x64xf32, #tpu.memory_space<hbm>>
        %dma_wait3A_51 = tpu.memref_squeeze %dma_wait3A_50 : memref<1x16x64xf32, #tpu.memory_space<hbm>> -> memref<16x64xf32, #tpu.memory_space<hbm>>
        %dma_wait3A_52 = arith.constant 0 : i32
        %dma_wait3A_53 = arith.constant 0 : i32
        %dma_wait3A_54 = tpu.memref_slice %arg9[%dma_wait3A_52, %dma_wait3A_53] : memref<128x64xf32, #tpu.memory_space<vmem>> -> memref<16x64xf32, #tpu.memory_space<vmem>>
        tpu.wait_dma2 semaphore(%run_scoped3A : memref<!tpu.dma_semaphore, #tpu.memory_space<semaphore_mem>>) src(%dma_wait3A_54 : memref<16x64xf32, #tpu.memory_space<vmem>>) dst(%dma_wait3A_51 : memref<16x64xf32, #tpu.memory_space<hbm>>)
        tpu.yield
      }) : () -> ()
    } else {
    }
    return
  }
}

#map = affine_map<(d0, d1) -> (0, 0, 0)>
#map1 = affine_map<(d0, d1) -> (0, 0)>
module attributes {stable_mosaic.version = 14 : i64} {
  func.func @_agg_body(%arg0: i32, %arg1: i32, %arg2: memref<2x10000x32xf32, #tpu.memory_space<hbm>>, %arg3: memref<16x158x128xi32, #tpu.memory_space<hbm>>, %arg4: memref<16x158x128xi32, #tpu.memory_space<hbm>>, %arg5: memref<624x32xf32, #tpu.memory_space<hbm>>, %arg6: memref<2x10000x32xf32, #tpu.memory_space<hbm>>, %arg7: memref<158x128xi32, #tpu.memory_space<vmem>>, %arg8: memref<158x128xi32, #tpu.memory_space<vmem>>, %arg9: memref<128x32xf32, #tpu.memory_space<vmem>>, %arg10: memref<128x32xf32, #tpu.memory_space<vmem>>, %arg11: memref<10512x32xf32, #tpu.memory_space<vmem_shared>>, %arg12: memref<!tpu.dma_semaphore, #tpu.memory_space<semaphore_mem>>, %arg13: memref<!tpu.dma_semaphore, #tpu.memory_space<semaphore_mem>>) attributes {dimension_semantics = [#tpu.dimension_semantics<core_parallel>, #tpu.dimension_semantics<subcore_parallel>], iteration_bounds = array<i64: 2, 16>, scalar_prefetch = 0 : i64, scratch_operands = 7 : i64, tpu.core_type = #tpu.core_type<sc_vector_subcore>, window_params = [{transform_indices = #map}, {transform_indices = #map}, {transform_indices = #map}, {transform_indices = #map1}, {transform_indices = #map}]} {
    "tpu.region"() ({
      %run_scoped3A = tpu.sem_alloc : memref<!tpu.dma_semaphore, #tpu.memory_space<semaphore_mem>>
      %dma_start3A_28 = arith.constant 0 : i32
      %dma_start3A_29 = arith.constant 0 : i32
      %dma_start3A_30 = tpu.memref_slice %arg3[%arg1, %dma_start3A_28, %dma_start3A_29] : memref<16x158x128xi32, #tpu.memory_space<hbm>> -> memref<1x158x128xi32, #tpu.memory_space<hbm>>
      %dma_start3A_31 = tpu.memref_squeeze %dma_start3A_30 : memref<1x158x128xi32, #tpu.memory_space<hbm>> -> memref<158x128xi32, #tpu.memory_space<hbm>>
      %dma_start3A_32 = arith.constant 0 : i32
      %dma_start3A_33 = arith.constant 0 : i32
      %dma_start3A_34 = tpu.memref_slice %arg3[%arg1, %dma_start3A_32, %dma_start3A_33] : memref<16x158x128xi32, #tpu.memory_space<hbm>> -> memref<1x158x128xi32, #tpu.memory_space<hbm>>
      %dma_start3A_35 = tpu.memref_squeeze %dma_start3A_34 : memref<1x158x128xi32, #tpu.memory_space<hbm>> -> memref<158x128xi32, #tpu.memory_space<hbm>>
      tpu.enqueue_dma source(%dma_start3A_35 : memref<158x128xi32, #tpu.memory_space<hbm>>) target(%arg7 : memref<158x128xi32, #tpu.memory_space<vmem>>) target_semaphore(%run_scoped3A : memref<!tpu.dma_semaphore, #tpu.memory_space<semaphore_mem>>)
      %dma_wait3A = arith.constant 0 : i32
      %dma_wait3A_36 = arith.constant 0 : i32
      %dma_wait3A_37 = tpu.memref_slice %arg3[%arg1, %dma_wait3A, %dma_wait3A_36] : memref<16x158x128xi32, #tpu.memory_space<hbm>> -> memref<1x158x128xi32, #tpu.memory_space<hbm>>
      %dma_wait3A_38 = tpu.memref_squeeze %dma_wait3A_37 : memref<1x158x128xi32, #tpu.memory_space<hbm>> -> memref<158x128xi32, #tpu.memory_space<hbm>>
      %dma_wait3A_39 = arith.constant 0 : i32
      %dma_wait3A_40 = arith.constant 0 : i32
      %dma_wait3A_41 = tpu.memref_slice %arg3[%arg1, %dma_wait3A_39, %dma_wait3A_40] : memref<16x158x128xi32, #tpu.memory_space<hbm>> -> memref<1x158x128xi32, #tpu.memory_space<hbm>>
      %dma_wait3A_42 = tpu.memref_squeeze %dma_wait3A_41 : memref<1x158x128xi32, #tpu.memory_space<hbm>> -> memref<158x128xi32, #tpu.memory_space<hbm>>
      tpu.wait_dma2 semaphore(%run_scoped3A : memref<!tpu.dma_semaphore, #tpu.memory_space<semaphore_mem>>) src(%dma_wait3A_42 : memref<158x128xi32, #tpu.memory_space<hbm>>) dst(%arg7 : memref<158x128xi32, #tpu.memory_space<vmem>>)
      tpu.yield
    }) : () -> ()
    "tpu.region"() ({
      %run_scoped3A = tpu.sem_alloc : memref<!tpu.dma_semaphore, #tpu.memory_space<semaphore_mem>>
      %dma_start3A_28 = arith.constant 0 : i32
      %dma_start3A_29 = arith.constant 0 : i32
      %dma_start3A_30 = tpu.memref_slice %arg4[%arg1, %dma_start3A_28, %dma_start3A_29] : memref<16x158x128xi32, #tpu.memory_space<hbm>> -> memref<1x158x128xi32, #tpu.memory_space<hbm>>
      %dma_start3A_31 = tpu.memref_squeeze %dma_start3A_30 : memref<1x158x128xi32, #tpu.memory_space<hbm>> -> memref<158x128xi32, #tpu.memory_space<hbm>>
      %dma_start3A_32 = arith.constant 0 : i32
      %dma_start3A_33 = arith.constant 0 : i32
      %dma_start3A_34 = tpu.memref_slice %arg4[%arg1, %dma_start3A_32, %dma_start3A_33] : memref<16x158x128xi32, #tpu.memory_space<hbm>> -> memref<1x158x128xi32, #tpu.memory_space<hbm>>
      %dma_start3A_35 = tpu.memref_squeeze %dma_start3A_34 : memref<1x158x128xi32, #tpu.memory_space<hbm>> -> memref<158x128xi32, #tpu.memory_space<hbm>>
      tpu.enqueue_dma source(%dma_start3A_35 : memref<158x128xi32, #tpu.memory_space<hbm>>) target(%arg8 : memref<158x128xi32, #tpu.memory_space<vmem>>) target_semaphore(%run_scoped3A : memref<!tpu.dma_semaphore, #tpu.memory_space<semaphore_mem>>)
      %dma_wait3A = arith.constant 0 : i32
      %dma_wait3A_36 = arith.constant 0 : i32
      %dma_wait3A_37 = tpu.memref_slice %arg4[%arg1, %dma_wait3A, %dma_wait3A_36] : memref<16x158x128xi32, #tpu.memory_space<hbm>> -> memref<1x158x128xi32, #tpu.memory_space<hbm>>
      %dma_wait3A_38 = tpu.memref_squeeze %dma_wait3A_37 : memref<1x158x128xi32, #tpu.memory_space<hbm>> -> memref<158x128xi32, #tpu.memory_space<hbm>>
      %dma_wait3A_39 = arith.constant 0 : i32
      %dma_wait3A_40 = arith.constant 0 : i32
      %dma_wait3A_41 = tpu.memref_slice %arg4[%arg1, %dma_wait3A_39, %dma_wait3A_40] : memref<16x158x128xi32, #tpu.memory_space<hbm>> -> memref<1x158x128xi32, #tpu.memory_space<hbm>>
      %dma_wait3A_42 = tpu.memref_squeeze %dma_wait3A_41 : memref<1x158x128xi32, #tpu.memory_space<hbm>> -> memref<158x128xi32, #tpu.memory_space<hbm>>
      tpu.wait_dma2 semaphore(%run_scoped3A : memref<!tpu.dma_semaphore, #tpu.memory_space<semaphore_mem>>) src(%dma_wait3A_42 : memref<158x128xi32, #tpu.memory_space<hbm>>) dst(%arg8 : memref<158x128xi32, #tpu.memory_space<vmem>>)
      tpu.yield
    }) : () -> ()
    %mul3A = arith.constant 624 : i32
    %mul3A_0 = arith.muli %arg1, %mul3A : i32
    "tpu.region"() ({
      %run_scoped3A = tpu.sem_alloc : memref<!tpu.dma_semaphore, #tpu.memory_space<semaphore_mem>>
      %dma_start3A_28 = arith.constant 0 : i32
      %dma_start3A_29 = tpu.memref_slice %arg11[%mul3A_0, %dma_start3A_28] : memref<10512x32xf32, #tpu.memory_space<vmem_shared>> -> memref<624x32xf32, #tpu.memory_space<vmem_shared>>
      tpu.enqueue_dma source(%arg5 : memref<624x32xf32, #tpu.memory_space<hbm>>) target(%dma_start3A_29 : memref<624x32xf32, #tpu.memory_space<vmem_shared>>) target_semaphore(%run_scoped3A : memref<!tpu.dma_semaphore, #tpu.memory_space<semaphore_mem>>)
      %dma_wait3A = arith.constant 0 : i32
      %dma_wait3A_30 = tpu.memref_slice %arg11[%mul3A_0, %dma_wait3A] : memref<10512x32xf32, #tpu.memory_space<vmem_shared>> -> memref<624x32xf32, #tpu.memory_space<vmem_shared>>
      tpu.wait_dma2 semaphore(%run_scoped3A : memref<!tpu.dma_semaphore, #tpu.memory_space<semaphore_mem>>) src(%arg5 : memref<624x32xf32, #tpu.memory_space<hbm>>) dst(%dma_wait3A_30 : memref<624x32xf32, #tpu.memory_space<vmem_shared>>)
      tpu.yield
    }) : () -> ()
    %eq3A = arith.constant 15 : i32
    %eq3A_1 = arith.cmpi eq, %arg1, %eq3A : i32
    %convert_element_type3A = arith.extui %eq3A_1 : i1 to i32
    %cond3A = arith.constant 0 : i32
    %cond3A_2 = arith.cmpi ne, %convert_element_type3A, %cond3A : i32
    scf.if %cond3A_2 {
      "tpu.region"() ({
        %run_scoped3A = tpu.sem_alloc : memref<!tpu.dma_semaphore, #tpu.memory_space<semaphore_mem>>
        %dma_start3A_28 = arith.constant 9984 : i32
        %dma_start3A_29 = arith.constant 0 : i32
        %dma_start3A_30 = tpu.memref_slice %arg11[%dma_start3A_28, %dma_start3A_29] : memref<10512x32xf32, #tpu.memory_space<vmem_shared>> -> memref<528x32xf32, #tpu.memory_space<vmem_shared>>
        %dma_start3A_31 = arith.constant 0 : i32
        %dma_start3A_32 = arith.constant 0 : i32
        %dma_start3A_33 = tpu.memref_slice %arg5[%dma_start3A_31, %dma_start3A_32] : memref<624x32xf32, #tpu.memory_space<hbm>> -> memref<528x32xf32, #tpu.memory_space<hbm>>
        tpu.enqueue_dma source(%dma_start3A_33 : memref<528x32xf32, #tpu.memory_space<hbm>>) target(%dma_start3A_30 : memref<528x32xf32, #tpu.memory_space<vmem_shared>>) target_semaphore(%run_scoped3A : memref<!tpu.dma_semaphore, #tpu.memory_space<semaphore_mem>>)
        %dma_wait3A = arith.constant 9984 : i32
        %dma_wait3A_34 = arith.constant 0 : i32
        %dma_wait3A_35 = tpu.memref_slice %arg11[%dma_wait3A, %dma_wait3A_34] : memref<10512x32xf32, #tpu.memory_space<vmem_shared>> -> memref<528x32xf32, #tpu.memory_space<vmem_shared>>
        %dma_wait3A_36 = arith.constant 0 : i32
        %dma_wait3A_37 = arith.constant 0 : i32
        %dma_wait3A_38 = tpu.memref_slice %arg5[%dma_wait3A_36, %dma_wait3A_37] : memref<624x32xf32, #tpu.memory_space<hbm>> -> memref<528x32xf32, #tpu.memory_space<hbm>>
        tpu.wait_dma2 semaphore(%run_scoped3A : memref<!tpu.dma_semaphore, #tpu.memory_space<semaphore_mem>>) src(%dma_wait3A_38 : memref<528x32xf32, #tpu.memory_space<hbm>>) dst(%dma_wait3A_35 : memref<528x32xf32, #tpu.memory_space<vmem_shared>>)
        tpu.yield
      }) : () -> ()
    } else {
    }
    %barrier3A = arith.constant 0 : index
    tpu.barrier barrier_id(%barrier3A)
    %dma_start3A = arith.constant 0 : i32
    %dma_start3A_3 = arith.constant 0 : i32
    %dma_start3A_4 = tpu.memref_slice %arg7[%dma_start3A, %dma_start3A_3] : memref<158x128xi32, #tpu.memory_space<vmem>> -> memref<1x128xi32, #tpu.memory_space<vmem>>
    %dma_start3A_5 = tpu.memref_squeeze %dma_start3A_4 : memref<1x128xi32, #tpu.memory_space<vmem>> -> memref<128xi32, #tpu.memory_space<vmem>>
    %dma_start3A_6 = arith.constant 0 : i32
    %dma_start3A_7 = arith.constant 0 : i32
    %dma_start3A_8 = tpu.memref_slice %arg2[%arg0, %dma_start3A_6, %dma_start3A_7] : memref<2x10000x32xf32, #tpu.memory_space<hbm>> -> memref<1x10000x32xf32, #tpu.memory_space<hbm>>
    %dma_start3A_9 = tpu.memref_squeeze %dma_start3A_8 : memref<1x10000x32xf32, #tpu.memory_space<hbm>> -> memref<10000x32xf32, #tpu.memory_space<hbm>>
    %dma_start3A_10 = arith.constant 0 : i32
    %dma_start3A_11 = arith.constant 0 : i32
    %dma_start3A_12 = tpu.memref_slice %dma_start3A_9[%dma_start3A_10, %dma_start3A_11] : memref<10000x32xf32, #tpu.memory_space<hbm>> -> memref<10000x32xf32, #tpu.memory_space<hbm>>
    tpu.enqueue_indirect_dma source(%dma_start3A_12 : memref<10000x32xf32, #tpu.memory_space<hbm>>) target(%arg9 : memref<128x32xf32, #tpu.memory_space<vmem>>) offsets(%dma_start3A_5 : memref<128xi32, #tpu.memory_space<vmem>>) semaphore(%arg12 : memref<!tpu.dma_semaphore, #tpu.memory_space<semaphore_mem>>)
    %scan3A = arith.constant 0 : i32
    %scan3A_13 = arith.constant 79 : i32
    %scan3A_14 = arith.addi %scan3A, %scan3A_13 : i32
    %scan3A_15 = arith.constant 1 : i32
    scf.for %scan3A_28 = %scan3A to %scan3A_14 step %scan3A_15  : i32 {
      %mul3A_29 = arith.constant 2 : i32
      %mul3A_30 = arith.muli %scan3A_28, %mul3A_29 : i32
      %add3A = arith.constant 0 : i32
      %add3A_31 = arith.addi %add3A, %mul3A_30 : i32
      %add3A_32 = arith.constant 1 : i32
      %add3A_33 = arith.addi %add3A_31, %add3A_32 : i32
      %dma_start3A_34 = arith.constant 0 : i32
      %dma_start3A_35 = tpu.memref_slice %arg7[%add3A_33, %dma_start3A_34] : memref<158x128xi32, #tpu.memory_space<vmem>> -> memref<1x128xi32, #tpu.memory_space<vmem>>
      %dma_start3A_36 = tpu.memref_squeeze %dma_start3A_35 : memref<1x128xi32, #tpu.memory_space<vmem>> -> memref<128xi32, #tpu.memory_space<vmem>>
      %dma_start3A_37 = arith.constant 0 : i32
      %dma_start3A_38 = arith.constant 0 : i32
      %dma_start3A_39 = tpu.memref_slice %arg2[%arg0, %dma_start3A_37, %dma_start3A_38] : memref<2x10000x32xf32, #tpu.memory_space<hbm>> -> memref<1x10000x32xf32, #tpu.memory_space<hbm>>
      %dma_start3A_40 = tpu.memref_squeeze %dma_start3A_39 : memref<1x10000x32xf32, #tpu.memory_space<hbm>> -> memref<10000x32xf32, #tpu.memory_space<hbm>>
      %dma_start3A_41 = arith.constant 0 : i32
      %dma_start3A_42 = arith.constant 0 : i32
      %dma_start3A_43 = tpu.memref_slice %dma_start3A_40[%dma_start3A_41, %dma_start3A_42] : memref<10000x32xf32, #tpu.memory_space<hbm>> -> memref<10000x32xf32, #tpu.memory_space<hbm>>
      tpu.enqueue_indirect_dma source(%dma_start3A_43 : memref<10000x32xf32, #tpu.memory_space<hbm>>) target(%arg10 : memref<128x32xf32, #tpu.memory_space<vmem>>) offsets(%dma_start3A_36 : memref<128xi32, #tpu.memory_space<vmem>>) semaphore(%arg13 : memref<!tpu.dma_semaphore, #tpu.memory_space<semaphore_mem>>)
      %dma_wait3A = arith.constant 0 : i32
      %dma_wait3A_44 = tpu.memref_slice %arg7[%add3A_31, %dma_wait3A] : memref<158x128xi32, #tpu.memory_space<vmem>> -> memref<1x128xi32, #tpu.memory_space<vmem>>
      %dma_wait3A_45 = tpu.memref_squeeze %dma_wait3A_44 : memref<1x128xi32, #tpu.memory_space<vmem>> -> memref<128xi32, #tpu.memory_space<vmem>>
      %dma_wait3A_46 = arith.constant 0 : i32
      %dma_wait3A_47 = arith.constant 0 : i32
      %dma_wait3A_48 = tpu.memref_slice %arg2[%arg0, %dma_wait3A_46, %dma_wait3A_47] : memref<2x10000x32xf32, #tpu.memory_space<hbm>> -> memref<1x10000x32xf32, #tpu.memory_space<hbm>>
      %dma_wait3A_49 = tpu.memref_squeeze %dma_wait3A_48 : memref<1x10000x32xf32, #tpu.memory_space<hbm>> -> memref<10000x32xf32, #tpu.memory_space<hbm>>
      %dma_wait3A_50 = arith.constant 0 : i32
      %dma_wait3A_51 = arith.constant 0 : i32
      %dma_wait3A_52 = tpu.memref_slice %dma_wait3A_49[%dma_wait3A_50, %dma_wait3A_51] : memref<10000x32xf32, #tpu.memory_space<hbm>> -> memref<10000x32xf32, #tpu.memory_space<hbm>>
      tpu.wait_indirect_dma semaphore(%arg12 : memref<!tpu.dma_semaphore, #tpu.memory_space<semaphore_mem>>) src(%dma_wait3A_52 : memref<10000x32xf32, #tpu.memory_space<hbm>>) dst(%arg9 : memref<128x32xf32, #tpu.memory_space<vmem>>)
      "tpu.region"() ({
        %run_scoped3A = tpu.sem_alloc : memref<!tpu.dma_semaphore, #tpu.memory_space<semaphore_mem>>
        %dma_start3A_73 = arith.constant 0 : i32
        %dma_start3A_74 = tpu.memref_slice %arg8[%add3A_31, %dma_start3A_73] : memref<158x128xi32, #tpu.memory_space<vmem>> -> memref<1x128xi32, #tpu.memory_space<vmem>>
        %dma_start3A_75 = tpu.memref_squeeze %dma_start3A_74 : memref<1x128xi32, #tpu.memory_space<vmem>> -> memref<128xi32, #tpu.memory_space<vmem>>
        %dma_start3A_76 = arith.constant 0 : i32
        %dma_start3A_77 = arith.constant 0 : i32
        %dma_start3A_78 = tpu.memref_slice %arg11[%dma_start3A_76, %dma_start3A_77] : memref<10512x32xf32, #tpu.memory_space<vmem_shared>> -> memref<10512x32xf32, #tpu.memory_space<vmem_shared>>
        tpu.enqueue_indirect_dma source(%arg9 : memref<128x32xf32, #tpu.memory_space<vmem>>) target(%dma_start3A_78 : memref<10512x32xf32, #tpu.memory_space<vmem_shared>>) offsets(%dma_start3A_75 : memref<128xi32, #tpu.memory_space<vmem>>) semaphore(%run_scoped3A : memref<!tpu.dma_semaphore, #tpu.memory_space<semaphore_mem>>) {add = true}
        %dma_wait3A_79 = arith.constant 0 : i32
        %dma_wait3A_80 = tpu.memref_slice %arg8[%add3A_31, %dma_wait3A_79] : memref<158x128xi32, #tpu.memory_space<vmem>> -> memref<1x128xi32, #tpu.memory_space<vmem>>
        %dma_wait3A_81 = tpu.memref_squeeze %dma_wait3A_80 : memref<1x128xi32, #tpu.memory_space<vmem>> -> memref<128xi32, #tpu.memory_space<vmem>>
        %dma_wait3A_82 = arith.constant 0 : i32
        %dma_wait3A_83 = arith.constant 0 : i32
        %dma_wait3A_84 = tpu.memref_slice %arg11[%dma_wait3A_82, %dma_wait3A_83] : memref<10512x32xf32, #tpu.memory_space<vmem_shared>> -> memref<10512x32xf32, #tpu.memory_space<vmem_shared>>
        tpu.wait_indirect_dma semaphore(%run_scoped3A : memref<!tpu.dma_semaphore, #tpu.memory_space<semaphore_mem>>) src(%arg9 : memref<128x32xf32, #tpu.memory_space<vmem>>) dst(%dma_wait3A_84 : memref<10512x32xf32, #tpu.memory_space<vmem_shared>>)
        tpu.yield
      }) : () -> ()
      %add3A_53 = arith.constant 2 : i32
      %add3A_54 = arith.addi %add3A_31, %add3A_53 : i32
      %lt3A = arith.constant 158 : i32
      %lt3A_55 = arith.cmpi slt, %add3A_54, %lt3A : i32
      %convert_element_type3A_56 = arith.extui %lt3A_55 : i1 to i32
      %cond3A_57 = arith.constant 0 : i32
      %cond3A_58 = arith.cmpi ne, %convert_element_type3A_56, %cond3A_57 : i32
      scf.if %cond3A_58 {
        %add3A_73 = arith.constant 2 : i32
        %add3A_74 = arith.addi %add3A_31, %add3A_73 : i32
        %dma_start3A_75 = arith.constant 0 : i32
        %dma_start3A_76 = tpu.memref_slice %arg7[%add3A_74, %dma_start3A_75] : memref<158x128xi32, #tpu.memory_space<vmem>> -> memref<1x128xi32, #tpu.memory_space<vmem>>
        %dma_start3A_77 = tpu.memref_squeeze %dma_start3A_76 : memref<1x128xi32, #tpu.memory_space<vmem>> -> memref<128xi32, #tpu.memory_space<vmem>>
        %dma_start3A_78 = arith.constant 0 : i32
        %dma_start3A_79 = arith.constant 0 : i32
        %dma_start3A_80 = tpu.memref_slice %arg2[%arg0, %dma_start3A_78, %dma_start3A_79] : memref<2x10000x32xf32, #tpu.memory_space<hbm>> -> memref<1x10000x32xf32, #tpu.memory_space<hbm>>
        %dma_start3A_81 = tpu.memref_squeeze %dma_start3A_80 : memref<1x10000x32xf32, #tpu.memory_space<hbm>> -> memref<10000x32xf32, #tpu.memory_space<hbm>>
        %dma_start3A_82 = arith.constant 0 : i32
        %dma_start3A_83 = arith.constant 0 : i32
        %dma_start3A_84 = tpu.memref_slice %dma_start3A_81[%dma_start3A_82, %dma_start3A_83] : memref<10000x32xf32, #tpu.memory_space<hbm>> -> memref<10000x32xf32, #tpu.memory_space<hbm>>
        tpu.enqueue_indirect_dma source(%dma_start3A_84 : memref<10000x32xf32, #tpu.memory_space<hbm>>) target(%arg9 : memref<128x32xf32, #tpu.memory_space<vmem>>) offsets(%dma_start3A_77 : memref<128xi32, #tpu.memory_space<vmem>>) semaphore(%arg12 : memref<!tpu.dma_semaphore, #tpu.memory_space<semaphore_mem>>)
      } else {
      }
      %add3A_59 = arith.constant 1 : i32
      %add3A_60 = arith.addi %add3A_31, %add3A_59 : i32
      %dma_wait3A_61 = arith.constant 0 : i32
      %dma_wait3A_62 = tpu.memref_slice %arg7[%add3A_60, %dma_wait3A_61] : memref<158x128xi32, #tpu.memory_space<vmem>> -> memref<1x128xi32, #tpu.memory_space<vmem>>
      %dma_wait3A_63 = tpu.memref_squeeze %dma_wait3A_62 : memref<1x128xi32, #tpu.memory_space<vmem>> -> memref<128xi32, #tpu.memory_space<vmem>>
      %dma_wait3A_64 = arith.constant 0 : i32
      %dma_wait3A_65 = arith.constant 0 : i32
      %dma_wait3A_66 = tpu.memref_slice %arg2[%arg0, %dma_wait3A_64, %dma_wait3A_65] : memref<2x10000x32xf32, #tpu.memory_space<hbm>> -> memref<1x10000x32xf32, #tpu.memory_space<hbm>>
      %dma_wait3A_67 = tpu.memref_squeeze %dma_wait3A_66 : memref<1x10000x32xf32, #tpu.memory_space<hbm>> -> memref<10000x32xf32, #tpu.memory_space<hbm>>
      %dma_wait3A_68 = arith.constant 0 : i32
      %dma_wait3A_69 = arith.constant 0 : i32
      %dma_wait3A_70 = tpu.memref_slice %dma_wait3A_67[%dma_wait3A_68, %dma_wait3A_69] : memref<10000x32xf32, #tpu.memory_space<hbm>> -> memref<10000x32xf32, #tpu.memory_space<hbm>>
      tpu.wait_indirect_dma semaphore(%arg13 : memref<!tpu.dma_semaphore, #tpu.memory_space<semaphore_mem>>) src(%dma_wait3A_70 : memref<10000x32xf32, #tpu.memory_space<hbm>>) dst(%arg10 : memref<128x32xf32, #tpu.memory_space<vmem>>)
      %add3A_71 = arith.constant 1 : i32
      %add3A_72 = arith.addi %add3A_31, %add3A_71 : i32
      "tpu.region"() ({
        %run_scoped3A = tpu.sem_alloc : memref<!tpu.dma_semaphore, #tpu.memory_space<semaphore_mem>>
        %dma_start3A_73 = arith.constant 0 : i32
        %dma_start3A_74 = tpu.memref_slice %arg8[%add3A_72, %dma_start3A_73] : memref<158x128xi32, #tpu.memory_space<vmem>> -> memref<1x128xi32, #tpu.memory_space<vmem>>
        %dma_start3A_75 = tpu.memref_squeeze %dma_start3A_74 : memref<1x128xi32, #tpu.memory_space<vmem>> -> memref<128xi32, #tpu.memory_space<vmem>>
        %dma_start3A_76 = arith.constant 0 : i32
        %dma_start3A_77 = arith.constant 0 : i32
        %dma_start3A_78 = tpu.memref_slice %arg11[%dma_start3A_76, %dma_start3A_77] : memref<10512x32xf32, #tpu.memory_space<vmem_shared>> -> memref<10512x32xf32, #tpu.memory_space<vmem_shared>>
        tpu.enqueue_indirect_dma source(%arg10 : memref<128x32xf32, #tpu.memory_space<vmem>>) target(%dma_start3A_78 : memref<10512x32xf32, #tpu.memory_space<vmem_shared>>) offsets(%dma_start3A_75 : memref<128xi32, #tpu.memory_space<vmem>>) semaphore(%run_scoped3A : memref<!tpu.dma_semaphore, #tpu.memory_space<semaphore_mem>>) {add = true}
        %dma_wait3A_79 = arith.constant 0 : i32
        %dma_wait3A_80 = tpu.memref_slice %arg8[%add3A_72, %dma_wait3A_79] : memref<158x128xi32, #tpu.memory_space<vmem>> -> memref<1x128xi32, #tpu.memory_space<vmem>>
        %dma_wait3A_81 = tpu.memref_squeeze %dma_wait3A_80 : memref<1x128xi32, #tpu.memory_space<vmem>> -> memref<128xi32, #tpu.memory_space<vmem>>
        %dma_wait3A_82 = arith.constant 0 : i32
        %dma_wait3A_83 = arith.constant 0 : i32
        %dma_wait3A_84 = tpu.memref_slice %arg11[%dma_wait3A_82, %dma_wait3A_83] : memref<10512x32xf32, #tpu.memory_space<vmem_shared>> -> memref<10512x32xf32, #tpu.memory_space<vmem_shared>>
        tpu.wait_indirect_dma semaphore(%run_scoped3A : memref<!tpu.dma_semaphore, #tpu.memory_space<semaphore_mem>>) src(%arg10 : memref<128x32xf32, #tpu.memory_space<vmem>>) dst(%dma_wait3A_84 : memref<10512x32xf32, #tpu.memory_space<vmem_shared>>)
        tpu.yield
      }) : () -> ()
    }
    %scan3A_16 = arith.constant 79 : i32
    %barrier3A_17 = arith.constant 0 : index
    tpu.barrier barrier_id(%barrier3A_17)
    %scan3A_18 = arith.constant 0 : i32
    %scan3A_19 = arith.constant 6 : i32
    %scan3A_20 = arith.addi %scan3A_18, %scan3A_19 : i32
    %scan3A_21 = arith.constant 1 : i32
    scf.for %scan3A_28 = %scan3A_18 to %scan3A_20 step %scan3A_21  : i32 {
      %mul3A_29 = arith.constant 1 : i32
      %mul3A_30 = arith.muli %scan3A_28, %mul3A_29 : i32
      %add3A = arith.constant 0 : i32
      %add3A_31 = arith.addi %add3A, %mul3A_30 : i32
      %mul3A_32 = arith.constant 624 : i32
      %mul3A_33 = arith.muli %arg1, %mul3A_32 : i32
      %mul3A_34 = arith.constant 104 : i32
      %mul3A_35 = arith.muli %add3A_31, %mul3A_34 : i32
      %add3A_36 = arith.addi %mul3A_33, %mul3A_35 : i32
      "tpu.region"() ({
        %run_scoped3A = tpu.sem_alloc : memref<!tpu.dma_semaphore, #tpu.memory_space<semaphore_mem>>
        %dma_start3A_37 = arith.constant 0 : i32
        %dma_start3A_38 = arith.constant 0 : i32
        %dma_start3A_39 = tpu.memref_slice %arg9[%dma_start3A_37, %dma_start3A_38] : memref<128x32xf32, #tpu.memory_space<vmem>> -> memref<104x32xf32, #tpu.memory_space<vmem>>
        %dma_start3A_40 = arith.constant 0 : i32
        %dma_start3A_41 = tpu.memref_slice %arg11[%add3A_36, %dma_start3A_40] : memref<10512x32xf32, #tpu.memory_space<vmem_shared>> -> memref<104x32xf32, #tpu.memory_space<vmem_shared>>
        %dma_start3A_42 = arith.constant 0 : i32
        %dma_start3A_43 = arith.constant 0 : i32
        %dma_start3A_44 = tpu.memref_slice %arg9[%dma_start3A_42, %dma_start3A_43] : memref<128x32xf32, #tpu.memory_space<vmem>> -> memref<104x32xf32, #tpu.memory_space<vmem>>
        %dma_start3A_45 = arith.constant 0 : i32
        %dma_start3A_46 = tpu.memref_slice %arg11[%add3A_36, %dma_start3A_45] : memref<10512x32xf32, #tpu.memory_space<vmem_shared>> -> memref<104x32xf32, #tpu.memory_space<vmem_shared>>
        tpu.enqueue_dma source(%dma_start3A_46 : memref<104x32xf32, #tpu.memory_space<vmem_shared>>) target(%dma_start3A_44 : memref<104x32xf32, #tpu.memory_space<vmem>>) target_semaphore(%run_scoped3A : memref<!tpu.dma_semaphore, #tpu.memory_space<semaphore_mem>>)
        %dma_wait3A = arith.constant 0 : i32
        %dma_wait3A_47 = arith.constant 0 : i32
        %dma_wait3A_48 = tpu.memref_slice %arg9[%dma_wait3A, %dma_wait3A_47] : memref<128x32xf32, #tpu.memory_space<vmem>> -> memref<104x32xf32, #tpu.memory_space<vmem>>
        %dma_wait3A_49 = arith.constant 0 : i32
        %dma_wait3A_50 = tpu.memref_slice %arg11[%add3A_36, %dma_wait3A_49] : memref<10512x32xf32, #tpu.memory_space<vmem_shared>> -> memref<104x32xf32, #tpu.memory_space<vmem_shared>>
        %dma_wait3A_51 = arith.constant 0 : i32
        %dma_wait3A_52 = arith.constant 0 : i32
        %dma_wait3A_53 = tpu.memref_slice %arg9[%dma_wait3A_51, %dma_wait3A_52] : memref<128x32xf32, #tpu.memory_space<vmem>> -> memref<104x32xf32, #tpu.memory_space<vmem>>
        %dma_wait3A_54 = arith.constant 0 : i32
        %dma_wait3A_55 = tpu.memref_slice %arg11[%add3A_36, %dma_wait3A_54] : memref<10512x32xf32, #tpu.memory_space<vmem_shared>> -> memref<104x32xf32, #tpu.memory_space<vmem_shared>>
        tpu.wait_dma2 semaphore(%run_scoped3A : memref<!tpu.dma_semaphore, #tpu.memory_space<semaphore_mem>>) src(%dma_wait3A_55 : memref<104x32xf32, #tpu.memory_space<vmem_shared>>) dst(%dma_wait3A_53 : memref<104x32xf32, #tpu.memory_space<vmem>>)
        tpu.yield
      }) : () -> ()
      "tpu.region"() ({
        %run_scoped3A = tpu.sem_alloc : memref<!tpu.dma_semaphore, #tpu.memory_space<semaphore_mem>>
        %dma_start3A_37 = arith.constant 0 : i32
        %dma_start3A_38 = arith.constant 0 : i32
        %dma_start3A_39 = tpu.memref_slice %arg9[%dma_start3A_37, %dma_start3A_38] : memref<128x32xf32, #tpu.memory_space<vmem>> -> memref<104x32xf32, #tpu.memory_space<vmem>>
        %dma_start3A_40 = arith.constant 0 : i32
        %dma_start3A_41 = tpu.memref_slice %arg6[%arg0, %add3A_36, %dma_start3A_40] : memref<2x10000x32xf32, #tpu.memory_space<hbm>> -> memref<1x104x32xf32, #tpu.memory_space<hbm>>
        %dma_start3A_42 = tpu.memref_squeeze %dma_start3A_41 : memref<1x104x32xf32, #tpu.memory_space<hbm>> -> memref<104x32xf32, #tpu.memory_space<hbm>>
        %dma_start3A_43 = arith.constant 0 : i32
        %dma_start3A_44 = tpu.memref_slice %arg6[%arg0, %add3A_36, %dma_start3A_43] : memref<2x10000x32xf32, #tpu.memory_space<hbm>> -> memref<1x104x32xf32, #tpu.memory_space<hbm>>
        %dma_start3A_45 = tpu.memref_squeeze %dma_start3A_44 : memref<1x104x32xf32, #tpu.memory_space<hbm>> -> memref<104x32xf32, #tpu.memory_space<hbm>>
        %dma_start3A_46 = arith.constant 0 : i32
        %dma_start3A_47 = arith.constant 0 : i32
        %dma_start3A_48 = tpu.memref_slice %arg9[%dma_start3A_46, %dma_start3A_47] : memref<128x32xf32, #tpu.memory_space<vmem>> -> memref<104x32xf32, #tpu.memory_space<vmem>>
        tpu.enqueue_dma source(%dma_start3A_48 : memref<104x32xf32, #tpu.memory_space<vmem>>) target(%dma_start3A_45 : memref<104x32xf32, #tpu.memory_space<hbm>>) target_semaphore(%run_scoped3A : memref<!tpu.dma_semaphore, #tpu.memory_space<semaphore_mem>>)
        %dma_wait3A = arith.constant 0 : i32
        %dma_wait3A_49 = arith.constant 0 : i32
        %dma_wait3A_50 = tpu.memref_slice %arg9[%dma_wait3A, %dma_wait3A_49] : memref<128x32xf32, #tpu.memory_space<vmem>> -> memref<104x32xf32, #tpu.memory_space<vmem>>
        %dma_wait3A_51 = arith.constant 0 : i32
        %dma_wait3A_52 = tpu.memref_slice %arg6[%arg0, %add3A_36, %dma_wait3A_51] : memref<2x10000x32xf32, #tpu.memory_space<hbm>> -> memref<1x104x32xf32, #tpu.memory_space<hbm>>
        %dma_wait3A_53 = tpu.memref_squeeze %dma_wait3A_52 : memref<1x104x32xf32, #tpu.memory_space<hbm>> -> memref<104x32xf32, #tpu.memory_space<hbm>>
        %dma_wait3A_54 = arith.constant 0 : i32
        %dma_wait3A_55 = tpu.memref_slice %arg6[%arg0, %add3A_36, %dma_wait3A_54] : memref<2x10000x32xf32, #tpu.memory_space<hbm>> -> memref<1x104x32xf32, #tpu.memory_space<hbm>>
        %dma_wait3A_56 = tpu.memref_squeeze %dma_wait3A_55 : memref<1x104x32xf32, #tpu.memory_space<hbm>> -> memref<104x32xf32, #tpu.memory_space<hbm>>
        %dma_wait3A_57 = arith.constant 0 : i32
        %dma_wait3A_58 = arith.constant 0 : i32
        %dma_wait3A_59 = tpu.memref_slice %arg9[%dma_wait3A_57, %dma_wait3A_58] : memref<128x32xf32, #tpu.memory_space<vmem>> -> memref<104x32xf32, #tpu.memory_space<vmem>>
        tpu.wait_dma2 semaphore(%run_scoped3A : memref<!tpu.dma_semaphore, #tpu.memory_space<semaphore_mem>>) src(%dma_wait3A_59 : memref<104x32xf32, #tpu.memory_space<vmem>>) dst(%dma_wait3A_56 : memref<104x32xf32, #tpu.memory_space<hbm>>)
        tpu.yield
      }) : () -> ()
    }
    %scan3A_22 = arith.constant 6 : i32
    %eq3A_23 = arith.constant 15 : i32
    %eq3A_24 = arith.cmpi eq, %arg1, %eq3A_23 : i32
    %convert_element_type3A_25 = arith.extui %eq3A_24 : i1 to i32
    %cond3A_26 = arith.constant 0 : i32
    %cond3A_27 = arith.cmpi ne, %convert_element_type3A_25, %cond3A_26 : i32
    scf.if %cond3A_27 {
      "tpu.region"() ({
        %run_scoped3A = tpu.sem_alloc : memref<!tpu.dma_semaphore, #tpu.memory_space<semaphore_mem>>
        %dma_start3A_28 = arith.constant 0 : i32
        %dma_start3A_29 = arith.constant 0 : i32
        %dma_start3A_30 = tpu.memref_slice %arg9[%dma_start3A_28, %dma_start3A_29] : memref<128x32xf32, #tpu.memory_space<vmem>> -> memref<16x32xf32, #tpu.memory_space<vmem>>
        %dma_start3A_31 = arith.constant 9984 : i32
        %dma_start3A_32 = arith.constant 0 : i32
        %dma_start3A_33 = tpu.memref_slice %arg11[%dma_start3A_31, %dma_start3A_32] : memref<10512x32xf32, #tpu.memory_space<vmem_shared>> -> memref<16x32xf32, #tpu.memory_space<vmem_shared>>
        %dma_start3A_34 = arith.constant 0 : i32
        %dma_start3A_35 = arith.constant 0 : i32
        %dma_start3A_36 = tpu.memref_slice %arg9[%dma_start3A_34, %dma_start3A_35] : memref<128x32xf32, #tpu.memory_space<vmem>> -> memref<16x32xf32, #tpu.memory_space<vmem>>
        %dma_start3A_37 = arith.constant 9984 : i32
        %dma_start3A_38 = arith.constant 0 : i32
        %dma_start3A_39 = tpu.memref_slice %arg11[%dma_start3A_37, %dma_start3A_38] : memref<10512x32xf32, #tpu.memory_space<vmem_shared>> -> memref<16x32xf32, #tpu.memory_space<vmem_shared>>
        tpu.enqueue_dma source(%dma_start3A_39 : memref<16x32xf32, #tpu.memory_space<vmem_shared>>) target(%dma_start3A_36 : memref<16x32xf32, #tpu.memory_space<vmem>>) target_semaphore(%run_scoped3A : memref<!tpu.dma_semaphore, #tpu.memory_space<semaphore_mem>>)
        %dma_wait3A = arith.constant 0 : i32
        %dma_wait3A_40 = arith.constant 0 : i32
        %dma_wait3A_41 = tpu.memref_slice %arg9[%dma_wait3A, %dma_wait3A_40] : memref<128x32xf32, #tpu.memory_space<vmem>> -> memref<16x32xf32, #tpu.memory_space<vmem>>
        %dma_wait3A_42 = arith.constant 9984 : i32
        %dma_wait3A_43 = arith.constant 0 : i32
        %dma_wait3A_44 = tpu.memref_slice %arg11[%dma_wait3A_42, %dma_wait3A_43] : memref<10512x32xf32, #tpu.memory_space<vmem_shared>> -> memref<16x32xf32, #tpu.memory_space<vmem_shared>>
        %dma_wait3A_45 = arith.constant 0 : i32
        %dma_wait3A_46 = arith.constant 0 : i32
        %dma_wait3A_47 = tpu.memref_slice %arg9[%dma_wait3A_45, %dma_wait3A_46] : memref<128x32xf32, #tpu.memory_space<vmem>> -> memref<16x32xf32, #tpu.memory_space<vmem>>
        %dma_wait3A_48 = arith.constant 9984 : i32
        %dma_wait3A_49 = arith.constant 0 : i32
        %dma_wait3A_50 = tpu.memref_slice %arg11[%dma_wait3A_48, %dma_wait3A_49] : memref<10512x32xf32, #tpu.memory_space<vmem_shared>> -> memref<16x32xf32, #tpu.memory_space<vmem_shared>>
        tpu.wait_dma2 semaphore(%run_scoped3A : memref<!tpu.dma_semaphore, #tpu.memory_space<semaphore_mem>>) src(%dma_wait3A_50 : memref<16x32xf32, #tpu.memory_space<vmem_shared>>) dst(%dma_wait3A_47 : memref<16x32xf32, #tpu.memory_space<vmem>>)
        tpu.yield
      }) : () -> ()
      "tpu.region"() ({
        %run_scoped3A = tpu.sem_alloc : memref<!tpu.dma_semaphore, #tpu.memory_space<semaphore_mem>>
        %dma_start3A_28 = arith.constant 0 : i32
        %dma_start3A_29 = arith.constant 0 : i32
        %dma_start3A_30 = tpu.memref_slice %arg9[%dma_start3A_28, %dma_start3A_29] : memref<128x32xf32, #tpu.memory_space<vmem>> -> memref<16x32xf32, #tpu.memory_space<vmem>>
        %dma_start3A_31 = arith.constant 9984 : i32
        %dma_start3A_32 = arith.constant 0 : i32
        %dma_start3A_33 = tpu.memref_slice %arg6[%arg0, %dma_start3A_31, %dma_start3A_32] : memref<2x10000x32xf32, #tpu.memory_space<hbm>> -> memref<1x16x32xf32, #tpu.memory_space<hbm>>
        %dma_start3A_34 = tpu.memref_squeeze %dma_start3A_33 : memref<1x16x32xf32, #tpu.memory_space<hbm>> -> memref<16x32xf32, #tpu.memory_space<hbm>>
        %dma_start3A_35 = arith.constant 9984 : i32
        %dma_start3A_36 = arith.constant 0 : i32
        %dma_start3A_37 = tpu.memref_slice %arg6[%arg0, %dma_start3A_35, %dma_start3A_36] : memref<2x10000x32xf32, #tpu.memory_space<hbm>> -> memref<1x16x32xf32, #tpu.memory_space<hbm>>
        %dma_start3A_38 = tpu.memref_squeeze %dma_start3A_37 : memref<1x16x32xf32, #tpu.memory_space<hbm>> -> memref<16x32xf32, #tpu.memory_space<hbm>>
        %dma_start3A_39 = arith.constant 0 : i32
        %dma_start3A_40 = arith.constant 0 : i32
        %dma_start3A_41 = tpu.memref_slice %arg9[%dma_start3A_39, %dma_start3A_40] : memref<128x32xf32, #tpu.memory_space<vmem>> -> memref<16x32xf32, #tpu.memory_space<vmem>>
        tpu.enqueue_dma source(%dma_start3A_41 : memref<16x32xf32, #tpu.memory_space<vmem>>) target(%dma_start3A_38 : memref<16x32xf32, #tpu.memory_space<hbm>>) target_semaphore(%run_scoped3A : memref<!tpu.dma_semaphore, #tpu.memory_space<semaphore_mem>>)
        %dma_wait3A = arith.constant 0 : i32
        %dma_wait3A_42 = arith.constant 0 : i32
        %dma_wait3A_43 = tpu.memref_slice %arg9[%dma_wait3A, %dma_wait3A_42] : memref<128x32xf32, #tpu.memory_space<vmem>> -> memref<16x32xf32, #tpu.memory_space<vmem>>
        %dma_wait3A_44 = arith.constant 9984 : i32
        %dma_wait3A_45 = arith.constant 0 : i32
        %dma_wait3A_46 = tpu.memref_slice %arg6[%arg0, %dma_wait3A_44, %dma_wait3A_45] : memref<2x10000x32xf32, #tpu.memory_space<hbm>> -> memref<1x16x32xf32, #tpu.memory_space<hbm>>
        %dma_wait3A_47 = tpu.memref_squeeze %dma_wait3A_46 : memref<1x16x32xf32, #tpu.memory_space<hbm>> -> memref<16x32xf32, #tpu.memory_space<hbm>>
        %dma_wait3A_48 = arith.constant 9984 : i32
        %dma_wait3A_49 = arith.constant 0 : i32
        %dma_wait3A_50 = tpu.memref_slice %arg6[%arg0, %dma_wait3A_48, %dma_wait3A_49] : memref<2x10000x32xf32, #tpu.memory_space<hbm>> -> memref<1x16x32xf32, #tpu.memory_space<hbm>>
        %dma_wait3A_51 = tpu.memref_squeeze %dma_wait3A_50 : memref<1x16x32xf32, #tpu.memory_space<hbm>> -> memref<16x32xf32, #tpu.memory_space<hbm>>
        %dma_wait3A_52 = arith.constant 0 : i32
        %dma_wait3A_53 = arith.constant 0 : i32
        %dma_wait3A_54 = tpu.memref_slice %arg9[%dma_wait3A_52, %dma_wait3A_53] : memref<128x32xf32, #tpu.memory_space<vmem>> -> memref<16x32xf32, #tpu.memory_space<vmem>>
        tpu.wait_dma2 semaphore(%run_scoped3A : memref<!tpu.dma_semaphore, #tpu.memory_space<semaphore_mem>>) src(%dma_wait3A_54 : memref<16x32xf32, #tpu.memory_space<vmem>>) dst(%dma_wait3A_51 : memref<16x32xf32, #tpu.memory_space<hbm>>)
        tpu.yield
      }) : () -> ()
    } else {
    }
    return
  }
}

#map = affine_map<(d0, d1) -> (0, 0, 0)>
#map1 = affine_map<(d0, d1) -> (0, 0)>
module attributes {stable_mosaic.version = 14 : i64} {
  func.func @_agg_body(%arg0: i32, %arg1: i32, %arg2: memref<2x10000x64xf32, #tpu.memory_space<hbm>>, %arg3: memref<16x158x128xi32, #tpu.memory_space<hbm>>, %arg4: memref<16x158x128xi32, #tpu.memory_space<hbm>>, %arg5: memref<624x64xf32, #tpu.memory_space<hbm>>, %arg6: memref<2x10000x64xf32, #tpu.memory_space<hbm>>, %arg7: memref<158x128xi32, #tpu.memory_space<vmem>>, %arg8: memref<158x128xi32, #tpu.memory_space<vmem>>, %arg9: memref<128x64xf32, #tpu.memory_space<vmem>>, %arg10: memref<128x64xf32, #tpu.memory_space<vmem>>, %arg11: memref<10512x64xf32, #tpu.memory_space<vmem_shared>>, %arg12: memref<!tpu.dma_semaphore, #tpu.memory_space<semaphore_mem>>, %arg13: memref<!tpu.dma_semaphore, #tpu.memory_space<semaphore_mem>>) attributes {dimension_semantics = [#tpu.dimension_semantics<core_parallel>, #tpu.dimension_semantics<subcore_parallel>], iteration_bounds = array<i64: 2, 16>, scalar_prefetch = 0 : i64, scratch_operands = 7 : i64, tpu.core_type = #tpu.core_type<sc_vector_subcore>, window_params = [{transform_indices = #map}, {transform_indices = #map}, {transform_indices = #map}, {transform_indices = #map1}, {transform_indices = #map}]} {
    "tpu.region"() ({
      %run_scoped3A = tpu.sem_alloc : memref<!tpu.dma_semaphore, #tpu.memory_space<semaphore_mem>>
      %dma_start3A_28 = arith.constant 0 : i32
      %dma_start3A_29 = arith.constant 0 : i32
      %dma_start3A_30 = tpu.memref_slice %arg3[%arg1, %dma_start3A_28, %dma_start3A_29] : memref<16x158x128xi32, #tpu.memory_space<hbm>> -> memref<1x158x128xi32, #tpu.memory_space<hbm>>
      %dma_start3A_31 = tpu.memref_squeeze %dma_start3A_30 : memref<1x158x128xi32, #tpu.memory_space<hbm>> -> memref<158x128xi32, #tpu.memory_space<hbm>>
      %dma_start3A_32 = arith.constant 0 : i32
      %dma_start3A_33 = arith.constant 0 : i32
      %dma_start3A_34 = tpu.memref_slice %arg3[%arg1, %dma_start3A_32, %dma_start3A_33] : memref<16x158x128xi32, #tpu.memory_space<hbm>> -> memref<1x158x128xi32, #tpu.memory_space<hbm>>
      %dma_start3A_35 = tpu.memref_squeeze %dma_start3A_34 : memref<1x158x128xi32, #tpu.memory_space<hbm>> -> memref<158x128xi32, #tpu.memory_space<hbm>>
      tpu.enqueue_dma source(%dma_start3A_35 : memref<158x128xi32, #tpu.memory_space<hbm>>) target(%arg7 : memref<158x128xi32, #tpu.memory_space<vmem>>) target_semaphore(%run_scoped3A : memref<!tpu.dma_semaphore, #tpu.memory_space<semaphore_mem>>)
      %dma_wait3A = arith.constant 0 : i32
      %dma_wait3A_36 = arith.constant 0 : i32
      %dma_wait3A_37 = tpu.memref_slice %arg3[%arg1, %dma_wait3A, %dma_wait3A_36] : memref<16x158x128xi32, #tpu.memory_space<hbm>> -> memref<1x158x128xi32, #tpu.memory_space<hbm>>
      %dma_wait3A_38 = tpu.memref_squeeze %dma_wait3A_37 : memref<1x158x128xi32, #tpu.memory_space<hbm>> -> memref<158x128xi32, #tpu.memory_space<hbm>>
      %dma_wait3A_39 = arith.constant 0 : i32
      %dma_wait3A_40 = arith.constant 0 : i32
      %dma_wait3A_41 = tpu.memref_slice %arg3[%arg1, %dma_wait3A_39, %dma_wait3A_40] : memref<16x158x128xi32, #tpu.memory_space<hbm>> -> memref<1x158x128xi32, #tpu.memory_space<hbm>>
      %dma_wait3A_42 = tpu.memref_squeeze %dma_wait3A_41 : memref<1x158x128xi32, #tpu.memory_space<hbm>> -> memref<158x128xi32, #tpu.memory_space<hbm>>
      tpu.wait_dma2 semaphore(%run_scoped3A : memref<!tpu.dma_semaphore, #tpu.memory_space<semaphore_mem>>) src(%dma_wait3A_42 : memref<158x128xi32, #tpu.memory_space<hbm>>) dst(%arg7 : memref<158x128xi32, #tpu.memory_space<vmem>>)
      tpu.yield
    }) : () -> ()
    "tpu.region"() ({
      %run_scoped3A = tpu.sem_alloc : memref<!tpu.dma_semaphore, #tpu.memory_space<semaphore_mem>>
      %dma_start3A_28 = arith.constant 0 : i32
      %dma_start3A_29 = arith.constant 0 : i32
      %dma_start3A_30 = tpu.memref_slice %arg4[%arg1, %dma_start3A_28, %dma_start3A_29] : memref<16x158x128xi32, #tpu.memory_space<hbm>> -> memref<1x158x128xi32, #tpu.memory_space<hbm>>
      %dma_start3A_31 = tpu.memref_squeeze %dma_start3A_30 : memref<1x158x128xi32, #tpu.memory_space<hbm>> -> memref<158x128xi32, #tpu.memory_space<hbm>>
      %dma_start3A_32 = arith.constant 0 : i32
      %dma_start3A_33 = arith.constant 0 : i32
      %dma_start3A_34 = tpu.memref_slice %arg4[%arg1, %dma_start3A_32, %dma_start3A_33] : memref<16x158x128xi32, #tpu.memory_space<hbm>> -> memref<1x158x128xi32, #tpu.memory_space<hbm>>
      %dma_start3A_35 = tpu.memref_squeeze %dma_start3A_34 : memref<1x158x128xi32, #tpu.memory_space<hbm>> -> memref<158x128xi32, #tpu.memory_space<hbm>>
      tpu.enqueue_dma source(%dma_start3A_35 : memref<158x128xi32, #tpu.memory_space<hbm>>) target(%arg8 : memref<158x128xi32, #tpu.memory_space<vmem>>) target_semaphore(%run_scoped3A : memref<!tpu.dma_semaphore, #tpu.memory_space<semaphore_mem>>)
      %dma_wait3A = arith.constant 0 : i32
      %dma_wait3A_36 = arith.constant 0 : i32
      %dma_wait3A_37 = tpu.memref_slice %arg4[%arg1, %dma_wait3A, %dma_wait3A_36] : memref<16x158x128xi32, #tpu.memory_space<hbm>> -> memref<1x158x128xi32, #tpu.memory_space<hbm>>
      %dma_wait3A_38 = tpu.memref_squeeze %dma_wait3A_37 : memref<1x158x128xi32, #tpu.memory_space<hbm>> -> memref<158x128xi32, #tpu.memory_space<hbm>>
      %dma_wait3A_39 = arith.constant 0 : i32
      %dma_wait3A_40 = arith.constant 0 : i32
      %dma_wait3A_41 = tpu.memref_slice %arg4[%arg1, %dma_wait3A_39, %dma_wait3A_40] : memref<16x158x128xi32, #tpu.memory_space<hbm>> -> memref<1x158x128xi32, #tpu.memory_space<hbm>>
      %dma_wait3A_42 = tpu.memref_squeeze %dma_wait3A_41 : memref<1x158x128xi32, #tpu.memory_space<hbm>> -> memref<158x128xi32, #tpu.memory_space<hbm>>
      tpu.wait_dma2 semaphore(%run_scoped3A : memref<!tpu.dma_semaphore, #tpu.memory_space<semaphore_mem>>) src(%dma_wait3A_42 : memref<158x128xi32, #tpu.memory_space<hbm>>) dst(%arg8 : memref<158x128xi32, #tpu.memory_space<vmem>>)
      tpu.yield
    }) : () -> ()
    %mul3A = arith.constant 624 : i32
    %mul3A_0 = arith.muli %arg1, %mul3A : i32
    "tpu.region"() ({
      %run_scoped3A = tpu.sem_alloc : memref<!tpu.dma_semaphore, #tpu.memory_space<semaphore_mem>>
      %dma_start3A_28 = arith.constant 0 : i32
      %dma_start3A_29 = tpu.memref_slice %arg11[%mul3A_0, %dma_start3A_28] : memref<10512x64xf32, #tpu.memory_space<vmem_shared>> -> memref<624x64xf32, #tpu.memory_space<vmem_shared>>
      tpu.enqueue_dma source(%arg5 : memref<624x64xf32, #tpu.memory_space<hbm>>) target(%dma_start3A_29 : memref<624x64xf32, #tpu.memory_space<vmem_shared>>) target_semaphore(%run_scoped3A : memref<!tpu.dma_semaphore, #tpu.memory_space<semaphore_mem>>)
      %dma_wait3A = arith.constant 0 : i32
      %dma_wait3A_30 = tpu.memref_slice %arg11[%mul3A_0, %dma_wait3A] : memref<10512x64xf32, #tpu.memory_space<vmem_shared>> -> memref<624x64xf32, #tpu.memory_space<vmem_shared>>
      tpu.wait_dma2 semaphore(%run_scoped3A : memref<!tpu.dma_semaphore, #tpu.memory_space<semaphore_mem>>) src(%arg5 : memref<624x64xf32, #tpu.memory_space<hbm>>) dst(%dma_wait3A_30 : memref<624x64xf32, #tpu.memory_space<vmem_shared>>)
      tpu.yield
    }) : () -> ()
    %eq3A = arith.constant 15 : i32
    %eq3A_1 = arith.cmpi eq, %arg1, %eq3A : i32
    %convert_element_type3A = arith.extui %eq3A_1 : i1 to i32
    %cond3A = arith.constant 0 : i32
    %cond3A_2 = arith.cmpi ne, %convert_element_type3A, %cond3A : i32
    scf.if %cond3A_2 {
      "tpu.region"() ({
        %run_scoped3A = tpu.sem_alloc : memref<!tpu.dma_semaphore, #tpu.memory_space<semaphore_mem>>
        %dma_start3A_28 = arith.constant 9984 : i32
        %dma_start3A_29 = arith.constant 0 : i32
        %dma_start3A_30 = tpu.memref_slice %arg11[%dma_start3A_28, %dma_start3A_29] : memref<10512x64xf32, #tpu.memory_space<vmem_shared>> -> memref<528x64xf32, #tpu.memory_space<vmem_shared>>
        %dma_start3A_31 = arith.constant 0 : i32
        %dma_start3A_32 = arith.constant 0 : i32
        %dma_start3A_33 = tpu.memref_slice %arg5[%dma_start3A_31, %dma_start3A_32] : memref<624x64xf32, #tpu.memory_space<hbm>> -> memref<528x64xf32, #tpu.memory_space<hbm>>
        tpu.enqueue_dma source(%dma_start3A_33 : memref<528x64xf32, #tpu.memory_space<hbm>>) target(%dma_start3A_30 : memref<528x64xf32, #tpu.memory_space<vmem_shared>>) target_semaphore(%run_scoped3A : memref<!tpu.dma_semaphore, #tpu.memory_space<semaphore_mem>>)
        %dma_wait3A = arith.constant 9984 : i32
        %dma_wait3A_34 = arith.constant 0 : i32
        %dma_wait3A_35 = tpu.memref_slice %arg11[%dma_wait3A, %dma_wait3A_34] : memref<10512x64xf32, #tpu.memory_space<vmem_shared>> -> memref<528x64xf32, #tpu.memory_space<vmem_shared>>
        %dma_wait3A_36 = arith.constant 0 : i32
        %dma_wait3A_37 = arith.constant 0 : i32
        %dma_wait3A_38 = tpu.memref_slice %arg5[%dma_wait3A_36, %dma_wait3A_37] : memref<624x64xf32, #tpu.memory_space<hbm>> -> memref<528x64xf32, #tpu.memory_space<hbm>>
        tpu.wait_dma2 semaphore(%run_scoped3A : memref<!tpu.dma_semaphore, #tpu.memory_space<semaphore_mem>>) src(%dma_wait3A_38 : memref<528x64xf32, #tpu.memory_space<hbm>>) dst(%dma_wait3A_35 : memref<528x64xf32, #tpu.memory_space<vmem_shared>>)
        tpu.yield
      }) : () -> ()
    } else {
    }
    %barrier3A = arith.constant 0 : index
    tpu.barrier barrier_id(%barrier3A)
    %dma_start3A = arith.constant 0 : i32
    %dma_start3A_3 = arith.constant 0 : i32
    %dma_start3A_4 = tpu.memref_slice %arg7[%dma_start3A, %dma_start3A_3] : memref<158x128xi32, #tpu.memory_space<vmem>> -> memref<1x128xi32, #tpu.memory_space<vmem>>
    %dma_start3A_5 = tpu.memref_squeeze %dma_start3A_4 : memref<1x128xi32, #tpu.memory_space<vmem>> -> memref<128xi32, #tpu.memory_space<vmem>>
    %dma_start3A_6 = arith.constant 0 : i32
    %dma_start3A_7 = arith.constant 0 : i32
    %dma_start3A_8 = tpu.memref_slice %arg2[%arg0, %dma_start3A_6, %dma_start3A_7] : memref<2x10000x64xf32, #tpu.memory_space<hbm>> -> memref<1x10000x64xf32, #tpu.memory_space<hbm>>
    %dma_start3A_9 = tpu.memref_squeeze %dma_start3A_8 : memref<1x10000x64xf32, #tpu.memory_space<hbm>> -> memref<10000x64xf32, #tpu.memory_space<hbm>>
    %dma_start3A_10 = arith.constant 0 : i32
    %dma_start3A_11 = arith.constant 0 : i32
    %dma_start3A_12 = tpu.memref_slice %dma_start3A_9[%dma_start3A_10, %dma_start3A_11] : memref<10000x64xf32, #tpu.memory_space<hbm>> -> memref<10000x64xf32, #tpu.memory_space<hbm>>
    tpu.enqueue_indirect_dma source(%dma_start3A_12 : memref<10000x64xf32, #tpu.memory_space<hbm>>) target(%arg9 : memref<128x64xf32, #tpu.memory_space<vmem>>) offsets(%dma_start3A_5 : memref<128xi32, #tpu.memory_space<vmem>>) semaphore(%arg12 : memref<!tpu.dma_semaphore, #tpu.memory_space<semaphore_mem>>)
    %scan3A = arith.constant 0 : i32
    %scan3A_13 = arith.constant 79 : i32
    %scan3A_14 = arith.addi %scan3A, %scan3A_13 : i32
    %scan3A_15 = arith.constant 1 : i32
    scf.for %scan3A_28 = %scan3A to %scan3A_14 step %scan3A_15  : i32 {
      %mul3A_29 = arith.constant 2 : i32
      %mul3A_30 = arith.muli %scan3A_28, %mul3A_29 : i32
      %add3A = arith.constant 0 : i32
      %add3A_31 = arith.addi %add3A, %mul3A_30 : i32
      %add3A_32 = arith.constant 1 : i32
      %add3A_33 = arith.addi %add3A_31, %add3A_32 : i32
      %dma_start3A_34 = arith.constant 0 : i32
      %dma_start3A_35 = tpu.memref_slice %arg7[%add3A_33, %dma_start3A_34] : memref<158x128xi32, #tpu.memory_space<vmem>> -> memref<1x128xi32, #tpu.memory_space<vmem>>
      %dma_start3A_36 = tpu.memref_squeeze %dma_start3A_35 : memref<1x128xi32, #tpu.memory_space<vmem>> -> memref<128xi32, #tpu.memory_space<vmem>>
      %dma_start3A_37 = arith.constant 0 : i32
      %dma_start3A_38 = arith.constant 0 : i32
      %dma_start3A_39 = tpu.memref_slice %arg2[%arg0, %dma_start3A_37, %dma_start3A_38] : memref<2x10000x64xf32, #tpu.memory_space<hbm>> -> memref<1x10000x64xf32, #tpu.memory_space<hbm>>
      %dma_start3A_40 = tpu.memref_squeeze %dma_start3A_39 : memref<1x10000x64xf32, #tpu.memory_space<hbm>> -> memref<10000x64xf32, #tpu.memory_space<hbm>>
      %dma_start3A_41 = arith.constant 0 : i32
      %dma_start3A_42 = arith.constant 0 : i32
      %dma_start3A_43 = tpu.memref_slice %dma_start3A_40[%dma_start3A_41, %dma_start3A_42] : memref<10000x64xf32, #tpu.memory_space<hbm>> -> memref<10000x64xf32, #tpu.memory_space<hbm>>
      tpu.enqueue_indirect_dma source(%dma_start3A_43 : memref<10000x64xf32, #tpu.memory_space<hbm>>) target(%arg10 : memref<128x64xf32, #tpu.memory_space<vmem>>) offsets(%dma_start3A_36 : memref<128xi32, #tpu.memory_space<vmem>>) semaphore(%arg13 : memref<!tpu.dma_semaphore, #tpu.memory_space<semaphore_mem>>)
      %dma_wait3A = arith.constant 0 : i32
      %dma_wait3A_44 = tpu.memref_slice %arg7[%add3A_31, %dma_wait3A] : memref<158x128xi32, #tpu.memory_space<vmem>> -> memref<1x128xi32, #tpu.memory_space<vmem>>
      %dma_wait3A_45 = tpu.memref_squeeze %dma_wait3A_44 : memref<1x128xi32, #tpu.memory_space<vmem>> -> memref<128xi32, #tpu.memory_space<vmem>>
      %dma_wait3A_46 = arith.constant 0 : i32
      %dma_wait3A_47 = arith.constant 0 : i32
      %dma_wait3A_48 = tpu.memref_slice %arg2[%arg0, %dma_wait3A_46, %dma_wait3A_47] : memref<2x10000x64xf32, #tpu.memory_space<hbm>> -> memref<1x10000x64xf32, #tpu.memory_space<hbm>>
      %dma_wait3A_49 = tpu.memref_squeeze %dma_wait3A_48 : memref<1x10000x64xf32, #tpu.memory_space<hbm>> -> memref<10000x64xf32, #tpu.memory_space<hbm>>
      %dma_wait3A_50 = arith.constant 0 : i32
      %dma_wait3A_51 = arith.constant 0 : i32
      %dma_wait3A_52 = tpu.memref_slice %dma_wait3A_49[%dma_wait3A_50, %dma_wait3A_51] : memref<10000x64xf32, #tpu.memory_space<hbm>> -> memref<10000x64xf32, #tpu.memory_space<hbm>>
      tpu.wait_indirect_dma semaphore(%arg12 : memref<!tpu.dma_semaphore, #tpu.memory_space<semaphore_mem>>) src(%dma_wait3A_52 : memref<10000x64xf32, #tpu.memory_space<hbm>>) dst(%arg9 : memref<128x64xf32, #tpu.memory_space<vmem>>)
      "tpu.region"() ({
        %run_scoped3A = tpu.sem_alloc : memref<!tpu.dma_semaphore, #tpu.memory_space<semaphore_mem>>
        %dma_start3A_73 = arith.constant 0 : i32
        %dma_start3A_74 = tpu.memref_slice %arg8[%add3A_31, %dma_start3A_73] : memref<158x128xi32, #tpu.memory_space<vmem>> -> memref<1x128xi32, #tpu.memory_space<vmem>>
        %dma_start3A_75 = tpu.memref_squeeze %dma_start3A_74 : memref<1x128xi32, #tpu.memory_space<vmem>> -> memref<128xi32, #tpu.memory_space<vmem>>
        %dma_start3A_76 = arith.constant 0 : i32
        %dma_start3A_77 = arith.constant 0 : i32
        %dma_start3A_78 = tpu.memref_slice %arg11[%dma_start3A_76, %dma_start3A_77] : memref<10512x64xf32, #tpu.memory_space<vmem_shared>> -> memref<10512x64xf32, #tpu.memory_space<vmem_shared>>
        tpu.enqueue_indirect_dma source(%arg9 : memref<128x64xf32, #tpu.memory_space<vmem>>) target(%dma_start3A_78 : memref<10512x64xf32, #tpu.memory_space<vmem_shared>>) offsets(%dma_start3A_75 : memref<128xi32, #tpu.memory_space<vmem>>) semaphore(%run_scoped3A : memref<!tpu.dma_semaphore, #tpu.memory_space<semaphore_mem>>) {add = true}
        %dma_wait3A_79 = arith.constant 0 : i32
        %dma_wait3A_80 = tpu.memref_slice %arg8[%add3A_31, %dma_wait3A_79] : memref<158x128xi32, #tpu.memory_space<vmem>> -> memref<1x128xi32, #tpu.memory_space<vmem>>
        %dma_wait3A_81 = tpu.memref_squeeze %dma_wait3A_80 : memref<1x128xi32, #tpu.memory_space<vmem>> -> memref<128xi32, #tpu.memory_space<vmem>>
        %dma_wait3A_82 = arith.constant 0 : i32
        %dma_wait3A_83 = arith.constant 0 : i32
        %dma_wait3A_84 = tpu.memref_slice %arg11[%dma_wait3A_82, %dma_wait3A_83] : memref<10512x64xf32, #tpu.memory_space<vmem_shared>> -> memref<10512x64xf32, #tpu.memory_space<vmem_shared>>
        tpu.wait_indirect_dma semaphore(%run_scoped3A : memref<!tpu.dma_semaphore, #tpu.memory_space<semaphore_mem>>) src(%arg9 : memref<128x64xf32, #tpu.memory_space<vmem>>) dst(%dma_wait3A_84 : memref<10512x64xf32, #tpu.memory_space<vmem_shared>>)
        tpu.yield
      }) : () -> ()
      %add3A_53 = arith.constant 2 : i32
      %add3A_54 = arith.addi %add3A_31, %add3A_53 : i32
      %lt3A = arith.constant 158 : i32
      %lt3A_55 = arith.cmpi slt, %add3A_54, %lt3A : i32
      %convert_element_type3A_56 = arith.extui %lt3A_55 : i1 to i32
      %cond3A_57 = arith.constant 0 : i32
      %cond3A_58 = arith.cmpi ne, %convert_element_type3A_56, %cond3A_57 : i32
      scf.if %cond3A_58 {
        %add3A_73 = arith.constant 2 : i32
        %add3A_74 = arith.addi %add3A_31, %add3A_73 : i32
        %dma_start3A_75 = arith.constant 0 : i32
        %dma_start3A_76 = tpu.memref_slice %arg7[%add3A_74, %dma_start3A_75] : memref<158x128xi32, #tpu.memory_space<vmem>> -> memref<1x128xi32, #tpu.memory_space<vmem>>
        %dma_start3A_77 = tpu.memref_squeeze %dma_start3A_76 : memref<1x128xi32, #tpu.memory_space<vmem>> -> memref<128xi32, #tpu.memory_space<vmem>>
        %dma_start3A_78 = arith.constant 0 : i32
        %dma_start3A_79 = arith.constant 0 : i32
        %dma_start3A_80 = tpu.memref_slice %arg2[%arg0, %dma_start3A_78, %dma_start3A_79] : memref<2x10000x64xf32, #tpu.memory_space<hbm>> -> memref<1x10000x64xf32, #tpu.memory_space<hbm>>
        %dma_start3A_81 = tpu.memref_squeeze %dma_start3A_80 : memref<1x10000x64xf32, #tpu.memory_space<hbm>> -> memref<10000x64xf32, #tpu.memory_space<hbm>>
        %dma_start3A_82 = arith.constant 0 : i32
        %dma_start3A_83 = arith.constant 0 : i32
        %dma_start3A_84 = tpu.memref_slice %dma_start3A_81[%dma_start3A_82, %dma_start3A_83] : memref<10000x64xf32, #tpu.memory_space<hbm>> -> memref<10000x64xf32, #tpu.memory_space<hbm>>
        tpu.enqueue_indirect_dma source(%dma_start3A_84 : memref<10000x64xf32, #tpu.memory_space<hbm>>) target(%arg9 : memref<128x64xf32, #tpu.memory_space<vmem>>) offsets(%dma_start3A_77 : memref<128xi32, #tpu.memory_space<vmem>>) semaphore(%arg12 : memref<!tpu.dma_semaphore, #tpu.memory_space<semaphore_mem>>)
      } else {
      }
      %add3A_59 = arith.constant 1 : i32
      %add3A_60 = arith.addi %add3A_31, %add3A_59 : i32
      %dma_wait3A_61 = arith.constant 0 : i32
      %dma_wait3A_62 = tpu.memref_slice %arg7[%add3A_60, %dma_wait3A_61] : memref<158x128xi32, #tpu.memory_space<vmem>> -> memref<1x128xi32, #tpu.memory_space<vmem>>
      %dma_wait3A_63 = tpu.memref_squeeze %dma_wait3A_62 : memref<1x128xi32, #tpu.memory_space<vmem>> -> memref<128xi32, #tpu.memory_space<vmem>>
      %dma_wait3A_64 = arith.constant 0 : i32
      %dma_wait3A_65 = arith.constant 0 : i32
      %dma_wait3A_66 = tpu.memref_slice %arg2[%arg0, %dma_wait3A_64, %dma_wait3A_65] : memref<2x10000x64xf32, #tpu.memory_space<hbm>> -> memref<1x10000x64xf32, #tpu.memory_space<hbm>>
      %dma_wait3A_67 = tpu.memref_squeeze %dma_wait3A_66 : memref<1x10000x64xf32, #tpu.memory_space<hbm>> -> memref<10000x64xf32, #tpu.memory_space<hbm>>
      %dma_wait3A_68 = arith.constant 0 : i32
      %dma_wait3A_69 = arith.constant 0 : i32
      %dma_wait3A_70 = tpu.memref_slice %dma_wait3A_67[%dma_wait3A_68, %dma_wait3A_69] : memref<10000x64xf32, #tpu.memory_space<hbm>> -> memref<10000x64xf32, #tpu.memory_space<hbm>>
      tpu.wait_indirect_dma semaphore(%arg13 : memref<!tpu.dma_semaphore, #tpu.memory_space<semaphore_mem>>) src(%dma_wait3A_70 : memref<10000x64xf32, #tpu.memory_space<hbm>>) dst(%arg10 : memref<128x64xf32, #tpu.memory_space<vmem>>)
      %add3A_71 = arith.constant 1 : i32
      %add3A_72 = arith.addi %add3A_31, %add3A_71 : i32
      "tpu.region"() ({
        %run_scoped3A = tpu.sem_alloc : memref<!tpu.dma_semaphore, #tpu.memory_space<semaphore_mem>>
        %dma_start3A_73 = arith.constant 0 : i32
        %dma_start3A_74 = tpu.memref_slice %arg8[%add3A_72, %dma_start3A_73] : memref<158x128xi32, #tpu.memory_space<vmem>> -> memref<1x128xi32, #tpu.memory_space<vmem>>
        %dma_start3A_75 = tpu.memref_squeeze %dma_start3A_74 : memref<1x128xi32, #tpu.memory_space<vmem>> -> memref<128xi32, #tpu.memory_space<vmem>>
        %dma_start3A_76 = arith.constant 0 : i32
        %dma_start3A_77 = arith.constant 0 : i32
        %dma_start3A_78 = tpu.memref_slice %arg11[%dma_start3A_76, %dma_start3A_77] : memref<10512x64xf32, #tpu.memory_space<vmem_shared>> -> memref<10512x64xf32, #tpu.memory_space<vmem_shared>>
        tpu.enqueue_indirect_dma source(%arg10 : memref<128x64xf32, #tpu.memory_space<vmem>>) target(%dma_start3A_78 : memref<10512x64xf32, #tpu.memory_space<vmem_shared>>) offsets(%dma_start3A_75 : memref<128xi32, #tpu.memory_space<vmem>>) semaphore(%run_scoped3A : memref<!tpu.dma_semaphore, #tpu.memory_space<semaphore_mem>>) {add = true}
        %dma_wait3A_79 = arith.constant 0 : i32
        %dma_wait3A_80 = tpu.memref_slice %arg8[%add3A_72, %dma_wait3A_79] : memref<158x128xi32, #tpu.memory_space<vmem>> -> memref<1x128xi32, #tpu.memory_space<vmem>>
        %dma_wait3A_81 = tpu.memref_squeeze %dma_wait3A_80 : memref<1x128xi32, #tpu.memory_space<vmem>> -> memref<128xi32, #tpu.memory_space<vmem>>
        %dma_wait3A_82 = arith.constant 0 : i32
        %dma_wait3A_83 = arith.constant 0 : i32
        %dma_wait3A_84 = tpu.memref_slice %arg11[%dma_wait3A_82, %dma_wait3A_83] : memref<10512x64xf32, #tpu.memory_space<vmem_shared>> -> memref<10512x64xf32, #tpu.memory_space<vmem_shared>>
        tpu.wait_indirect_dma semaphore(%run_scoped3A : memref<!tpu.dma_semaphore, #tpu.memory_space<semaphore_mem>>) src(%arg10 : memref<128x64xf32, #tpu.memory_space<vmem>>) dst(%dma_wait3A_84 : memref<10512x64xf32, #tpu.memory_space<vmem_shared>>)
        tpu.yield
      }) : () -> ()
    }
    %scan3A_16 = arith.constant 79 : i32
    %barrier3A_17 = arith.constant 0 : index
    tpu.barrier barrier_id(%barrier3A_17)
    %scan3A_18 = arith.constant 0 : i32
    %scan3A_19 = arith.constant 6 : i32
    %scan3A_20 = arith.addi %scan3A_18, %scan3A_19 : i32
    %scan3A_21 = arith.constant 1 : i32
    scf.for %scan3A_28 = %scan3A_18 to %scan3A_20 step %scan3A_21  : i32 {
      %mul3A_29 = arith.constant 1 : i32
      %mul3A_30 = arith.muli %scan3A_28, %mul3A_29 : i32
      %add3A = arith.constant 0 : i32
      %add3A_31 = arith.addi %add3A, %mul3A_30 : i32
      %mul3A_32 = arith.constant 624 : i32
      %mul3A_33 = arith.muli %arg1, %mul3A_32 : i32
      %mul3A_34 = arith.constant 104 : i32
      %mul3A_35 = arith.muli %add3A_31, %mul3A_34 : i32
      %add3A_36 = arith.addi %mul3A_33, %mul3A_35 : i32
      "tpu.region"() ({
        %run_scoped3A = tpu.sem_alloc : memref<!tpu.dma_semaphore, #tpu.memory_space<semaphore_mem>>
        %dma_start3A_37 = arith.constant 0 : i32
        %dma_start3A_38 = arith.constant 0 : i32
        %dma_start3A_39 = tpu.memref_slice %arg9[%dma_start3A_37, %dma_start3A_38] : memref<128x64xf32, #tpu.memory_space<vmem>> -> memref<104x64xf32, #tpu.memory_space<vmem>>
        %dma_start3A_40 = arith.constant 0 : i32
        %dma_start3A_41 = tpu.memref_slice %arg11[%add3A_36, %dma_start3A_40] : memref<10512x64xf32, #tpu.memory_space<vmem_shared>> -> memref<104x64xf32, #tpu.memory_space<vmem_shared>>
        %dma_start3A_42 = arith.constant 0 : i32
        %dma_start3A_43 = arith.constant 0 : i32
        %dma_start3A_44 = tpu.memref_slice %arg9[%dma_start3A_42, %dma_start3A_43] : memref<128x64xf32, #tpu.memory_space<vmem>> -> memref<104x64xf32, #tpu.memory_space<vmem>>
        %dma_start3A_45 = arith.constant 0 : i32
        %dma_start3A_46 = tpu.memref_slice %arg11[%add3A_36, %dma_start3A_45] : memref<10512x64xf32, #tpu.memory_space<vmem_shared>> -> memref<104x64xf32, #tpu.memory_space<vmem_shared>>
        tpu.enqueue_dma source(%dma_start3A_46 : memref<104x64xf32, #tpu.memory_space<vmem_shared>>) target(%dma_start3A_44 : memref<104x64xf32, #tpu.memory_space<vmem>>) target_semaphore(%run_scoped3A : memref<!tpu.dma_semaphore, #tpu.memory_space<semaphore_mem>>)
        %dma_wait3A = arith.constant 0 : i32
        %dma_wait3A_47 = arith.constant 0 : i32
        %dma_wait3A_48 = tpu.memref_slice %arg9[%dma_wait3A, %dma_wait3A_47] : memref<128x64xf32, #tpu.memory_space<vmem>> -> memref<104x64xf32, #tpu.memory_space<vmem>>
        %dma_wait3A_49 = arith.constant 0 : i32
        %dma_wait3A_50 = tpu.memref_slice %arg11[%add3A_36, %dma_wait3A_49] : memref<10512x64xf32, #tpu.memory_space<vmem_shared>> -> memref<104x64xf32, #tpu.memory_space<vmem_shared>>
        %dma_wait3A_51 = arith.constant 0 : i32
        %dma_wait3A_52 = arith.constant 0 : i32
        %dma_wait3A_53 = tpu.memref_slice %arg9[%dma_wait3A_51, %dma_wait3A_52] : memref<128x64xf32, #tpu.memory_space<vmem>> -> memref<104x64xf32, #tpu.memory_space<vmem>>
        %dma_wait3A_54 = arith.constant 0 : i32
        %dma_wait3A_55 = tpu.memref_slice %arg11[%add3A_36, %dma_wait3A_54] : memref<10512x64xf32, #tpu.memory_space<vmem_shared>> -> memref<104x64xf32, #tpu.memory_space<vmem_shared>>
        tpu.wait_dma2 semaphore(%run_scoped3A : memref<!tpu.dma_semaphore, #tpu.memory_space<semaphore_mem>>) src(%dma_wait3A_55 : memref<104x64xf32, #tpu.memory_space<vmem_shared>>) dst(%dma_wait3A_53 : memref<104x64xf32, #tpu.memory_space<vmem>>)
        tpu.yield
      }) : () -> ()
      "tpu.region"() ({
        %run_scoped3A = tpu.sem_alloc : memref<!tpu.dma_semaphore, #tpu.memory_space<semaphore_mem>>
        %dma_start3A_37 = arith.constant 0 : i32
        %dma_start3A_38 = arith.constant 0 : i32
        %dma_start3A_39 = tpu.memref_slice %arg9[%dma_start3A_37, %dma_start3A_38] : memref<128x64xf32, #tpu.memory_space<vmem>> -> memref<104x64xf32, #tpu.memory_space<vmem>>
        %dma_start3A_40 = arith.constant 0 : i32
        %dma_start3A_41 = tpu.memref_slice %arg6[%arg0, %add3A_36, %dma_start3A_40] : memref<2x10000x64xf32, #tpu.memory_space<hbm>> -> memref<1x104x64xf32, #tpu.memory_space<hbm>>
        %dma_start3A_42 = tpu.memref_squeeze %dma_start3A_41 : memref<1x104x64xf32, #tpu.memory_space<hbm>> -> memref<104x64xf32, #tpu.memory_space<hbm>>
        %dma_start3A_43 = arith.constant 0 : i32
        %dma_start3A_44 = tpu.memref_slice %arg6[%arg0, %add3A_36, %dma_start3A_43] : memref<2x10000x64xf32, #tpu.memory_space<hbm>> -> memref<1x104x64xf32, #tpu.memory_space<hbm>>
        %dma_start3A_45 = tpu.memref_squeeze %dma_start3A_44 : memref<1x104x64xf32, #tpu.memory_space<hbm>> -> memref<104x64xf32, #tpu.memory_space<hbm>>
        %dma_start3A_46 = arith.constant 0 : i32
        %dma_start3A_47 = arith.constant 0 : i32
        %dma_start3A_48 = tpu.memref_slice %arg9[%dma_start3A_46, %dma_start3A_47] : memref<128x64xf32, #tpu.memory_space<vmem>> -> memref<104x64xf32, #tpu.memory_space<vmem>>
        tpu.enqueue_dma source(%dma_start3A_48 : memref<104x64xf32, #tpu.memory_space<vmem>>) target(%dma_start3A_45 : memref<104x64xf32, #tpu.memory_space<hbm>>) target_semaphore(%run_scoped3A : memref<!tpu.dma_semaphore, #tpu.memory_space<semaphore_mem>>)
        %dma_wait3A = arith.constant 0 : i32
        %dma_wait3A_49 = arith.constant 0 : i32
        %dma_wait3A_50 = tpu.memref_slice %arg9[%dma_wait3A, %dma_wait3A_49] : memref<128x64xf32, #tpu.memory_space<vmem>> -> memref<104x64xf32, #tpu.memory_space<vmem>>
        %dma_wait3A_51 = arith.constant 0 : i32
        %dma_wait3A_52 = tpu.memref_slice %arg6[%arg0, %add3A_36, %dma_wait3A_51] : memref<2x10000x64xf32, #tpu.memory_space<hbm>> -> memref<1x104x64xf32, #tpu.memory_space<hbm>>
        %dma_wait3A_53 = tpu.memref_squeeze %dma_wait3A_52 : memref<1x104x64xf32, #tpu.memory_space<hbm>> -> memref<104x64xf32, #tpu.memory_space<hbm>>
        %dma_wait3A_54 = arith.constant 0 : i32
        %dma_wait3A_55 = tpu.memref_slice %arg6[%arg0, %add3A_36, %dma_wait3A_54] : memref<2x10000x64xf32, #tpu.memory_space<hbm>> -> memref<1x104x64xf32, #tpu.memory_space<hbm>>
        %dma_wait3A_56 = tpu.memref_squeeze %dma_wait3A_55 : memref<1x104x64xf32, #tpu.memory_space<hbm>> -> memref<104x64xf32, #tpu.memory_space<hbm>>
        %dma_wait3A_57 = arith.constant 0 : i32
        %dma_wait3A_58 = arith.constant 0 : i32
        %dma_wait3A_59 = tpu.memref_slice %arg9[%dma_wait3A_57, %dma_wait3A_58] : memref<128x64xf32, #tpu.memory_space<vmem>> -> memref<104x64xf32, #tpu.memory_space<vmem>>
        tpu.wait_dma2 semaphore(%run_scoped3A : memref<!tpu.dma_semaphore, #tpu.memory_space<semaphore_mem>>) src(%dma_wait3A_59 : memref<104x64xf32, #tpu.memory_space<vmem>>) dst(%dma_wait3A_56 : memref<104x64xf32, #tpu.memory_space<hbm>>)
        tpu.yield
      }) : () -> ()
    }
    %scan3A_22 = arith.constant 6 : i32
    %eq3A_23 = arith.constant 15 : i32
    %eq3A_24 = arith.cmpi eq, %arg1, %eq3A_23 : i32
    %convert_element_type3A_25 = arith.extui %eq3A_24 : i1 to i32
    %cond3A_26 = arith.constant 0 : i32
    %cond3A_27 = arith.cmpi ne, %convert_element_type3A_25, %cond3A_26 : i32
    scf.if %cond3A_27 {
      "tpu.region"() ({
        %run_scoped3A = tpu.sem_alloc : memref<!tpu.dma_semaphore, #tpu.memory_space<semaphore_mem>>
        %dma_start3A_28 = arith.constant 0 : i32
        %dma_start3A_29 = arith.constant 0 : i32
        %dma_start3A_30 = tpu.memref_slice %arg9[%dma_start3A_28, %dma_start3A_29] : memref<128x64xf32, #tpu.memory_space<vmem>> -> memref<16x64xf32, #tpu.memory_space<vmem>>
        %dma_start3A_31 = arith.constant 9984 : i32
        %dma_start3A_32 = arith.constant 0 : i32
        %dma_start3A_33 = tpu.memref_slice %arg11[%dma_start3A_31, %dma_start3A_32] : memref<10512x64xf32, #tpu.memory_space<vmem_shared>> -> memref<16x64xf32, #tpu.memory_space<vmem_shared>>
        %dma_start3A_34 = arith.constant 0 : i32
        %dma_start3A_35 = arith.constant 0 : i32
        %dma_start3A_36 = tpu.memref_slice %arg9[%dma_start3A_34, %dma_start3A_35] : memref<128x64xf32, #tpu.memory_space<vmem>> -> memref<16x64xf32, #tpu.memory_space<vmem>>
        %dma_start3A_37 = arith.constant 9984 : i32
        %dma_start3A_38 = arith.constant 0 : i32
        %dma_start3A_39 = tpu.memref_slice %arg11[%dma_start3A_37, %dma_start3A_38] : memref<10512x64xf32, #tpu.memory_space<vmem_shared>> -> memref<16x64xf32, #tpu.memory_space<vmem_shared>>
        tpu.enqueue_dma source(%dma_start3A_39 : memref<16x64xf32, #tpu.memory_space<vmem_shared>>) target(%dma_start3A_36 : memref<16x64xf32, #tpu.memory_space<vmem>>) target_semaphore(%run_scoped3A : memref<!tpu.dma_semaphore, #tpu.memory_space<semaphore_mem>>)
        %dma_wait3A = arith.constant 0 : i32
        %dma_wait3A_40 = arith.constant 0 : i32
        %dma_wait3A_41 = tpu.memref_slice %arg9[%dma_wait3A, %dma_wait3A_40] : memref<128x64xf32, #tpu.memory_space<vmem>> -> memref<16x64xf32, #tpu.memory_space<vmem>>
        %dma_wait3A_42 = arith.constant 9984 : i32
        %dma_wait3A_43 = arith.constant 0 : i32
        %dma_wait3A_44 = tpu.memref_slice %arg11[%dma_wait3A_42, %dma_wait3A_43] : memref<10512x64xf32, #tpu.memory_space<vmem_shared>> -> memref<16x64xf32, #tpu.memory_space<vmem_shared>>
        %dma_wait3A_45 = arith.constant 0 : i32
        %dma_wait3A_46 = arith.constant 0 : i32
        %dma_wait3A_47 = tpu.memref_slice %arg9[%dma_wait3A_45, %dma_wait3A_46] : memref<128x64xf32, #tpu.memory_space<vmem>> -> memref<16x64xf32, #tpu.memory_space<vmem>>
        %dma_wait3A_48 = arith.constant 9984 : i32
        %dma_wait3A_49 = arith.constant 0 : i32
        %dma_wait3A_50 = tpu.memref_slice %arg11[%dma_wait3A_48, %dma_wait3A_49] : memref<10512x64xf32, #tpu.memory_space<vmem_shared>> -> memref<16x64xf32, #tpu.memory_space<vmem_shared>>
        tpu.wait_dma2 semaphore(%run_scoped3A : memref<!tpu.dma_semaphore, #tpu.memory_space<semaphore_mem>>) src(%dma_wait3A_50 : memref<16x64xf32, #tpu.memory_space<vmem_shared>>) dst(%dma_wait3A_47 : memref<16x64xf32, #tpu.memory_space<vmem>>)
        tpu.yield
      }) : () -> ()
      "tpu.region"() ({
        %run_scoped3A = tpu.sem_alloc : memref<!tpu.dma_semaphore, #tpu.memory_space<semaphore_mem>>
        %dma_start3A_28 = arith.constant 0 : i32
        %dma_start3A_29 = arith.constant 0 : i32
        %dma_start3A_30 = tpu.memref_slice %arg9[%dma_start3A_28, %dma_start3A_29] : memref<128x64xf32, #tpu.memory_space<vmem>> -> memref<16x64xf32, #tpu.memory_space<vmem>>
        %dma_start3A_31 = arith.constant 9984 : i32
        %dma_start3A_32 = arith.constant 0 : i32
        %dma_start3A_33 = tpu.memref_slice %arg6[%arg0, %dma_start3A_31, %dma_start3A_32] : memref<2x10000x64xf32, #tpu.memory_space<hbm>> -> memref<1x16x64xf32, #tpu.memory_space<hbm>>
        %dma_start3A_34 = tpu.memref_squeeze %dma_start3A_33 : memref<1x16x64xf32, #tpu.memory_space<hbm>> -> memref<16x64xf32, #tpu.memory_space<hbm>>
        %dma_start3A_35 = arith.constant 9984 : i32
        %dma_start3A_36 = arith.constant 0 : i32
        %dma_start3A_37 = tpu.memref_slice %arg6[%arg0, %dma_start3A_35, %dma_start3A_36] : memref<2x10000x64xf32, #tpu.memory_space<hbm>> -> memref<1x16x64xf32, #tpu.memory_space<hbm>>
        %dma_start3A_38 = tpu.memref_squeeze %dma_start3A_37 : memref<1x16x64xf32, #tpu.memory_space<hbm>> -> memref<16x64xf32, #tpu.memory_space<hbm>>
        %dma_start3A_39 = arith.constant 0 : i32
        %dma_start3A_40 = arith.constant 0 : i32
        %dma_start3A_41 = tpu.memref_slice %arg9[%dma_start3A_39, %dma_start3A_40] : memref<128x64xf32, #tpu.memory_space<vmem>> -> memref<16x64xf32, #tpu.memory_space<vmem>>
        tpu.enqueue_dma source(%dma_start3A_41 : memref<16x64xf32, #tpu.memory_space<vmem>>) target(%dma_start3A_38 : memref<16x64xf32, #tpu.memory_space<hbm>>) target_semaphore(%run_scoped3A : memref<!tpu.dma_semaphore, #tpu.memory_space<semaphore_mem>>)
        %dma_wait3A = arith.constant 0 : i32
        %dma_wait3A_42 = arith.constant 0 : i32
        %dma_wait3A_43 = tpu.memref_slice %arg9[%dma_wait3A, %dma_wait3A_42] : memref<128x64xf32, #tpu.memory_space<vmem>> -> memref<16x64xf32, #tpu.memory_space<vmem>>
        %dma_wait3A_44 = arith.constant 9984 : i32
        %dma_wait3A_45 = arith.constant 0 : i32
        %dma_wait3A_46 = tpu.memref_slice %arg6[%arg0, %dma_wait3A_44, %dma_wait3A_45] : memref<2x10000x64xf32, #tpu.memory_space<hbm>> -> memref<1x16x64xf32, #tpu.memory_space<hbm>>
        %dma_wait3A_47 = tpu.memref_squeeze %dma_wait3A_46 : memref<1x16x64xf32, #tpu.memory_space<hbm>> -> memref<16x64xf32, #tpu.memory_space<hbm>>
        %dma_wait3A_48 = arith.constant 9984 : i32
        %dma_wait3A_49 = arith.constant 0 : i32
        %dma_wait3A_50 = tpu.memref_slice %arg6[%arg0, %dma_wait3A_48, %dma_wait3A_49] : memref<2x10000x64xf32, #tpu.memory_space<hbm>> -> memref<1x16x64xf32, #tpu.memory_space<hbm>>
        %dma_wait3A_51 = tpu.memref_squeeze %dma_wait3A_50 : memref<1x16x64xf32, #tpu.memory_space<hbm>> -> memref<16x64xf32, #tpu.memory_space<hbm>>
        %dma_wait3A_52 = arith.constant 0 : i32
        %dma_wait3A_53 = arith.constant 0 : i32
        %dma_wait3A_54 = tpu.memref_slice %arg9[%dma_wait3A_52, %dma_wait3A_53] : memref<128x64xf32, #tpu.memory_space<vmem>> -> memref<16x64xf32, #tpu.memory_space<vmem>>
        tpu.wait_dma2 semaphore(%run_scoped3A : memref<!tpu.dma_semaphore, #tpu.memory_space<semaphore_mem>>) src(%dma_wait3A_54 : memref<16x64xf32, #tpu.memory_space<vmem>>) dst(%dma_wait3A_51 : memref<16x64xf32, #tpu.memory_space<hbm>>)
        tpu.yield
      }) : () -> ()
    } else {
    }
    return
  }
}

module attributes {stable_mosaic.version = 14 : i64} {
  func.func @_fused0_body(%arg0: memref<10000x128xf32, #tpu.memory_space<vmem>>, %arg1: memref<128x128xf32, #tpu.memory_space<vmem>>, %arg2: memref<32x10000xf32, #tpu.memory_space<vmem>>, %arg3: memref<32x10000xf32, #tpu.memory_space<vmem>>, %arg4: memref<10000x1xf32, #tpu.memory_space<vmem>>, %arg5: memref<10000x1xf32, #tpu.memory_space<vmem>>, %arg6: memref<2x10000x64xf32, #tpu.memory_space<vmem>>) attributes {dimension_semantics = [], scalar_prefetch = 0 : i64, scratch_operands = 0 : i64, tpu.core_type = #tpu.core_type<tc>} {
    %get3A = arith.constant 0 : index
    %get3A_0 = arith.constant 0 : index
    %get3A_1 = vector.load %arg2[%get3A, %get3A_0] : memref<32x10000xf32, #tpu.memory_space<vmem>>, vector<32x10000xf32>
    %reduce_sum3A = arith.constant dense<0.000000e+00> : vector<10000xf32>
    %reduce_sum3A_2 = vector.multi_reduction <add>, %get3A_1, %reduce_sum3A [0] : vector<32x10000xf32> to vector<10000xf32>
    %jit3A = arith.constant 1.000000e+00 : f32
    %max3A = vector.broadcast %jit3A : f32 to vector<10000xf32>
    %max3A_3 = arith.maximumf %max3A, %reduce_sum3A_2 : vector<10000xf32>
    %rsqrt3A = math.rsqrt %max3A_3 : vector<10000xf32>
    %get3A_4 = arith.constant 0 : index
    %get3A_5 = arith.constant 0 : index
    %get3A_6 = vector.load %arg3[%get3A_4, %get3A_5] : memref<32x10000xf32, #tpu.memory_space<vmem>>, vector<32x10000xf32>
    %reduce_sum3A_7 = arith.constant dense<0.000000e+00> : vector<10000xf32>
    %reduce_sum3A_8 = vector.multi_reduction <add>, %get3A_6, %reduce_sum3A_7 [0] : vector<32x10000xf32> to vector<10000xf32>
    %jit3A_9 = arith.constant 1.000000e+00 : f32
    %max3A_10 = vector.broadcast %jit3A_9 : f32 to vector<10000xf32>
    %max3A_11 = arith.maximumf %max3A_10, %reduce_sum3A_8 : vector<10000xf32>
    %rsqrt3A_12 = math.rsqrt %max3A_11 : vector<10000xf32>
    %broadcast_in_dim3A = vector.shape_cast %rsqrt3A : vector<10000xf32> to vector<10000x1xf32>
    %swap3A = arith.constant 0 : index
    %swap3A_13 = arith.constant 0 : index
    %swap3A_14 = vector.load %arg4[%swap3A, %swap3A_13] : memref<10000x1xf32, #tpu.memory_space<vmem>>, vector<10000x1xf32>
    tpu.vector_store %arg4[%swap3A, %swap3A_13], %broadcast_in_dim3A {strides = array<i32>} : memref<10000x1xf32, #tpu.memory_space<vmem>>, vector<10000x1xf32>,
    %broadcast_in_dim3A_15 = vector.shape_cast %rsqrt3A_12 : vector<10000xf32> to vector<10000x1xf32>
    %swap3A_16 = arith.constant 0 : index
    %swap3A_17 = arith.constant 0 : index
    %swap3A_18 = vector.load %arg5[%swap3A_16, %swap3A_17] : memref<10000x1xf32, #tpu.memory_space<vmem>>, vector<10000x1xf32>
    tpu.vector_store %arg5[%swap3A_16, %swap3A_17], %broadcast_in_dim3A_15 {strides = array<i32>} : memref<10000x1xf32, #tpu.memory_space<vmem>>, vector<10000x1xf32>,
    %get3A_19 = arith.constant 0 : index
    %get3A_20 = arith.constant 0 : index
    %get3A_21 = vector.load %arg0[%get3A_19, %get3A_20] : memref<10000x128xf32, #tpu.memory_space<vmem>>, vector<10000x128xf32>
    %max3A_22 = arith.constant 0.000000e+00 : f32
    %max3A_23 = vector.broadcast %max3A_22 : f32 to vector<10000x128xf32>
    %max3A_24 = arith.maximumf %get3A_21, %max3A_23 : vector<10000x128xf32>
    %broadcast_in_dim3A_25 = vector.shape_cast %rsqrt3A : vector<10000xf32> to vector<10000x1xf32>
    %mul3A = vector.broadcast %broadcast_in_dim3A_25 : vector<10000x1xf32> to vector<10000x128xf32>
    %mul3A_26 = arith.mulf %max3A_24, %mul3A : vector<10000x128xf32>
    %get3A_27 = arith.constant 0 : index
    %get3A_28 = arith.constant 0 : index
    %get3A_29 = vector.load %arg1[%get3A_27, %get3A_28] : memref<128x128xf32, #tpu.memory_space<vmem>>, vector<128x128xf32>
    %dot_general3A = arith.constant dense<0.000000e+00> : vector<10000x128xf32>
    %dot_general3A_30 = tpu.matmul %mul3A_26, %get3A_29, %dot_general3A {dimension_numbers = #tpu.dot_dimension_numbers<[1], [0], [0], [1], [0, 0, 1, 1], [], []>, transpose_lhs_hint = false} : vector<10000x128xf32>, vector<128x128xf32>, vector<10000x128xf32> -> vector<10000x128xf32>
    %slice3A = vector.extract_strided_slice %dot_general3A_30 {offsets = [0, 0], sizes = [10000, 64], strides = [1, 1]} : vector<10000x128xf32> to vector<10000x64xf32>
    %swap3A_31 = arith.constant 0 : index
    %swap3A_32 = arith.constant 0 : index
    %swap3A_33 = arith.constant 0 : index
    %swap3A_34 = vector.load %arg6[%swap3A_31, %swap3A_32, %swap3A_33] : memref<2x10000x64xf32, #tpu.memory_space<vmem>>, vector<1x10000x64xf32>
    %swap3A_35 = vector.shape_cast %swap3A_34 : vector<1x10000x64xf32> to vector<10000x64xf32>
    %swap3A_36 = vector.shape_cast %slice3A : vector<10000x64xf32> to vector<1x10000x64xf32>
    tpu.vector_store %arg6[%swap3A_31, %swap3A_32, %swap3A_33], %swap3A_36 {strides = array<i32>} : memref<2x10000x64xf32, #tpu.memory_space<vmem>>, vector<1x10000x64xf32>,
    %slice3A_37 = vector.extract_strided_slice %dot_general3A_30 {offsets = [0, 64], sizes = [10000, 64], strides = [1, 1]} : vector<10000x128xf32> to vector<10000x64xf32>
    %swap3A_38 = arith.constant 1 : index
    %swap3A_39 = arith.constant 0 : index
    %swap3A_40 = arith.constant 0 : index
    %swap3A_41 = vector.load %arg6[%swap3A_38, %swap3A_39, %swap3A_40] : memref<2x10000x64xf32, #tpu.memory_space<vmem>>, vector<1x10000x64xf32>
    %swap3A_42 = vector.shape_cast %swap3A_41 : vector<1x10000x64xf32> to vector<10000x64xf32>
    %swap3A_43 = vector.shape_cast %slice3A_37 : vector<10000x64xf32> to vector<1x10000x64xf32>
    tpu.vector_store %arg6[%swap3A_38, %swap3A_39, %swap3A_40], %swap3A_43 {strides = array<i32>} : memref<2x10000x64xf32, #tpu.memory_space<vmem>>, vector<1x10000x64xf32>,
    return
  }
}

module attributes {stable_mosaic.version = 14 : i64} {
  func.func @_layer_body(%arg0: i32, %arg1: memref<2x1000x64xf32, #tpu.memory_space<vmem>>, %arg2: memref<1000x1xf32, #tpu.memory_space<vmem>>, %arg3: memref<1000x1xf32, #tpu.memory_space<vmem>>, %arg4: memref<1x128xf32, #tpu.memory_space<vmem>>, %arg5: memref<128x128xf32, #tpu.memory_space<vmem>>, %arg6: memref<2x1000x64xf32, #tpu.memory_space<vmem>>) attributes {dimension_semantics = [#tpu.dimension_semantics<arbitrary>], iteration_bounds = array<i64: 10>, scalar_prefetch = 0 : i64, scratch_operands = 0 : i64, tpu.core_type = #tpu.core_type<tc>, window_params = [{transform_indices = @transform_0, window_bounds = array<i64: 2, 1000, 64>}, {transform_indices = @transform_1, window_bounds = array<i64: 1000, 1>}, {transform_indices = @transform_2, window_bounds = array<i64: 1000, 1>}, {pipeline_mode = #tpu.pipeline_mode<synchronous>, transform_indices = @transform_3, window_bounds = array<i64: 1, 128>}, {pipeline_mode = #tpu.pipeline_mode<synchronous>, transform_indices = @transform_4, window_bounds = array<i64: 128, 128>}, {transform_indices = @transform_5, window_bounds = array<i64: 2, 1000, 64>}]} {
    %get3A = arith.constant 0 : index
    %get3A_0 = arith.constant 0 : index
    %get3A_1 = arith.constant 0 : index
    %get3A_2 = vector.load %arg1[%get3A, %get3A_0, %get3A_1] : memref<2x1000x64xf32, #tpu.memory_space<vmem>>, vector<1x1000x64xf32>
    %get3A_3 = vector.shape_cast %get3A_2 : vector<1x1000x64xf32> to vector<1000x64xf32>
    %get3A_4 = arith.constant 1 : index
    %get3A_5 = arith.constant 0 : index
    %get3A_6 = arith.constant 0 : index
    %get3A_7 = vector.load %arg1[%get3A_4, %get3A_5, %get3A_6] : memref<2x1000x64xf32, #tpu.memory_space<vmem>>, vector<1x1000x64xf32>
    %get3A_8 = vector.shape_cast %get3A_7 : vector<1x1000x64xf32> to vector<1000x64xf32>
    %concatenate3A = tpu.concatenate %get3A_3, %get3A_8 in 1 : vector<1000x64xf32>, vector<1000x64xf32> -> vector<1000x128xf32>
    %get3A_9 = arith.constant 0 : index
    %get3A_10 = arith.constant 0 : index
    %get3A_11 = vector.load %arg2[%get3A_9, %get3A_10] : memref<1000x1xf32, #tpu.memory_space<vmem>>, vector<1000x1xf32>
    %mul3A = vector.broadcast %get3A_11 : vector<1000x1xf32> to vector<1000x128xf32>
    %mul3A_12 = arith.mulf %concatenate3A, %mul3A : vector<1000x128xf32>
    %get3A_13 = arith.constant 0 : index
    %get3A_14 = arith.constant 0 : index
    %get3A_15 = vector.load %arg4[%get3A_13, %get3A_14] : memref<1x128xf32, #tpu.memory_space<vmem>>, vector<1x128xf32>
    %add3A = vector.broadcast %get3A_15 : vector<1x128xf32> to vector<1000x128xf32>
    %add3A_16 = arith.addf %mul3A_12, %add3A : vector<1000x128xf32>
    %max3A = arith.constant 0.000000e+00 : f32
    %max3A_17 = vector.broadcast %max3A : f32 to vector<1000x128xf32>
    %max3A_18 = arith.maximumf %add3A_16, %max3A_17 : vector<1000x128xf32>
    %get3A_19 = arith.constant 0 : index
    %get3A_20 = arith.constant 0 : index
    %get3A_21 = vector.load %arg3[%get3A_19, %get3A_20] : memref<1000x1xf32, #tpu.memory_space<vmem>>, vector<1000x1xf32>
    %mul3A_22 = vector.broadcast %get3A_21 : vector<1000x1xf32> to vector<1000x128xf32>
    %mul3A_23 = arith.mulf %max3A_18, %mul3A_22 : vector<1000x128xf32>
    %get3A_24 = arith.constant 0 : index
    %get3A_25 = arith.constant 0 : index
    %get3A_26 = vector.load %arg5[%get3A_24, %get3A_25] : memref<128x128xf32, #tpu.memory_space<vmem>>, vector<128x128xf32>
    %dot_general3A = arith.constant dense<0.000000e+00> : vector<1000x128xf32>
    %dot_general3A_27 = tpu.matmul %mul3A_23, %get3A_26, %dot_general3A {dimension_numbers = #tpu.dot_dimension_numbers<[1], [0], [0], [1], [0, 0, 1, 1], [], []>, transpose_lhs_hint = false} : vector<1000x128xf32>, vector<128x128xf32>, vector<1000x128xf32> -> vector<1000x128xf32>
    %slice3A = vector.extract_strided_slice %dot_general3A_27 {offsets = [0, 0], sizes = [1000, 64], strides = [1, 1]} : vector<1000x128xf32> to vector<1000x64xf32>
    %swap3A = arith.constant 0 : index
    %swap3A_28 = arith.constant 0 : index
    %swap3A_29 = arith.constant 0 : index
    %swap3A_30 = vector.load %arg6[%swap3A, %swap3A_28, %swap3A_29] : memref<2x1000x64xf32, #tpu.memory_space<vmem>>, vector<1x1000x64xf32>
    %swap3A_31 = vector.shape_cast %swap3A_30 : vector<1x1000x64xf32> to vector<1000x64xf32>
    %swap3A_32 = vector.shape_cast %slice3A : vector<1000x64xf32> to vector<1x1000x64xf32>
    tpu.vector_store %arg6[%swap3A, %swap3A_28, %swap3A_29], %swap3A_32 {strides = array<i32>} : memref<2x1000x64xf32, #tpu.memory_space<vmem>>, vector<1x1000x64xf32>,
    %slice3A_33 = vector.extract_strided_slice %dot_general3A_27 {offsets = [0, 64], sizes = [1000, 64], strides = [1, 1]} : vector<1000x128xf32> to vector<1000x64xf32>
    %swap3A_34 = arith.constant 1 : index
    %swap3A_35 = arith.constant 0 : index
    %swap3A_36 = arith.constant 0 : index
    %swap3A_37 = vector.load %arg6[%swap3A_34, %swap3A_35, %swap3A_36] : memref<2x1000x64xf32, #tpu.memory_space<vmem>>, vector<1x1000x64xf32>
    %swap3A_38 = vector.shape_cast %swap3A_37 : vector<1x1000x64xf32> to vector<1000x64xf32>
    %swap3A_39 = vector.shape_cast %slice3A_33 : vector<1000x64xf32> to vector<1x1000x64xf32>
    tpu.vector_store %arg6[%swap3A_34, %swap3A_35, %swap3A_36], %swap3A_39 {strides = array<i32>} : memref<2x1000x64xf32, #tpu.memory_space<vmem>>, vector<1x1000x64xf32>,
    return
  }
  func.func @transform_0(%arg0: i32) -> (i32, i32, i32) {
    %c0_i32 = arith.constant 0 : i32
    %c0_i32_0 = arith.constant 0 : i32
    %c0_i32_1 = arith.constant 0 : i32
    return %c0_i32, %arg0, %c0_i32_0 : i32, i32, i32
  }
  func.func @transform_1(%arg0: i32) -> (i32, i32) {
    %c0_i32 = arith.constant 0 : i32
    %c0_i32_0 = arith.constant 0 : i32
    return %arg0, %c0_i32 : i32, i32
  }
  func.func @transform_2(%arg0: i32) -> (i32, i32) {
    %c0_i32 = arith.constant 0 : i32
    %c0_i32_0 = arith.constant 0 : i32
    return %arg0, %c0_i32 : i32, i32
  }
  func.func @transform_3(%arg0: i32) -> (i32, i32) {
    %c0_i32 = arith.constant 0 : i32
    %c0_i32_0 = arith.constant 0 : i32
    %c0_i32_1 = arith.constant 0 : i32
    return %c0_i32, %c0_i32_0 : i32, i32
  }
  func.func @transform_4(%arg0: i32) -> (i32, i32) {
    %c0_i32 = arith.constant 0 : i32
    %c0_i32_0 = arith.constant 0 : i32
    %c0_i32_1 = arith.constant 0 : i32
    return %c0_i32, %c0_i32_0 : i32, i32
  }
  func.func @transform_5(%arg0: i32) -> (i32, i32, i32) {
    %c0_i32 = arith.constant 0 : i32
    %c0_i32_0 = arith.constant 0 : i32
    %c0_i32_1 = arith.constant 0 : i32
    return %c0_i32, %arg0, %c0_i32_0 : i32, i32, i32
  }
}

module attributes {stable_mosaic.version = 14 : i64} {
  func.func @_layer_body(%arg0: i32, %arg1: memref<2x1000x64xf32, #tpu.memory_space<vmem>>, %arg2: memref<1000x1xf32, #tpu.memory_space<vmem>>, %arg3: memref<1000x1xf32, #tpu.memory_space<vmem>>, %arg4: memref<1x128xf32, #tpu.memory_space<vmem>>, %arg5: memref<128x64xf32, #tpu.memory_space<vmem>>, %arg6: memref<2x1000x32xf32, #tpu.memory_space<vmem>>) attributes {dimension_semantics = [#tpu.dimension_semantics<arbitrary>], iteration_bounds = array<i64: 10>, scalar_prefetch = 0 : i64, scratch_operands = 0 : i64, tpu.core_type = #tpu.core_type<tc>, window_params = [{transform_indices = @transform_0, window_bounds = array<i64: 2, 1000, 64>}, {transform_indices = @transform_1, window_bounds = array<i64: 1000, 1>}, {transform_indices = @transform_2, window_bounds = array<i64: 1000, 1>}, {pipeline_mode = #tpu.pipeline_mode<synchronous>, transform_indices = @transform_3, window_bounds = array<i64: 1, 128>}, {pipeline_mode = #tpu.pipeline_mode<synchronous>, transform_indices = @transform_4, window_bounds = array<i64: 128, 64>}, {transform_indices = @transform_5, window_bounds = array<i64: 2, 1000, 32>}]} {
    %get3A = arith.constant 0 : index
    %get3A_0 = arith.constant 0 : index
    %get3A_1 = arith.constant 0 : index
    %get3A_2 = vector.load %arg1[%get3A, %get3A_0, %get3A_1] : memref<2x1000x64xf32, #tpu.memory_space<vmem>>, vector<1x1000x64xf32>
    %get3A_3 = vector.shape_cast %get3A_2 : vector<1x1000x64xf32> to vector<1000x64xf32>
    %get3A_4 = arith.constant 1 : index
    %get3A_5 = arith.constant 0 : index
    %get3A_6 = arith.constant 0 : index
    %get3A_7 = vector.load %arg1[%get3A_4, %get3A_5, %get3A_6] : memref<2x1000x64xf32, #tpu.memory_space<vmem>>, vector<1x1000x64xf32>
    %get3A_8 = vector.shape_cast %get3A_7 : vector<1x1000x64xf32> to vector<1000x64xf32>
    %concatenate3A = tpu.concatenate %get3A_3, %get3A_8 in 1 : vector<1000x64xf32>, vector<1000x64xf32> -> vector<1000x128xf32>
    %get3A_9 = arith.constant 0 : index
    %get3A_10 = arith.constant 0 : index
    %get3A_11 = vector.load %arg2[%get3A_9, %get3A_10] : memref<1000x1xf32, #tpu.memory_space<vmem>>, vector<1000x1xf32>
    %mul3A = vector.broadcast %get3A_11 : vector<1000x1xf32> to vector<1000x128xf32>
    %mul3A_12 = arith.mulf %concatenate3A, %mul3A : vector<1000x128xf32>
    %get3A_13 = arith.constant 0 : index
    %get3A_14 = arith.constant 0 : index
    %get3A_15 = vector.load %arg4[%get3A_13, %get3A_14] : memref<1x128xf32, #tpu.memory_space<vmem>>, vector<1x128xf32>
    %add3A = vector.broadcast %get3A_15 : vector<1x128xf32> to vector<1000x128xf32>
    %add3A_16 = arith.addf %mul3A_12, %add3A : vector<1000x128xf32>
    %max3A = arith.constant 0.000000e+00 : f32
    %max3A_17 = vector.broadcast %max3A : f32 to vector<1000x128xf32>
    %max3A_18 = arith.maximumf %add3A_16, %max3A_17 : vector<1000x128xf32>
    %get3A_19 = arith.constant 0 : index
    %get3A_20 = arith.constant 0 : index
    %get3A_21 = vector.load %arg3[%get3A_19, %get3A_20] : memref<1000x1xf32, #tpu.memory_space<vmem>>, vector<1000x1xf32>
    %mul3A_22 = vector.broadcast %get3A_21 : vector<1000x1xf32> to vector<1000x128xf32>
    %mul3A_23 = arith.mulf %max3A_18, %mul3A_22 : vector<1000x128xf32>
    %get3A_24 = arith.constant 0 : index
    %get3A_25 = arith.constant 0 : index
    %get3A_26 = vector.load %arg5[%get3A_24, %get3A_25] : memref<128x64xf32, #tpu.memory_space<vmem>>, vector<128x64xf32>
    %dot_general3A = arith.constant dense<0.000000e+00> : vector<1000x64xf32>
    %dot_general3A_27 = tpu.matmul %mul3A_23, %get3A_26, %dot_general3A {dimension_numbers = #tpu.dot_dimension_numbers<[1], [0], [0], [1], [0, 0, 1, 1], [], []>, transpose_lhs_hint = false} : vector<1000x128xf32>, vector<128x64xf32>, vector<1000x64xf32> -> vector<1000x64xf32>
    %slice3A = vector.extract_strided_slice %dot_general3A_27 {offsets = [0, 0], sizes = [1000, 32], strides = [1, 1]} : vector<1000x64xf32> to vector<1000x32xf32>
    %swap3A = arith.constant 0 : index
    %swap3A_28 = arith.constant 0 : index
    %swap3A_29 = arith.constant 0 : index
    %swap3A_30 = vector.load %arg6[%swap3A, %swap3A_28, %swap3A_29] : memref<2x1000x32xf32, #tpu.memory_space<vmem>>, vector<1x1000x32xf32>
    %swap3A_31 = vector.shape_cast %swap3A_30 : vector<1x1000x32xf32> to vector<1000x32xf32>
    %swap3A_32 = vector.shape_cast %slice3A : vector<1000x32xf32> to vector<1x1000x32xf32>
    tpu.vector_store %arg6[%swap3A, %swap3A_28, %swap3A_29], %swap3A_32 {strides = array<i32>} : memref<2x1000x32xf32, #tpu.memory_space<vmem>>, vector<1x1000x32xf32>,
    %slice3A_33 = vector.extract_strided_slice %dot_general3A_27 {offsets = [0, 32], sizes = [1000, 32], strides = [1, 1]} : vector<1000x64xf32> to vector<1000x32xf32>
    %swap3A_34 = arith.constant 1 : index
    %swap3A_35 = arith.constant 0 : index
    %swap3A_36 = arith.constant 0 : index
    %swap3A_37 = vector.load %arg6[%swap3A_34, %swap3A_35, %swap3A_36] : memref<2x1000x32xf32, #tpu.memory_space<vmem>>, vector<1x1000x32xf32>
    %swap3A_38 = vector.shape_cast %swap3A_37 : vector<1x1000x32xf32> to vector<1000x32xf32>
    %swap3A_39 = vector.shape_cast %slice3A_33 : vector<1000x32xf32> to vector<1x1000x32xf32>
    tpu.vector_store %arg6[%swap3A_34, %swap3A_35, %swap3A_36], %swap3A_39 {strides = array<i32>} : memref<2x1000x32xf32, #tpu.memory_space<vmem>>, vector<1x1000x32xf32>,
    return
  }
  func.func @transform_0(%arg0: i32) -> (i32, i32, i32) {
    %c0_i32 = arith.constant 0 : i32
    %c0_i32_0 = arith.constant 0 : i32
    %c0_i32_1 = arith.constant 0 : i32
    return %c0_i32, %arg0, %c0_i32_0 : i32, i32, i32
  }
  func.func @transform_1(%arg0: i32) -> (i32, i32) {
    %c0_i32 = arith.constant 0 : i32
    %c0_i32_0 = arith.constant 0 : i32
    return %arg0, %c0_i32 : i32, i32
  }
  func.func @transform_2(%arg0: i32) -> (i32, i32) {
    %c0_i32 = arith.constant 0 : i32
    %c0_i32_0 = arith.constant 0 : i32
    return %arg0, %c0_i32 : i32, i32
  }
  func.func @transform_3(%arg0: i32) -> (i32, i32) {
    %c0_i32 = arith.constant 0 : i32
    %c0_i32_0 = arith.constant 0 : i32
    %c0_i32_1 = arith.constant 0 : i32
    return %c0_i32, %c0_i32_0 : i32, i32
  }
  func.func @transform_4(%arg0: i32) -> (i32, i32) {
    %c0_i32 = arith.constant 0 : i32
    %c0_i32_0 = arith.constant 0 : i32
    %c0_i32_1 = arith.constant 0 : i32
    return %c0_i32, %c0_i32_0 : i32, i32
  }
  func.func @transform_5(%arg0: i32) -> (i32, i32, i32) {
    %c0_i32 = arith.constant 0 : i32
    %c0_i32_0 = arith.constant 0 : i32
    %c0_i32_1 = arith.constant 0 : i32
    return %c0_i32, %arg0, %c0_i32_0 : i32, i32, i32
  }
}

module attributes {stable_mosaic.version = 14 : i64} {
  func.func @_final_body(%arg0: i32, %arg1: memref<2x1000x32xf32, #tpu.memory_space<vmem>>, %arg2: memref<1000x1xf32, #tpu.memory_space<vmem>>, %arg3: memref<1x64xf32, #tpu.memory_space<vmem>>, %arg4: memref<1000x64xf32, #tpu.memory_space<vmem>>) attributes {dimension_semantics = [#tpu.dimension_semantics<arbitrary>], iteration_bounds = array<i64: 10>, scalar_prefetch = 0 : i64, scratch_operands = 0 : i64, tpu.core_type = #tpu.core_type<tc>, window_params = [{transform_indices = @transform_0, window_bounds = array<i64: 2, 1000, 32>}, {transform_indices = @transform_1, window_bounds = array<i64: 1000, 1>}, {pipeline_mode = #tpu.pipeline_mode<synchronous>, transform_indices = @transform_2, window_bounds = array<i64: 1, 64>}, {transform_indices = @transform_3, window_bounds = array<i64: 1000, 64>}]} {
    %get3A = arith.constant 0 : index
    %get3A_0 = arith.constant 0 : index
    %get3A_1 = arith.constant 0 : index
    %get3A_2 = vector.load %arg1[%get3A, %get3A_0, %get3A_1] : memref<2x1000x32xf32, #tpu.memory_space<vmem>>, vector<1x1000x32xf32>
    %get3A_3 = vector.shape_cast %get3A_2 : vector<1x1000x32xf32> to vector<1000x32xf32>
    %get3A_4 = arith.constant 1 : index
    %get3A_5 = arith.constant 0 : index
    %get3A_6 = arith.constant 0 : index
    %get3A_7 = vector.load %arg1[%get3A_4, %get3A_5, %get3A_6] : memref<2x1000x32xf32, #tpu.memory_space<vmem>>, vector<1x1000x32xf32>
    %get3A_8 = vector.shape_cast %get3A_7 : vector<1x1000x32xf32> to vector<1000x32xf32>
    %concatenate3A = tpu.concatenate %get3A_3, %get3A_8 in 1 : vector<1000x32xf32>, vector<1000x32xf32> -> vector<1000x64xf32>
    %get3A_9 = arith.constant 0 : index
    %get3A_10 = arith.constant 0 : index
    %get3A_11 = vector.load %arg2[%get3A_9, %get3A_10] : memref<1000x1xf32, #tpu.memory_space<vmem>>, vector<1000x1xf32>
    %mul3A = vector.broadcast %get3A_11 : vector<1000x1xf32> to vector<1000x64xf32>
    %mul3A_12 = arith.mulf %concatenate3A, %mul3A : vector<1000x64xf32>
    %get3A_13 = arith.constant 0 : index
    %get3A_14 = arith.constant 0 : index
    %get3A_15 = vector.load %arg3[%get3A_13, %get3A_14] : memref<1x64xf32, #tpu.memory_space<vmem>>, vector<1x64xf32>
    %add3A = vector.broadcast %get3A_15 : vector<1x64xf32> to vector<1000x64xf32>
    %add3A_16 = arith.addf %mul3A_12, %add3A : vector<1000x64xf32>
    %swap3A = arith.constant 0 : index
    %swap3A_17 = arith.constant 0 : index
    %swap3A_18 = vector.load %arg4[%swap3A, %swap3A_17] : memref<1000x64xf32, #tpu.memory_space<vmem>>, vector<1000x64xf32>
    tpu.vector_store %arg4[%swap3A, %swap3A_17], %add3A_16 {strides = array<i32>} : memref<1000x64xf32, #tpu.memory_space<vmem>>, vector<1000x64xf32>,
    return
  }
  func.func @transform_0(%arg0: i32) -> (i32, i32, i32) {
    %c0_i32 = arith.constant 0 : i32
    %c0_i32_0 = arith.constant 0 : i32
    %c0_i32_1 = arith.constant 0 : i32
    return %c0_i32, %arg0, %c0_i32_0 : i32, i32, i32
  }
  func.func @transform_1(%arg0: i32) -> (i32, i32) {
    %c0_i32 = arith.constant 0 : i32
    %c0_i32_0 = arith.constant 0 : i32
    return %arg0, %c0_i32 : i32, i32
  }
  func.func @transform_2(%arg0: i32) -> (i32, i32) {
    %c0_i32 = arith.constant 0 : i32
    %c0_i32_0 = arith.constant 0 : i32
    %c0_i32_1 = arith.constant 0 : i32
    return %c0_i32, %c0_i32_0 : i32, i32
  }
  func.func @transform_3(%arg0: i32) -> (i32, i32) {
    %c0_i32 = arith.constant 0 : i32
    %c0_i32_0 = arith.constant 0 : i32
    return %arg0, %c0_i32 : i32, i32
  }
}

</mosaic_0001>

<sc_bundles>
// kernel: kernel.10.cloned.1.call-start
scs
__scs_entry_jumppad:
0x0: {  	(pc) =	sbr.rel $0x88, $3  }
0x1: {  	(tag) =	ssettag $0x0;
	lr =	simm.s32 $0x1  }
0x2: {  	[smem:$0x3F99] =	sst lr;
	_ =	strace $0xD0000000  }
0x3: {  	_ = 	snop  }
0x4: {  	_ = 	snop  }
0x5: {  	_ = 	snop  }
0x6: {  	_ = 	snop  }
0x7: {  	_ = 	snop  }
__scs_overlays_trampoline_lowered:
0x8: {  	[smem:$0x3FA8] =	sst s0  }
0x9: {  	[smem:$0x3FA9] =	sst s1  }
0xa: {  	[smem:$0x3FAA] =	sst s2  }
0xb: {  	[smem:$0x3FAB] =	sst s3  }
0xc: {  	[smem:$0x3FAC] =	sst s4  }
0xd: {  	[smem:$0x3FAD] =	sst s5  }
0xe: {  	[smem:$0x3FAE] =	sst s6  }
0xf: {  	[smem:$0x3FAF] =	sst s7  }
0x10: {  	[smem:$0x3FB0] =	sst s8  }
0x11: {  	[smem:$0x3FB1] =	sst s9;
	s0 =	simm.s32 @!p0 $0x0  }
0x12: {  	s1 =	sld [smem:$0x3F97];
	s0 =	simm.s32 @p0 $0x1  }
0x13: {  	[smem:$0x3FB2] =	sst s0;
	s0 =	simm.s32 @!p1 $0x0  }
0x14: {  	s2 =	sld [smem:$0x3F96];
	s0 =	simm.s32 @p1 $0x1  }
0x15: {  	[smem:$0x3FB3] =	sst s0;
	s0 =	simm.s32 @!p2 $0x0  }
0x16: {  	s3 =	sld [smem:$0x3FDB];
	s0 =	simm.s32 @p2 $0x1  }
0x17: {  	s4 =	simm.s32 $0x1BF5;
	[smem:$0x3FB5] =	sst s0  }
0x18: {  	s0 =	sld [smem:$0x3F98];
	_ =	swait.ge [sflag:s4], $0x0  }
0x19: {  	s7 =	sld [smem:$0x3F99]  }
0x1a: {  	s8 =	sadd.s32 $0xFFFFE003, lr  }
0x1b: {  	s9 =	sadd.s32 $0xFFFFFEF7, lr;
	s5 =	simm.s32 $0xFFFFFFFF;
	p2 =	slt.u32 s8, $0xFFFFF086  }
0x1c: {  	p1 =	slt.u32 s9, $0xF7A;
	s5 =	simm.s32 @!p2 $0x0  }
0x1d: {  	s5 =	simm.s32 @p1 $0x1;
	p0 =	seq.s32 s7, s2  }
0x1e: {  	s7 =	smul.u32 @!p0 $0xF7A, s2;
	p2 =	seq.s32 @!p0 s5, $0x0  }
0x1f: {  	s9 =	smul.u32 $0xF7A, s1;
	s8 =	simm.s32 @!p0 $0x1BF5;
	p2 =	por !p2, p0  }
0x20: {  	[sflag:s8] =	ssyncset.s32 @!p0 $0xFFFFF086;
	s6 =	sadd.s32 @!p0 s3, s7;
	s7 =	simm.s32 @!p0 $0x108  }
0x21: {  	s3 =	sadd.s32 s3, s9;
	s6 =	sadd.s32 @!p0 $0x88, s6;
	s7 =	simm.s32 @p2 $0x1082  }
0x22: {  	[simem:s7], [sflag:s8] =	dma.local @!p0 [hbm:s6], $0xF7A  }
0x23: {  	s9 =	sor.u32 $0xD0000000, s2;
	s6 =	simm.s32 $0x108;
	_ =	swait.ge @!p0 [sflag:s8], $0x0  }
0x24: {  	s3 =	sadd.s32 $0x88, s3;
	s6 =	simm.s32 @!p1 $0x1082;
	[sflag:s4] =	ssyncset.s32 $0xFFFFF086  }
0x25: {  	[simem:s6], [sflag:s4] =	dma.local [hbm:s3], $0xF7A  }
0x26: {  	[smem:$0x3F99] =	sst s1;
	(tag) =	ssettag s2;
	_ =	strace s9  }
0x27: {  	s1 =	sld [smem:$0x3FA9]  }
0x28: {  	s2 =	sld [smem:$0x3FAA]  }
0x29: {  	s4 =	sld [smem:$0x3FAC]  }
0x2a: {  	p0 =	seq.s32 s5, $0x0;
	s5 =	sld [smem:$0x3FAD]  }
0x2b: {  	s6 =	sld [smem:$0x3FAE]  }
0x2c: {  	s7 =	sld [smem:$0x3FAF]  }
0x2d: {  	s3 =	simm.s32 $0x108;
	s8 =	sld [smem:$0x3FB0]  }
0x2e: {  	s3 =	simm.s32 @!p0 $0x1082;
	s9 =	sld [smem:$0x3FB1]  }
0x2f: {  	lr =	sadd.s32 s0, s3;
	s0 =	sld [smem:$0x3FA8]  }
0x30: {  	s3 =	sld [smem:$0x3FAB]  }
0x31: {  	[smem:$0x3FB4] =	sst s10  }
0x32: {  	s10 =	sld [smem:$0x3FB2];
	_ =	sdelay $0x3  }
0x33: {  	p0 =	seq.s32 s10, $0x1;
	s10 =	sld [smem:$0x3FB4];
	_ =	sdelay $0x3  }
0x34: {  	[smem:$0x3FB4] =	sst s10  }
0x35: {  	s10 =	sld [smem:$0x3FB3];
	_ =	sdelay $0x3  }
0x36: {  	p1 =	seq.s32 s10, $0x1;
	s10 =	sld [smem:$0x3FB4];
	_ =	sdelay $0x3  }
0x37: {  	[smem:$0x3FB4] =	sst s10  }
0x38: {  	s10 =	sld [smem:$0x3FB5]  }
0x39: {  	_ = 	snop;
	(pc) =	sbr.ind lr, $3  }
0x3a: {  	_ = 	snop  }
0x3b: {  	_ = 	snop  }
0x3c: {  	p2 =	seq.s32 s10, $0x1;
	s10 =	sld [smem:$0x3FB4]  }
0x3d: {  	_ =	shalt  }
0x3e: {  	_ =	shalt  }
0x3f: {  	_ =	shalt  }
0x40: {  	_ =	shalt  }
0x41: {  	_ =	shalt  }
0x42: {  	_ =	shalt  }
0x43: {  	_ =	shalt  }
0x44: {  	_ =	shalt  }
0x45: {  	_ =	shalt  }
0x46: {  	_ =	shalt  }
0x47: {  	_ =	shalt  }
0x48: {  	_ =	shalt  }
0x49: {  	_ =	shalt  }
0x4a: {  	_ =	shalt  }
0x4b: {  	_ =	shalt  }
0x4c: {  	_ =	shalt  }
0x4d: {  	_ =	shalt  }
0x4e: {  	_ =	shalt  }
0x4f: {  	_ =	shalt  }
0x50: {  	_ =	shalt  }
0x51: {  	_ =	shalt  }
0x52: {  	_ =	shalt  }
0x53: {  	_ =	shalt  }
0x54: {  	_ =	shalt  }
0x55: {  	_ =	shalt  }
0x56: {  	_ =	shalt  }
0x57: {  	_ =	shalt  }
0x58: {  	_ =	shalt  }
0x59: {  	_ =	shalt  }
0x5a: {  	_ =	shalt  }
0x5b: {  	_ =	shalt  }
0x5c: {  	_ =	shalt  }
0x5d: {  	_ =	shalt  }
0x5e: {  	_ =	shalt  }
0x5f: {  	_ =	shalt  }
0x60: {  	_ =	shalt  }
0x61: {  	_ =	shalt  }
0x62: {  	_ =	shalt  }
0x63: {  	_ =	shalt  }
0x64: {  	_ =	shalt  }
0x65: {  	_ =	shalt  }
0x66: {  	_ =	shalt  }
0x67: {  	_ =	shalt  }
0x68: {  	_ =	shalt  }
0x69: {  	_ =	shalt  }
0x6a: {  	_ =	shalt  }
0x6b: {  	_ =	shalt  }
0x6c: {  	_ =	shalt  }
0x6d: {  	_ =	shalt  }
0x6e: {  	_ =	shalt  }
0x6f: {  	_ =	shalt  }
0x70: {  	_ =	shalt  }
0x71: {  	_ =	shalt  }
0x72: {  	_ =	shalt  }
0x73: {  	_ =	shalt  }
0x74: {  	_ =	shalt  }
0x75: {  	_ =	shalt  }
0x76: {  	_ =	shalt  }
0x77: {  	_ =	shalt  }
0x78: {  	_ =	shalt  }
0x79: {  	_ =	shalt  }
0x7a: {  	_ =	shalt  }
0x7b: {  	_ =	shalt  }
0x7c: {  	_ =	shalt  }
0x7d: {  	_ =	shalt  }
0x7e: {  	_ =	shalt  }
0x7f: {  	_ =	shalt  }
0x80: {  	_ =	shalt  }
0x81: {  	_ =	shalt  }
0x82: {  	_ =	shalt  }
0x83: {  	_ =	shalt  }
0x84: {  	_ =	shalt  }
0x85: {  	_ =	shalt  }
0x86: {  	_ =	shalt  }
0x87: {  	_ =	shalt  }
.Lfunc_end0:
.L_simem_size_0:
called_computation_lowered:
.L_overlay_start_0:
0x88: {  	s2 =	sld [smem:$0x3FD9]  }
0x89: {  	s3 =	sld [smem:$0x3FFE];
	_ =	sdelay $0x1  }
0x8a: {  	s1 =	srdreg.scid  }
0x8b: {  	s0 =	sand.u32 $0x1, s1  }
0x8c: {  	s17 =	sshll.u32 s0, $0xA;
	s2 =	sadd.s32 s3, s2  }
0x8d: {  	s2 =	sadd.s32 s2, s17  }
0x8e: {  	[smem:$0x3FC0] =	sst s2  }
0x8f: {  	_ = 	snop  }
0x90: {  	s2 =	sld [smem:$0x3FD0];
	(tm) =	ssettm $0x1  }
0x91: {  	s18 =	sld [smem:$0x3FFB];
	_ =	sdelay $0x3  }
0x92: {  	_ =	strace s18  }
0x93: {  	s3 =	sld [smem:$0x3FFC];
	_ =	sdelay $0x3  }
0x94: {  	_ =	strace s3  }
0x95: {  	s3 =	sld [smem:$0x3FFD];
	_ =	sdelay $0x3  }
0x96: {  	_ =	strace s3  }
0x97: {  	_ =	strace $0x8FFFFFFF  }
0x98: {  	s19 =	sld [smem:$0x3FDB];
	_ =	sdelay $0x1  }
0x99: {  	s4 =	simm.s32 $_scs_section_size  }
0x9a: {  	s5 =	simm.s32 $_size__tile_overlayer_lowered;
	s6 =	simm.s32 $_tile_overlayer_lowered  }
0x9b: {  	s22 =	simm.s32 $0x1BFF;
	s21 =	sshll.u32 s6, $0x1;
	s3 =	sadd.s32 s4, s19  }
0x9c: {  	s7 =	simm.s32 $0x0;
	s20 =	sshll.u32 s5, $0x1;
	s5 =	sadd.s32 s21, s3  }
0x9d: {  	[timem:s7], [sflag:s22] =	dma.local [hbm:s5], s20  }
0x9e: {  	_ =	swait.ge [sflag:s22], s20  }
0x9f: {  	s4 =	ssub.s32 $0x0, s20;
	[sflag:s22] =	ssyncset.done $0x0  }
0xa0: {  	[sflag:s22] =	ssyncadd.s32 s4;
	_ =	sdelay $0x1  }
0xa1: {  	s23 =	simm.s32 $0x1B8B  }
0xa2: {  	_ =	swait.ge [sflag:s23], $0x1  }
0xa3: {  	[sflag:s23] =	ssyncset.done $0x0  }
0xa4: {  	s25 =	simm.s32 $0x1B8E;
	s24 =	sld [smem:$0x3FFE];
	[sflag:s23] =	ssyncadd.s32 $0xFFFFFFFF  }
0xa5: {  	s26 =	simm.s32 $execute0_lowered;
	[smem:$0x3FD2] =	sst s25  }
0xa6: {  	s5 =	sshll.u32 s26, $0x1;
	_ =	strace $0x80000046;
	[dreg:$0x1] =	wrdreg $0xFFFFFFFF  }
0xa7: {  	s28 =	simm.s32 $_size_execute0_lowered;
	s3 =	sadd.s32 s3, s5;
	[dreg:$0x0] =	wrdreg $0x0  }
0xa8: {  	s5 =	sshll.u32 s28, $0x1;
	[dreg:$0x2] =	wrdreg s3  }
0xa9: {  	[dreg:$0x3] =	wrdreg s5  }
0xaa: {  	[dreg:$0x4] =	wrdreg $0xC0  }
0xab: {  	_ =	task [dreg:s7], $0x5FFFF  }
0xac: {  	[dreg:$0x1] =	wrdreg $0xFFFFFFFF  }
0xad: {  	[dreg:$0x0] =	wrdreg $0x60  }
0xae: {  	[dreg:$0x2] =	wrdreg s24  }
0xaf: {  	[dreg:$0x3] =	wrdreg s2  }
0xb0: {  	[dreg:$0x4] =	wrdreg $0x9  }
0xb1: {  	_ =	task.clear_ibuf [dreg:s7], $0x5FFFF;
	_ =	strace $0x90000046  }
0xb2: {  	s29 =	simm.s32 $0x9;
	_ =	strace $0x80000048  }
0xb3: {  	_ =	swait.ge [sflag:s29], $0x1  }
0xb4: {  	[sflag:s29] =	ssyncadd.s32 $0xFFFFFFFF  }
0xb5: {  	_ =	strace $0x90000048  }
0xb6: {  	_ =	sfence  }
0xb7: {  	s30 =	sld [smem:$0x0];
	_ =	sdelay $0x2  }
0xb8: {  	s31 =	sshll.u32 s1, $0xD;
	s1 =	sshrl.u32 s1, $0x2  }
0xb9: {  	s3 =	sand.u32 $0x4000, s31;
	s1 =	sadd.s32 s1, s30  }
0xba: {  	s0 =	sor.u32 s3, s0;
	s1 =	sshll.u32 s1, $0x11  }
0xbb: {  	s0 =	sor.u32 s1, s0  }
0xbc: {  	s0 =	sadd.s32 $0x8F2B, s0  }
0xbd: {  	[sflag:s0] =	ssyncadd.remote.s32 $0x1  }
0xbe: {  	_ =	sfence.sel $0xFFFF  }
0xbf: {  	[dreg:$0x0] =	wrdreg $0xFFFFFFFF;
	(pc) =	sbr.abs _section_cstart, $3  }
0xc0: {  	[dreg:$0x1] =	wrdreg $0xFFFFFFFF  }
0xc1: {  	_ =	task.clear_ibuf [dreg:s7], $0x2FFFF;
	_ =	strace $0x9FFFFFFF  }
0xc2: {  	(tm) =	ssettm $0x7FFFFFFF  }
0xc3: {  	_ =	shalt  }
tec
execute0_lowered:
.L_overlay_start_1:
0x0: {  	(tag) =	ssettag $0x1  }
0x1: {  	s0 =	srdreg.scid  }
0x2: {  	s4 =	rddreg [dreg:$0x0];
	s3 =	sand.u32 $0x1, s0  }
0x3: {  	s5 =	rddreg [dreg:$0x1];
	s0 =	stileid.u32;
	s1 =	sshll.u32 s3, $0x4  }
0x4: {  	s2 =	simm.s32 $0x0;
	s9 =	simm.s32 $0x2710;
	s6 =	sor.u32 s0, s1  }
0x5: {  	[smem:$0x7FF] =	sst s2;
	s3 =	ssub.s32 $0x2, s3;
	s6 =	smul.u32 $0x4E2, s6  }
0x6: {  	s10 =	simm.s32 $0x0;
	s1 =	rddreg [dreg:$0x2];
	s31 =	sshrl.u32 s3, $0x1  }
0x7: {  	_ =	strace $0x80000047;
	s8 =	ssub.s32 s3, s31;
	s7 =	sadd.s32 s6, s4  }
0x8: {  	s5 =	sadd.s32 s5, s6;
	s3 =	sadd.s32 $0x2800, s7;
	s4 =	sadd.s32 $0x16400, s7  }
0x9: {  	v0 =	vimm.f32 $0.0e+00;
	v1 =	vimm.f32 $1.000000000e+00;
	s6 =	sadd.s32 $0xC600, s7;
	s7 =	smax.u32 s8, $0x1;
	s8 =	simm.s32 $0x1  }
.LBB2_1:
0xa: {  	[tilespmem:s2], [sflag:$0x1] =	stream.linear.gather [hbm4b:s3+s2], $0x2710, $0x38;
	[tilespmem:$0x4E20] =	vst v63  }
0xb: {  	_ =	swait.ge [sflag:s8], $0x2710  }
0xc: {  	[sflag:s8] =	ssyncset.done $0x0  }
0xd: {  	s11 =	simm.s32 $0x0;
	[sflag:s8] =	ssyncadd.s32 $0xFFFFD8F0  }
.LBB2_2:
0xe: {  	p0 =	sne.s32 s11, $0x9C00  }
.Ltmp0:
0xf: {  	_ = 	snop;
	(pc) =	sbr.rel @p0 .LBB2_2-.Ltmp0, $3  }
0x10: {  	_ =	sdelay $0x1  }
0x11: {  	s12 =	sshra.s32 s11, $0x2  }
0x12: {  	s11 =	sadd.s32 $0x40, s11;
	[tilespmem:s12+$0x2710] =	vst v0  }
0x13: {  	s12 =	simm.s32 $0x0;
	s11 =	simm.s32 $0x40  }
.LBB2_4:
0x14: {  	p0 =	sne.s32 s11, $0x9C00;
	v2 =	vld [tilespmem:s12+$0x0];
	_ =	sdelay $0x3  }
.Ltmp1:
0x15: {  	(pc) =	sbr.rel @p0 .LBB2_4-.Ltmp1, $2  }
0x16: {  	_ =	sdelay $0x2  }
0x17: {  	s12 =	sshra.s32 s11, $0x2;
	s11 =	sadd.s32 $0x40, s11;
	[tilespmem:v2+s9+$0x0] =	vst.idx.add.f32.msk $0xffff, v1  }
0x18: {  	v2 =	vld [tilespmem:s12+$0x0];
	_ =	sdelay $0x7  }
0x19: {  	s11 =	simm.s32 $0x0;
	[tilespmem:v2+s9+$0x0] =	vst.idx.add.f32.msk $0xffff, v1  }
0x1a: {  	[hbm4b:s4+s11] =	stream.linear.scatter [tilespmem:s9], [sflag:$0x1], $0x2710, $0x38;
	[tilespmem:$0x4E20] =	vst v63  }
0x1b: {  	_ =	swait.ge [sflag:s8], $0x2710  }
0x1c: {  	[sflag:s8] =	ssyncset.done $0x0  }
0x1d: {  	[sflag:s8] =	ssyncadd.s32 $0xFFFFD8F0  }
0x1e: {  	[tilespmem:s11], [sflag:$0x1] =	stream.linear.gather [hbm4b:s5+s11], $0x2710, $0x38;
	[tilespmem:$0x4E20] =	vst v63  }
0x1f: {  	_ =	swait.ge [sflag:s8], $0x2710  }
0x20: {  	[sflag:s8] =	ssyncset.done $0x0  }
0x21: {  	s12 =	simm.s32 $0x0;
	s11 =	simm.s32 $0x40;
	[sflag:s8] =	ssyncadd.s32 $0xFFFFD8F0  }
.LBB2_6:
0x22: {  	p0 =	sne.s32 s11, $0x9C00;
	[tilespmem:s12+$0x2710] =	vst v0;
	s12 =	smov.u32 s11;
	s11 =	sadd.s32 $0x40, s11  }
.Ltmp2:
0x23: {  	(pc) =	sbr.rel @p0 .LBB2_6-.Ltmp2, $2  }
0x24: {  	_ =	sdelay $0x2  }
0x25: {  	s12 =	sshra.s32 s12, $0x2  }
0x26: {  	[tilespmem:s12+$0x2710] =	vst v0;
	s12 =	simm.s32 $0x0;
	s11 =	simm.s32 $0x40  }
.LBB2_8:
0x27: {  	p0 =	sne.s32 s11, $0x9C00;
	v2 =	vld [tilespmem:s12+$0x0];
	_ =	sdelay $0x3  }
.Ltmp3:
0x28: {  	(pc) =	sbr.rel @p0 .LBB2_8-.Ltmp3, $2  }
0x29: {  	_ =	sdelay $0x2  }
0x2a: {  	s12 =	sshra.s32 s11, $0x2;
	s11 =	sadd.s32 $0x40, s11;
	[tilespmem:v2+s9+$0x0] =	vst.idx.add.f32.msk $0xffff, v1  }
0x2b: {  	v2 =	vld [tilespmem:s12+$0x0];
	_ =	sdelay $0x5  }
0x2c: {  	s10 =	sadd.s32 $0x1, s10  }
0x2d: {  	p0 =	sne.s32 s10, s7  }
.Ltmp4:
0x2e: {  	[tilespmem:v2+s9+$0x0] =	vst.idx.add.f32.msk $0xffff, v1;
	(pc) =	sbr.rel @p0 .LBB2_1-.Ltmp4, $4  }
0x2f: {  	[hbm4b:s6+s2] =	stream.linear.scatter [tilespmem:s9], [sflag:$0x1], $0x2710, $0x38;
	[tilespmem:$0x4E20] =	vst v63  }
0x30: {  	_ =	swait.ge [sflag:s8], $0x2710  }
0x31: {  	[sflag:s8] =	ssyncset.done $0x0  }
0x32: {  	[sflag:s8] =	ssyncadd.s32 $0xFFFFD8F0  }
0x33: {  	_ =	sfence.sel $0x180000  }
0x34: {  	[bflag:$0x0] =	sbarrier.arrive $0xFFFF  }
0x35: {  	p0 =	sne.s32 s0, $0x0;
	_ =	strace $0x90000047  }
0x36: {  	s0 =	sadd.s32 @!p0 $0x100000, s1;
	[bflag:$0x2] =	sbarrier.arrive $0xFFFF  }
0x37: {  	[sflag:s0] =	ssyncadd.tile.s32 @!p0 $0x1;
	_ =	shalt  }
.Lfunc_end2:
_tile_overlayer_lowered:
.L_overlay_start_2:
0x38: {  	(tag) =	ssettag $0x2  }
0x39: {  	s0 =	rddreg [dreg:$0x0];
	s2 =	stileid.u32  }
0x3a: {  	s1 =	rddreg [dreg:$0x1];
	p0 =	sne.s32 s2, $0x0  }
0x3b: {  	s3 =	rddreg [dreg:$0x2];
	[bflag:$0x3] =	sbarrier.arrive $0xFFFF;
	s2 =	simm.s32 @!p0 $0x1C01  }
0x3c: {  	[timem:s3], [sflag:s2] =	dma.local @!p0 [hbm:s0], s1  }
0x3d: {  	s0 =	simm.s32 @!p0 $0x1  }
0x3e: {  	_ =	swait.ge @!p0 [sflag:s0], s1  }
0x3f: {  	s1 =	ssub.s32 @!p0 $0x0, s1;
	[sflag:s0] =	ssyncset.done @!p0 $0x0  }
0x40: {  	[sflag:s0] =	ssyncadd.s32 @!p0 s1  }
0x41: {  	[bflag:$0x3] =	sbarrier.arrive $0xFFFF  }
0x42: {  	_ =	shalt  }

// kernel: kernel.13.cloned.1.call-start
scs
__scs_entry_jumppad:
0x0: {  	(pc) =	sbr.rel $0x88, $3  }
0x1: {  	(tag) =	ssettag $0x0;
	lr =	simm.s32 $0x1  }
0x2: {  	[smem:$0x3F99] =	sst lr;
	_ =	strace $0xD0000000  }
0x3: {  	_ = 	snop  }
0x4: {  	_ = 	snop  }
0x5: {  	_ = 	snop  }
0x6: {  	_ = 	snop  }
0x7: {  	_ = 	snop  }
__scs_overlays_trampoline_lowered:
0x8: {  	[smem:$0x3FA8] =	sst s0  }
0x9: {  	[smem:$0x3FA9] =	sst s1  }
0xa: {  	[smem:$0x3FAA] =	sst s2  }
0xb: {  	[smem:$0x3FAB] =	sst s3  }
0xc: {  	[smem:$0x3FAC] =	sst s4  }
0xd: {  	[smem:$0x3FAD] =	sst s5  }
0xe: {  	[smem:$0x3FAE] =	sst s6  }
0xf: {  	[smem:$0x3FAF] =	sst s7  }
0x10: {  	[smem:$0x3FB0] =	sst s8  }
0x11: {  	[smem:$0x3FB1] =	sst s9;
	s0 =	simm.s32 @!p0 $0x0  }
0x12: {  	s1 =	sld [smem:$0x3F97];
	s0 =	simm.s32 @p0 $0x1  }
0x13: {  	[smem:$0x3FB2] =	sst s0;
	s0 =	simm.s32 @!p1 $0x0  }
0x14: {  	s2 =	sld [smem:$0x3F96];
	s0 =	simm.s32 @p1 $0x1  }
0x15: {  	[smem:$0x3FB3] =	sst s0;
	s0 =	simm.s32 @!p2 $0x0  }
0x16: {  	s3 =	sld [smem:$0x3FDB];
	s0 =	simm.s32 @p2 $0x1  }
0x17: {  	s4 =	simm.s32 $0x1BF5;
	[smem:$0x3FB5] =	sst s0  }
0x18: {  	s0 =	sld [smem:$0x3F98];
	_ =	swait.ge [sflag:s4], $0x0  }
0x19: {  	s7 =	sld [smem:$0x3F99]  }
0x1a: {  	s8 =	sadd.s32 $0xFFFFE003, lr  }
0x1b: {  	s9 =	sadd.s32 $0xFFFFFEF7, lr;
	s5 =	simm.s32 $0xFFFFFFFF;
	p2 =	slt.u32 s8, $0xFFFFF086  }
0x1c: {  	p1 =	slt.u32 s9, $0xF7A;
	s5 =	simm.s32 @!p2 $0x0  }
0x1d: {  	s5 =	simm.s32 @p1 $0x1;
	p0 =	seq.s32 s7, s2  }
0x1e: {  	s7 =	smul.u32 @!p0 $0xF7A, s2;
	p2 =	seq.s32 @!p0 s5, $0x0  }
0x1f: {  	s9 =	smul.u32 $0xF7A, s1;
	s8 =	simm.s32 @!p0 $0x1BF5;
	p2 =	por !p2, p0  }
0x20: {  	[sflag:s8] =	ssyncset.s32 @!p0 $0xFFFFF086;
	s6 =	sadd.s32 @!p0 s3, s7;
	s7 =	simm.s32 @!p0 $0x108  }
0x21: {  	s3 =	sadd.s32 s3, s9;
	s6 =	sadd.s32 @!p0 $0x88, s6;
	s7 =	simm.s32 @p2 $0x1082  }
0x22: {  	[simem:s7], [sflag:s8] =	dma.local @!p0 [hbm:s6], $0xF7A  }
0x23: {  	s9 =	sor.u32 $0xD0000000, s2;
	s6 =	simm.s32 $0x108;
	_ =	swait.ge @!p0 [sflag:s8], $0x0  }
0x24: {  	s3 =	sadd.s32 $0x88, s3;
	s6 =	simm.s32 @!p1 $0x1082;
	[sflag:s4] =	ssyncset.s32 $0xFFFFF086  }
0x25: {  	[simem:s6], [sflag:s4] =	dma.local [hbm:s3], $0xF7A  }
0x26: {  	[smem:$0x3F99] =	sst s1;
	(tag) =	ssettag s2;
	_ =	strace s9  }
0x27: {  	s1 =	sld [smem:$0x3FA9]  }
0x28: {  	s2 =	sld [smem:$0x3FAA]  }
0x29: {  	s4 =	sld [smem:$0x3FAC]  }
0x2a: {  	p0 =	seq.s32 s5, $0x0;
	s5 =	sld [smem:$0x3FAD]  }
0x2b: {  	s6 =	sld [smem:$0x3FAE]  }
0x2c: {  	s7 =	sld [smem:$0x3FAF]  }
0x2d: {  	s3 =	simm.s32 $0x108;
	s8 =	sld [smem:$0x3FB0]  }
0x2e: {  	s3 =	simm.s32 @!p0 $0x1082;
	s9 =	sld [smem:$0x3FB1]  }
0x2f: {  	lr =	sadd.s32 s0, s3;
	s0 =	sld [smem:$0x3FA8]  }
0x30: {  	s3 =	sld [smem:$0x3FAB]  }
0x31: {  	[smem:$0x3FB4] =	sst s10  }
0x32: {  	s10 =	sld [smem:$0x3FB2];
	_ =	sdelay $0x3  }
0x33: {  	p0 =	seq.s32 s10, $0x1;
	s10 =	sld [smem:$0x3FB4];
	_ =	sdelay $0x3  }
0x34: {  	[smem:$0x3FB4] =	sst s10  }
0x35: {  	s10 =	sld [smem:$0x3FB3];
	_ =	sdelay $0x3  }
0x36: {  	p1 =	seq.s32 s10, $0x1;
	s10 =	sld [smem:$0x3FB4];
	_ =	sdelay $0x3  }
0x37: {  	[smem:$0x3FB4] =	sst s10  }
0x38: {  	s10 =	sld [smem:$0x3FB5]  }
0x39: {  	_ = 	snop;
	(pc) =	sbr.ind lr, $3  }
0x3a: {  	_ = 	snop  }
0x3b: {  	_ = 	snop  }
0x3c: {  	p2 =	seq.s32 s10, $0x1;
	s10 =	sld [smem:$0x3FB4]  }
0x3d: {  	_ =	shalt  }
0x3e: {  	_ =	shalt  }
0x3f: {  	_ =	shalt  }
0x40: {  	_ =	shalt  }
0x41: {  	_ =	shalt  }
0x42: {  	_ =	shalt  }
0x43: {  	_ =	shalt  }
0x44: {  	_ =	shalt  }
0x45: {  	_ =	shalt  }
0x46: {  	_ =	shalt  }
0x47: {  	_ =	shalt  }
0x48: {  	_ =	shalt  }
0x49: {  	_ =	shalt  }
0x4a: {  	_ =	shalt  }
0x4b: {  	_ =	shalt  }
0x4c: {  	_ =	shalt  }
0x4d: {  	_ =	shalt  }
0x4e: {  	_ =	shalt  }
0x4f: {  	_ =	shalt  }
0x50: {  	_ =	shalt  }
0x51: {  	_ =	shalt  }
0x52: {  	_ =	shalt  }
0x53: {  	_ =	shalt  }
0x54: {  	_ =	shalt  }
0x55: {  	_ =	shalt  }
0x56: {  	_ =	shalt  }
0x57: {  	_ =	shalt  }
0x58: {  	_ =	shalt  }
0x59: {  	_ =	shalt  }
0x5a: {  	_ =	shalt  }
0x5b: {  	_ =	shalt  }
0x5c: {  	_ =	shalt  }
0x5d: {  	_ =	shalt  }
0x5e: {  	_ =	shalt  }
0x5f: {  	_ =	shalt  }
0x60: {  	_ =	shalt  }
0x61: {  	_ =	shalt  }
0x62: {  	_ =	shalt  }
0x63: {  	_ =	shalt  }
0x64: {  	_ =	shalt  }
0x65: {  	_ =	shalt  }
0x66: {  	_ =	shalt  }
0x67: {  	_ =	shalt  }
0x68: {  	_ =	shalt  }
0x69: {  	_ =	shalt  }
0x6a: {  	_ =	shalt  }
0x6b: {  	_ =	shalt  }
0x6c: {  	_ =	shalt  }
0x6d: {  	_ =	shalt  }
0x6e: {  	_ =	shalt  }
0x6f: {  	_ =	shalt  }
0x70: {  	_ =	shalt  }
0x71: {  	_ =	shalt  }
0x72: {  	_ =	shalt  }
0x73: {  	_ =	shalt  }
0x74: {  	_ =	shalt  }
0x75: {  	_ =	shalt  }
0x76: {  	_ =	shalt  }
0x77: {  	_ =	shalt  }
0x78: {  	_ =	shalt  }
0x79: {  	_ =	shalt  }
0x7a: {  	_ =	shalt  }
0x7b: {  	_ =	shalt  }
0x7c: {  	_ =	shalt  }
0x7d: {  	_ =	shalt  }
0x7e: {  	_ =	shalt  }
0x7f: {  	_ =	shalt  }
0x80: {  	_ =	shalt  }
0x81: {  	_ =	shalt  }
0x82: {  	_ =	shalt  }
0x83: {  	_ =	shalt  }
0x84: {  	_ =	shalt  }
0x85: {  	_ =	shalt  }
0x86: {  	_ =	shalt  }
0x87: {  	_ =	shalt  }
.Lfunc_end0:
.L_simem_size_0:
called_computation.1_lowered:
.L_overlay_start_0:
0x88: {  	s2 =	sld [smem:$0x3FD9]  }
0x89: {  	s3 =	sld [smem:$0x3FFE];
	_ =	sdelay $0x1  }
0x8a: {  	s1 =	srdreg.scid  }
0x8b: {  	s0 =	sand.u32 $0x1, s1  }
0x8c: {  	s17 =	sshll.u32 s0, $0xA;
	s2 =	sadd.s32 s3, s2  }
0x8d: {  	s2 =	sadd.s32 s2, s17  }
0x8e: {  	[smem:$0x3FC0] =	sst s2  }
0x8f: {  	_ = 	snop  }
0x90: {  	s2 =	sld [smem:$0x3FD0];
	(tm) =	ssettm $0x1  }
0x91: {  	s18 =	sld [smem:$0x3FFB];
	_ =	sdelay $0x3  }
0x92: {  	_ =	strace s18  }
0x93: {  	s3 =	sld [smem:$0x3FFC];
	_ =	sdelay $0x3  }
0x94: {  	_ =	strace s3  }
0x95: {  	s3 =	sld [smem:$0x3FFD];
	_ =	sdelay $0x3  }
0x96: {  	_ =	strace s3  }
0x97: {  	_ =	strace $0x8FFFFFFF  }
0x98: {  	s19 =	sld [smem:$0x3FDB];
	_ =	sdelay $0x1  }
0x99: {  	s4 =	simm.s32 $_scs_section_size  }
0x9a: {  	s5 =	simm.s32 $_size__tile_overlayer_lowered;
	s6 =	simm.s32 $_tile_overlayer_lowered  }
0x9b: {  	s22 =	simm.s32 $0x1BFF;
	s21 =	sshll.u32 s6, $0x1;
	s3 =	sadd.s32 s4, s19  }
0x9c: {  	s7 =	simm.s32 $0x0;
	s20 =	sshll.u32 s5, $0x1;
	s5 =	sadd.s32 s21, s3  }
0x9d: {  	[timem:s7], [sflag:s22] =	dma.local [hbm:s5], s20  }
0x9e: {  	_ =	swait.ge [sflag:s22], s20  }
0x9f: {  	s4 =	ssub.s32 $0x0, s20;
	[sflag:s22] =	ssyncset.done $0x0  }
0xa0: {  	[sflag:s22] =	ssyncadd.s32 s4;
	_ =	sdelay $0x1  }
0xa1: {  	s23 =	simm.s32 $0x1B8B  }
0xa2: {  	_ =	swait.ge [sflag:s23], $0x1  }
0xa3: {  	[sflag:s23] =	ssyncset.done $0x0  }
0xa4: {  	s25 =	simm.s32 $0x1B8E;
	s24 =	sld [smem:$0x3FFE];
	[sflag:s23] =	ssyncadd.s32 $0xFFFFFFFF  }
0xa5: {  	s26 =	simm.s32 $execute0_lowered;
	[smem:$0x3FD2] =	sst s25  }
0xa6: {  	s5 =	sshll.u32 s26, $0x1;
	_ =	strace $0x80000049;
	[dreg:$0x1] =	wrdreg $0xFFFFFFFF  }
0xa7: {  	s28 =	simm.s32 $_size_execute0_lowered;
	s3 =	sadd.s32 s3, s5;
	[dreg:$0x0] =	wrdreg $0x0  }
0xa8: {  	s5 =	sshll.u32 s28, $0x1;
	[dreg:$0x2] =	wrdreg s3  }
0xa9: {  	[dreg:$0x3] =	wrdreg s5  }
0xaa: {  	[dreg:$0x4] =	wrdreg $0xC0  }
0xab: {  	_ =	task [dreg:s7], $0x5FFFF  }
0xac: {  	[dreg:$0x1] =	wrdreg $0xFFFFFFFF  }
0xad: {  	[dreg:$0x0] =	wrdreg $0x60  }
0xae: {  	[dreg:$0x2] =	wrdreg s24  }
0xaf: {  	[dreg:$0x3] =	wrdreg s2  }
0xb0: {  	[dreg:$0x4] =	wrdreg $0xDE000  }
0xb1: {  	[dreg:$0x5] =	wrdreg $0x9  }
0xb2: {  	_ =	task.clear_ibuf [dreg:s7], $0x6FFFF;
	_ =	strace $0x90000049  }
0xb3: {  	s29 =	simm.s32 $0x9;
	_ =	strace $0x8000004B  }
0xb4: {  	_ =	swait.ge [sflag:s29], $0x1  }
0xb5: {  	[sflag:s29] =	ssyncadd.s32 $0xFFFFFFFF  }
0xb6: {  	_ =	strace $0x9000004B  }
0xb7: {  	_ =	sfence  }
0xb8: {  	s30 =	sld [smem:$0x0];
	_ =	sdelay $0x2  }
0xb9: {  	s31 =	sshll.u32 s1, $0xD;
	s1 =	sshrl.u32 s1, $0x2  }
0xba: {  	s3 =	sand.u32 $0x4000, s31;
	s1 =	sadd.s32 s1, s30  }
0xbb: {  	s0 =	sor.u32 s3, s0;
	s1 =	sshll.u32 s1, $0x11  }
0xbc: {  	s0 =	sor.u32 s1, s0  }
0xbd: {  	s0 =	sadd.s32 $0x8F2B, s0  }
0xbe: {  	[sflag:s0] =	ssyncadd.remote.s32 $0x1  }
0xbf: {  	_ =	sfence.sel $0xFFFF  }
0xc0: {  	[dreg:$0x0] =	wrdreg $0xFFFFFFFF;
	(pc) =	sbr.abs _section_cstart, $3  }
0xc1: {  	[dreg:$0x1] =	wrdreg $0xFFFFFFFF  }
0xc2: {  	_ =	task.clear_ibuf [dreg:s7], $0x2FFFF;
	_ =	strace $0x9FFFFFFF  }
0xc3: {  	(tm) =	ssettm $0x7FFFFFFF  }
tec
execute0_lowered:
.L_overlay_start_1:
0x0: {  	(tag) =	ssettag $0x1  }
0x1: {  	s0 =	rddreg [dreg:$0x0]  }
0x2: {  	s2 =	rddreg [dreg:$0x2]  }
0x3: {  	s3 =	simm.s32 $0x0;
	s4 =	srdreg.scid;
	s1 =	stileid.u32  }
0x4: {  	s28 =	simm.s32 $0x9E00;
	s29 =	simm.s32 $0xBE00;
	s5 =	smul.u32 $0x9E0, s1  }
0x5: {  	s30 =	simm.s32 $0x1;
	s31 =	simm.s32 $0x2;
	s6 =	smul.u32 $0x27000, s1  }
0x6: {  	[smem:$0x7FF] =	sst s3;
	s4 =	sand.u32 $0x1, s4;
	s18 =	smul.u32 $0x9C00, s1  }
0x7: {  	p0 =	sne.s32 s1, $0xF;
	s19 =	smul.u32 $0x9C400, s4;
	s4 =	ssub.s32 $0x2, s4  }
0x8: {  	_ =	strace $0x8000004A;
	s7 =	sadd.s32 s5, s0;
	s13 =	sshrl.u32 s4, $0x1  }
0x9: {  	s10 =	sshrl.u32 s6, $0x2;
	s11 =	sadd.s32 s18, s2;
	s22 =	sadd.s32 $0x4E00, s18  }
0xa: {  	s8 =	sshrl.u32 s19, $0x3;
	s4 =	ssub.s32 s4, s13;
	s14 =	sadd.s32 $0x20200, s7  }
0xb: {  	s15 =	sadd.s32 $0x2A000, s7;
	s24 =	sadd.s32 s10, s2;
	s7 =	sadd.s32 $0x9C000, s2  }
0xc: {  	s17 =	sadd.s32 s19, s18;
	s13 =	sadd.s32 $0x1A00, s18;
	[dreg:$0x4] =	wrdreg s14  }
0xd: {  	s9 =	sadd.s32 s8, s0;
	s0 =	sadd.s32 $0x33E00, s0;
	[dreg:$0x5] =	wrdreg s15  }
0xe: {  	s10 =	smax.u32 s4, $0x1;
	s4 =	sshrl.u32 s17, $0x3;
	s14 =	sadd.s32 s19, s13  }
0xf: {  	s15 =	sadd.s32 $0x3400, s18;
	s13 =	sadd.s32 s13, s2;
	s17 =	sadd.s32 s22, s2  }
0x10: {  	s16 =	sadd.s32 s0, s8;
	s8 =	sadd.s32 $0x82000, s9;
	s12 =	sadd.s32 s0, s4  }
0x11: {  	s20 =	sshrl.u32 s14, $0x3;
	s4 =	sadd.s32 s19, s22;
	s22 =	sadd.s32 $0x8200, s18  }
0x12: {  	s9 =	sadd.s32 $0x13800, s16;
	s16 =	sadd.s32 s19, s15;
	s14 =	sadd.s32 s0, s20  }
0x13: {  	s15 =	sadd.s32 s15, s2;
	s20 =	sadd.s32 $0x6800, s18;
	s4 =	sshrl.u32 s4, $0x3  }
0x14: {  	s25 =	sadd.s32 s19, s22;
	s21 =	sshrl.u32 s16, $0x3;
	s18 =	sadd.s32 s0, s4  }
0x15: {  	s26 =	sshrl.u32 s25, $0x3;
	s16 =	sadd.s32 s0, s21;
	s21 =	sadd.s32 s19, s20  }
0x16: {  	s25 =	sshrl.u32 s24, $0x3;
	s19 =	sadd.s32 s20, s2;
	s23 =	sshrl.u32 s21, $0x3  }
0x17: {  	s21 =	sadd.s32 s22, s2;
	s22 =	sadd.s32 s0, s26;
	s26 =	simm.s32 $0x80  }
0x18: {  	s20 =	sadd.s32 s0, s23;
	s23 =	simm.s32 $0x3;
	s0 =	simm.s32 $0x0  }
.LBB2_1:
0x19: {  	s1 =	rddreg [dreg:$0x4]  }
0x1a: {  	[tilespmem:s3], [sflag:$0x3] =	stream.linear.gather [hbm4b:s1+s3], $0x4F00, $0x38;
	[tilespmem:$0x18240] =	vst v63  }
0x1b: {  	_ =	swait.ge [sflag:s23], $0x4F00  }
0x1c: {  	[sflag:s23] =	ssyncset.done $0x0  }
0x1d: {  	s4 =	simm.s32 $0x4F00;
	s5 =	rddreg [dreg:$0x5];
	[sflag:s23] =	ssyncadd.s32 $0xFFFFB100  }
0x1e: {  	[tilespmem:s4], [sflag:$0x3] =	stream.linear.gather [hbm4b:s5+s3], $0x4F00, $0x38;
	[tilespmem:$0x18240] =	vst v63  }
0x1f: {  	_ =	swait.ge [sflag:s23], $0x4F00  }
0x20: {  	s6 =	stileid.u32;
	[sflag:s23] =	ssyncset.done $0x0  }
0x21: {  	s24 =	sshll.u32 s6, $0x6;
	[sflag:s23] =	ssyncadd.s32 $0xFFFFB100  }
0x22: {  	s4 =	sor.u32 $0x1C03, s24;
	s1 =	rddreg [dreg:$0x1]  }
0x23: {  	[spmem:s25], [sflag:s4] =	dma.local [hbm:s1], $0x1380  }
0x24: {  	_ =	swait.ge [sflag:s23], $0x1380  }
0x25: {  	[sflag:s23] =	ssyncset.done $0x0  }
0x26: {  	s24 =	sshrl.u32 @!p0 s7, $0x3;
	[sflag:s23] =	ssyncadd.s32 $0xFFFFEC80  }
0x27: {  	[spmem:s24], [sflag:s4] =	dma.local @!p0 [hbm:s1], $0x1080  }
0x28: {  	s4 =	simm.s32 @!p0 $0x3  }
0x29: {  	_ =	swait.ge @!p0 [sflag:s4], $0x1080  }
0x2a: {  	[sflag:s4] =	ssyncset.done @!p0 $0x0  }
0x2b: {  	[sflag:s4] =	ssyncadd.s32 @!p0 $0xFFFFEF80  }
0x2c: {  	[bflag:$0x0] =	sbarrier.arrive $0xFFFF  }
0x2d: {  	[tilespmem:s28], [sflag:$0x1] =	stream.indirect.gather [hbm4b:s8+s26], $0x40, s3, s26, $0xb8;
	[tilespmem:$0x18240] =	vst v63  }
0x2e: {  	s1 =	simm.s32 $0x80  }
0x2f: {  	[tilespmem:s29], [sflag:$0x2] =	stream.indirect.gather [hbm4b:s8+s26], $0x40, s1, s26, $0xb8;
	[tilespmem:$0x18240] =	vst v63  }
0x30: {  	_ =	swait.ge [sflag:s30], $0x2000  }
0x31: {  	[sflag:s30] =	ssyncset.done $0x0  }
0x32: {  	s5 =	simm.s32 $0x4F00;
	[sflag:s30] =	ssyncadd.s32 $0xFFFFE000  }
0x33: {  	[spmem:s2] =	stream.indirect.scatter.add.f32 [tilespmem:s28], [sflag:$0x3], $0x40, s5, s26, $0xb8;
	[tilespmem:$0x18240] =	vst v63  }
0x34: {  	_ =	swait.ge [sflag:s23], $0x2000  }
0x35: {  	[sflag:s23] =	ssyncset.done $0x0  }
0x36: {  	s6 =	simm.s32 $0x100;
	[sflag:s23] =	ssyncadd.s32 $0xFFFFE000  }
0x37: {  	[tilespmem:s28], [sflag:$0x1] =	stream.indirect.gather [hbm4b:s8+s26], $0x40, s6, s26, $0xb8;
	[tilespmem:$0x18240] =	vst v63  }
0x38: {  	_ =	swait.ge [sflag:s31], $0x2000  }
0x39: {  	[sflag:s31] =	ssyncset.done $0x0  }
0x3a: {  	s24 =	simm.s32 $0x4F80;
	[sflag:s31] =	ssyncadd.s32 $0xFFFFE000  }
0x3b: {  	[spmem:s2] =	stream.indirect.scatter.add.f32 [tilespmem:s29], [sflag:$0x3], $0x40, s24, s26, $0xb8;
	[tilespmem:$0x18240] =	vst v63  }
0x3c: {  	_ =	swait.ge [sflag:s23], $0x2000  }
0x3d: {  	s4 =	simm.s32 $0x100;
	s24 =	simm.s32 $0x800;
	[sflag:s23] =	ssyncset.done $0x0  }
.LBB2_2:
0x3e: {  	s1 =	sadd.s32 $0x80, s4  }
0x3f: {  	[sflag:s23] =	ssyncadd.s32 $0xFFFFE000;
	s5 =	smov.u32 s24;
	s6 =	sadd.s32 $0x400, s24  }
0x40: {  	[tilespmem:s29], [sflag:$0x2] =	stream.indirect.gather [hbm4b:s8+s26], $0x40, s1, s26, $0xb8;
	[tilespmem:$0x18240] =	vst v63  }
0x41: {  	p1 =	sne.s32 s24, $0x13400;
	_ =	swait.ge [sflag:s30], $0x2000  }
0x42: {  	[sflag:s30] =	ssyncset.done $0x0  }
0x43: {  	s1 =	sadd.s32 $0x4F00, s4;
	[sflag:s30] =	ssyncadd.s32 $0xFFFFE000  }
0x44: {  	[spmem:s2] =	stream.indirect.scatter.add.f32 [tilespmem:s28], [sflag:$0x3], $0x40, s1, s26, $0xb8;
	[tilespmem:$0x18240] =	vst v63  }
0x45: {  	_ =	swait.ge [sflag:s23], $0x2000  }
0x46: {  	[sflag:s23] =	ssyncset.done $0x0  }
0x47: {  	s1 =	sadd.s32 $0x100, s4;
	[sflag:s23] =	ssyncadd.s32 $0xFFFFE000  }
0x48: {  	[tilespmem:s28], [sflag:$0x1] =	stream.indirect.gather [hbm4b:s8+s26], $0x40, s1, s26, $0xb8;
	[tilespmem:$0x18240] =	vst v63  }
0x49: {  	_ =	swait.ge [sflag:s31], $0x2000  }
.Ltmp0:
0x4a: {  	[sflag:s31] =	ssyncset.done $0x0;
	(pc) =	sbr.rel @p1 .LBB2_2-.Ltmp0, $4  }
0x4b: {  	s1 =	sadd.s32 $0x4F80, s4;
	[sflag:s31] =	ssyncadd.s32 $0xFFFFE000  }
0x4c: {  	[spmem:s2] =	stream.indirect.scatter.add.f32 [tilespmem:s29], [sflag:$0x3], $0x40, s1, s26, $0xb8;
	[tilespmem:$0x18240] =	vst v63  }
0x4d: {  	_ =	swait.ge [sflag:s23], $0x2000  }
0x4e: {  	s24 =	smov.u32 s6;
	s4 =	sshra.s32 s5, $0x2;
	[sflag:s23] =	ssyncset.done $0x0  }
0x4f: {  	s1 =	sadd.s32 $0x80, s4;
	[sflag:s23] =	ssyncadd.s32 $0xFFFFE000  }
0x50: {  	[tilespmem:s29], [sflag:$0x2] =	stream.indirect.gather [hbm4b:s8+s26], $0x40, s1, s26, $0xb8;
	[tilespmem:$0x18240] =	vst v63  }
0x51: {  	_ =	swait.ge [sflag:s30], $0x2000  }
0x52: {  	[sflag:s30] =	ssyncset.done $0x0  }
0x53: {  	s6 =	sadd.s32 $0x4F00, s4;
	[sflag:s30] =	ssyncadd.s32 $0xFFFFE000  }
0x54: {  	[spmem:s2] =	stream.indirect.scatter.add.f32 [tilespmem:s28], [sflag:$0x3], $0x40, s6, s26, $0xb8;
	[tilespmem:$0x18240] =	vst v63  }
0x55: {  	_ =	swait.ge [sflag:s23], $0x2000  }
0x56: {  	[sflag:s23] =	ssyncset.done $0x0  }
0x57: {  	s24 =	sadd.s32 $0x100, s4;
	[sflag:s23] =	ssyncadd.s32 $0xFFFFE000  }
0x58: {  	[tilespmem:s28], [sflag:$0x1] =	stream.indirect.gather [hbm4b:s8+s26], $0x40, s24, s26, $0xb8;
	[tilespmem:$0x18240] =	vst v63  }
0x59: {  	_ =	swait.ge [sflag:s31], $0x2000  }
0x5a: {  	[sflag:s31] =	ssyncset.done $0x0  }
0x5b: {  	s4 =	sadd.s32 $0x4F80, s4;
	[sflag:s31] =	ssyncadd.s32 $0xFFFFE000  }
0x5c: {  	[spmem:s2] =	stream.indirect.scatter.add.f32 [tilespmem:s29], [sflag:$0x3], $0x40, s4, s26, $0xb8;
	[tilespmem:$0x18240] =	vst v63  }
0x5d: {  	_ =	swait.ge [sflag:s23], $0x2000  }
0x5e: {  	[sflag:s23] =	ssyncset.done $0x0  }
0x5f: {  	s5 =	simm.s32 $0x4E80;
	[sflag:s23] =	ssyncadd.s32 $0xFFFFE000  }
0x60: {  	[tilespmem:s29], [sflag:$0x2] =	stream.indirect.gather [hbm4b:s8+s26], $0x40, s5, s26, $0xb8;
	[tilespmem:$0x18240] =	vst v63  }
0x61: {  	_ =	swait.ge [sflag:s30], $0x2000  }
0x62: {  	[sflag:s30] =	ssyncset.done $0x0  }
0x63: {  	s6 =	simm.s32 $0x9D00;
	[sflag:s30] =	ssyncadd.s32 $0xFFFFE000  }
0x64: {  	[spmem:s2] =	stream.indirect.scatter.add.f32 [tilespmem:s28], [sflag:$0x3], $0x40, s6, s26, $0xb8;
	[tilespmem:$0x18240] =	vst v63  }
0x65: {  	_ =	swait.ge [sflag:s23], $0x2000  }
0x66: {  	[sflag:s23] =	ssyncset.done $0x0  }
0x67: {  	[sflag:s23] =	ssyncadd.s32 $0xFFFFE000  }
0x68: {  	_ =	swait.ge [sflag:s31], $0x2000  }
0x69: {  	[sflag:s31] =	ssyncset.done $0x0  }
0x6a: {  	s24 =	simm.s32 $0x9D80;
	[sflag:s31] =	ssyncadd.s32 $0xFFFFE000  }
0x6b: {  	[spmem:s2] =	stream.indirect.scatter.add.f32 [tilespmem:s29], [sflag:$0x3], $0x40, s24, s26, $0xb8;
	[tilespmem:$0x18240] =	vst v63  }
0x6c: {  	_ =	swait.ge [sflag:s23], $0x2000  }
0x6d: {  	[sflag:s23] =	ssyncset.done $0x0  }
0x6e: {  	[sflag:s23] =	ssyncadd.s32 $0xFFFFE000  }
0x6f: {  	[bflag:$0x0] =	sbarrier.arrive $0xFFFF  }
0x70: {  	[tilespmem:s28], [sflag:$0x3] =	stream.linear.gather [spmem:s11], $0x1A00, $0x38;
	[tilespmem:$0x18240] =	vst v63  }
0x71: {  	_ =	swait.ge [sflag:s23], $0x1A00  }
0x72: {  	[sflag:s23] =	ssyncset.done $0x0  }
0x73: {  	[sflag:s23] =	ssyncadd.s32 $0xFFFFE600  }
0x74: {  	[hbm4b:s12+s3] =	stream.linear.scatter [tilespmem:s28], [sflag:$0x3], $0x1A00, $0x38;
	[tilespmem:$0x18240] =	vst v63  }
0x75: {  	_ =	swait.ge [sflag:s23], $0x1A00  }
0x76: {  	[sflag:s23] =	ssyncset.done $0x0  }
0x77: {  	[sflag:s23] =	ssyncadd.s32 $0xFFFFE600  }
0x78: {  	[tilespmem:s28], [sflag:$0x3] =	stream.linear.gather [spmem:s13], $0x1A00, $0x38;
	[tilespmem:$0x18240] =	vst v63  }
0x79: {  	_ =	swait.ge [sflag:s23], $0x1A00  }
0x7a: {  	[sflag:s23] =	ssyncset.done $0x0  }
0x7b: {  	[sflag:s23] =	ssyncadd.s32 $0xFFFFE600  }
0x7c: {  	[hbm4b:s14+s3] =	stream.linear.scatter [tilespmem:s28], [sflag:$0x3], $0x1A00, $0x38;
	[tilespmem:$0x18240] =	vst v63  }
0x7d: {  	_ =	swait.ge [sflag:s23], $0x1A00  }
0x7e: {  	[sflag:s23] =	ssyncset.done $0x0  }
0x7f: {  	[sflag:s23] =	ssyncadd.s32 $0xFFFFE600  }
0x80: {  	[tilespmem:s28], [sflag:$0x3] =	stream.linear.gather [spmem:s15], $0x1A00, $0x38;
	[tilespmem:$0x18240] =	vst v63  }
0x81: {  	_ =	swait.ge [sflag:s23], $0x1A00  }
0x82: {  	[sflag:s23] =	ssyncset.done $0x0  }
0x83: {  	[sflag:s23] =	ssyncadd.s32 $0xFFFFE600  }
0x84: {  	[hbm4b:s16+s3] =	stream.linear.scatter [tilespmem:s28], [sflag:$0x3], $0x1A00, $0x38;
	[tilespmem:$0x18240] =	vst v63  }
0x85: {  	_ =	swait.ge [sflag:s23], $0x1A00  }
0x86: {  	[sflag:s23] =	ssyncset.done $0x0  }
0x87: {  	[sflag:s23] =	ssyncadd.s32 $0xFFFFE600  }
0x88: {  	[tilespmem:s28], [sflag:$0x3] =	stream.linear.gather [spmem:s17], $0x1A00, $0x38;
	[tilespmem:$0x18240] =	vst v63  }
0x89: {  	_ =	swait.ge [sflag:s23], $0x1A00  }
0x8a: {  	[sflag:s23] =	ssyncset.done $0x0  }
0x8b: {  	[sflag:s23] =	ssyncadd.s32 $0xFFFFE600  }
0x8c: {  	[hbm4b:s18+s3] =	stream.linear.scatter [tilespmem:s28], [sflag:$0x3], $0x1A00, $0x38;
	[tilespmem:$0x18240] =	vst v63  }
0x8d: {  	_ =	swait.ge [sflag:s23], $0x1A00  }
0x8e: {  	[sflag:s23] =	ssyncset.done $0x0  }
0x8f: {  	[sflag:s23] =	ssyncadd.s32 $0xFFFFE600  }
0x90: {  	[tilespmem:s28], [sflag:$0x3] =	stream.linear.gather [spmem:s19], $0x1A00, $0x38;
	[tilespmem:$0x18240] =	vst v63  }
0x91: {  	_ =	swait.ge [sflag:s23], $0x1A00  }
0x92: {  	[sflag:s23] =	ssyncset.done $0x0  }
0x93: {  	[sflag:s23] =	ssyncadd.s32 $0xFFFFE600  }
0x94: {  	[hbm4b:s20+s3] =	stream.linear.scatter [tilespmem:s28], [sflag:$0x3], $0x1A00, $0x38;
	[tilespmem:$0x18240] =	vst v63  }
0x95: {  	_ =	swait.ge [sflag:s23], $0x1A00  }
0x96: {  	[sflag:s23] =	ssyncset.done $0x0  }
0x97: {  	[sflag:s23] =	ssyncadd.s32 $0xFFFFE600  }
0x98: {  	[tilespmem:s28], [sflag:$0x3] =	stream.linear.gather [spmem:s21], $0x1A00, $0x38;
	[tilespmem:$0x18240] =	vst v63  }
0x99: {  	_ =	swait.ge [sflag:s23], $0x1A00  }
0x9a: {  	[sflag:s23] =	ssyncset.done $0x0  }
0x9b: {  	[sflag:s23] =	ssyncadd.s32 $0xFFFFE600  }
0x9c: {  	[hbm4b:s22+s3] =	stream.linear.scatter [tilespmem:s28], [sflag:$0x3], $0x1A00, $0x38;
	[tilespmem:$0x18240] =	vst v63  }
0x9d: {  	_ =	swait.ge [sflag:s23], $0x1A00  }
0x9e: {  	[sflag:s23] =	ssyncset.done $0x0  }
0x9f: {  	s1 =	simm.s32 @!p0 $0x9E00;
	s4 =	simm.s32 @!p0 $0x3;
	[sflag:s23] =	ssyncadd.s32 $0xFFFFE600  }
0xa0: {  	[tilespmem:s1], [sflag:$0x3] =	stream.linear.gather @!p0 [spmem:s7], $0x400, $0x38;
	[tilespmem:$0x18240] =	vst v63  }
0xa1: {  	s0 =	sadd.s32 $0x1, s0;
	_ =	swait.ge @!p0 [sflag:s4], $0x400  }
0xa2: {  	p1 =	sne.s32 s0, s10;
	[sflag:s4] =	ssyncset.done @!p0 $0x0  }
.Ltmp1:
0xa3: {  	s5 =	simm.s32 @!p0 $0x0;
	[sflag:s4] =	ssyncadd.s32 @!p0 $0xFFFFFC00;
	(pc) =	sbr.rel @p1 .LBB2_1-.Ltmp1, $4  }
0xa4: {  	[hbm4b:s9+s5] =	stream.linear.scatter @!p0 [tilespmem:s1], [sflag:$0x3], $0x400, $0x38;
	[tilespmem:$0x18240] =	vst v63  }
0xa5: {  	_ =	swait.ge @!p0 [sflag:s4], $0x400  }
0xa6: {  	[sflag:s4] =	ssyncset.done @!p0 $0x0  }
0xa7: {  	[sflag:s4] =	ssyncadd.s32 @!p0 $0xFFFFFC00  }
0xa8: {  	_ =	sfence.sel $0x180000  }
0xa9: {  	[bflag:$0x0] =	sbarrier.arrive $0xFFFF  }
0xaa: {  	_ =	strace $0x9000004A  }
0xab: {  	s0 =	stileid.u32;
	[bflag:$0x2] =	sbarrier.arrive $0xFFFF  }
0xac: {  	p0 =	sne.s32 s0, $0x0;
	s0 =	rddreg [dreg:$0x3]  }
0xad: {  	s0 =	sadd.s32 @!p0 $0x100000, s0  }
0xae: {  	[sflag:s0] =	ssyncadd.tile.s32 @!p0 $0x1;
	_ =	shalt  }
.Lfunc_end2:
_tile_overlayer_lowered:
.L_overlay_start_2:
0xaf: {  	(tag) =	ssettag $0x2  }
0xb0: {  	s0 =	rddreg [dreg:$0x0];
	s2 =	stileid.u32  }
0xb1: {  	s1 =	rddreg [dreg:$0x1];
	p0 =	sne.s32 s2, $0x0  }
0xb2: {  	s3 =	rddreg [dreg:$0x2];
	[bflag:$0x3] =	sbarrier.arrive $0xFFFF;
	s2 =	simm.s32 @!p0 $0x1C03  }
0xb3: {  	[timem:s3], [sflag:s2] =	dma.local @!p0 [hbm:s0], s1  }
0xb4: {  	s0 =	simm.s32 @!p0 $0x3  }
0xb5: {  	_ =	swait.ge @!p0 [sflag:s0], s1  }
0xb6: {  	s1 =	ssub.s32 @!p0 $0x0, s1;
	[sflag:s0] =	ssyncset.done @!p0 $0x0  }
0xb7: {  	[sflag:s0] =	ssyncadd.s32 @!p0 s1  }
0xb8: {  	[bflag:$0x3] =	sbarrier.arrive $0xFFFF  }
0xb9: {  	_ =	shalt  }

// kernel: kernel.16.cloned.1.call-start
scs
__scs_entry_jumppad:
0x0: {  	(pc) =	sbr.rel $0x88, $3  }
0x1: {  	(tag) =	ssettag $0x0;
	lr =	simm.s32 $0x1  }
0x2: {  	[smem:$0x3F99] =	sst lr;
	_ =	strace $0xD0000000  }
0x3: {  	_ = 	snop  }
0x4: {  	_ = 	snop  }
0x5: {  	_ = 	snop  }
0x6: {  	_ = 	snop  }
0x7: {  	_ = 	snop  }
__scs_overlays_trampoline_lowered:
0x8: {  	[smem:$0x3FA8] =	sst s0  }
0x9: {  	[smem:$0x3FA9] =	sst s1  }
0xa: {  	[smem:$0x3FAA] =	sst s2  }
0xb: {  	[smem:$0x3FAB] =	sst s3  }
0xc: {  	[smem:$0x3FAC] =	sst s4  }
0xd: {  	[smem:$0x3FAD] =	sst s5  }
0xe: {  	[smem:$0x3FAE] =	sst s6  }
0xf: {  	[smem:$0x3FAF] =	sst s7  }
0x10: {  	[smem:$0x3FB0] =	sst s8  }
0x11: {  	[smem:$0x3FB1] =	sst s9;
	s0 =	simm.s32 @!p0 $0x0  }
0x12: {  	s1 =	sld [smem:$0x3F97];
	s0 =	simm.s32 @p0 $0x1  }
0x13: {  	[smem:$0x3FB2] =	sst s0;
	s0 =	simm.s32 @!p1 $0x0  }
0x14: {  	s2 =	sld [smem:$0x3F96];
	s0 =	simm.s32 @p1 $0x1  }
0x15: {  	[smem:$0x3FB3] =	sst s0;
	s0 =	simm.s32 @!p2 $0x0  }
0x16: {  	s3 =	sld [smem:$0x3FDB];
	s0 =	simm.s32 @p2 $0x1  }
0x17: {  	s4 =	simm.s32 $0x1BF5;
	[smem:$0x3FB5] =	sst s0  }
0x18: {  	s0 =	sld [smem:$0x3F98];
	_ =	swait.ge [sflag:s4], $0x0  }
0x19: {  	s7 =	sld [smem:$0x3F99]  }
0x1a: {  	s8 =	sadd.s32 $0xFFFFE003, lr  }
0x1b: {  	s9 =	sadd.s32 $0xFFFFFEF7, lr;
	s5 =	simm.s32 $0xFFFFFFFF;
	p2 =	slt.u32 s8, $0xFFFFF086  }
0x1c: {  	p1 =	slt.u32 s9, $0xF7A;
	s5 =	simm.s32 @!p2 $0x0  }
0x1d: {  	s5 =	simm.s32 @p1 $0x1;
	p0 =	seq.s32 s7, s2  }
0x1e: {  	s7 =	smul.u32 @!p0 $0xF7A, s2;
	p2 =	seq.s32 @!p0 s5, $0x0  }
0x1f: {  	s9 =	smul.u32 $0xF7A, s1;
	s8 =	simm.s32 @!p0 $0x1BF5;
	p2 =	por !p2, p0  }
0x20: {  	[sflag:s8] =	ssyncset.s32 @!p0 $0xFFFFF086;
	s6 =	sadd.s32 @!p0 s3, s7;
	s7 =	simm.s32 @!p0 $0x108  }
0x21: {  	s3 =	sadd.s32 s3, s9;
	s6 =	sadd.s32 @!p0 $0x88, s6;
	s7 =	simm.s32 @p2 $0x1082  }
0x22: {  	[simem:s7], [sflag:s8] =	dma.local @!p0 [hbm:s6], $0xF7A  }
0x23: {  	s9 =	sor.u32 $0xD0000000, s2;
	s6 =	simm.s32 $0x108;
	_ =	swait.ge @!p0 [sflag:s8], $0x0  }
0x24: {  	s3 =	sadd.s32 $0x88, s3;
	s6 =	simm.s32 @!p1 $0x1082;
	[sflag:s4] =	ssyncset.s32 $0xFFFFF086  }
0x25: {  	[simem:s6], [sflag:s4] =	dma.local [hbm:s3], $0xF7A  }
0x26: {  	[smem:$0x3F99] =	sst s1;
	(tag) =	ssettag s2;
	_ =	strace s9  }
0x27: {  	s1 =	sld [smem:$0x3FA9]  }
0x28: {  	s2 =	sld [smem:$0x3FAA]  }
0x29: {  	s4 =	sld [smem:$0x3FAC]  }
0x2a: {  	p0 =	seq.s32 s5, $0x0;
	s5 =	sld [smem:$0x3FAD]  }
0x2b: {  	s6 =	sld [smem:$0x3FAE]  }
0x2c: {  	s7 =	sld [smem:$0x3FAF]  }
0x2d: {  	s3 =	simm.s32 $0x108;
	s8 =	sld [smem:$0x3FB0]  }
0x2e: {  	s3 =	simm.s32 @!p0 $0x1082;
	s9 =	sld [smem:$0x3FB1]  }
0x2f: {  	lr =	sadd.s32 s0, s3;
	s0 =	sld [smem:$0x3FA8]  }
0x30: {  	s3 =	sld [smem:$0x3FAB]  }
0x31: {  	[smem:$0x3FB4] =	sst s10  }
0x32: {  	s10 =	sld [smem:$0x3FB2];
	_ =	sdelay $0x3  }
0x33: {  	p0 =	seq.s32 s10, $0x1;
	s10 =	sld [smem:$0x3FB4];
	_ =	sdelay $0x3  }
0x34: {  	[smem:$0x3FB4] =	sst s10  }
0x35: {  	s10 =	sld [smem:$0x3FB3];
	_ =	sdelay $0x3  }
0x36: {  	p1 =	seq.s32 s10, $0x1;
	s10 =	sld [smem:$0x3FB4];
	_ =	sdelay $0x3  }
0x37: {  	[smem:$0x3FB4] =	sst s10  }
0x38: {  	s10 =	sld [smem:$0x3FB5]  }
0x39: {  	_ = 	snop;
	(pc) =	sbr.ind lr, $3  }
0x3a: {  	_ = 	snop  }
0x3b: {  	_ = 	snop  }
0x3c: {  	p2 =	seq.s32 s10, $0x1;
	s10 =	sld [smem:$0x3FB4]  }
0x3d: {  	_ =	shalt  }
0x3e: {  	_ =	shalt  }
0x3f: {  	_ =	shalt  }
0x40: {  	_ =	shalt  }
0x41: {  	_ =	shalt  }
0x42: {  	_ =	shalt  }
0x43: {  	_ =	shalt  }
0x44: {  	_ =	shalt  }
0x45: {  	_ =	shalt  }
0x46: {  	_ =	shalt  }
0x47: {  	_ =	shalt  }
0x48: {  	_ =	shalt  }
0x49: {  	_ =	shalt  }
0x4a: {  	_ =	shalt  }
0x4b: {  	_ =	shalt  }
0x4c: {  	_ =	shalt  }
0x4d: {  	_ =	shalt  }
0x4e: {  	_ =	shalt  }
0x4f: {  	_ =	shalt  }
0x50: {  	_ =	shalt  }
0x51: {  	_ =	shalt  }
0x52: {  	_ =	shalt  }
0x53: {  	_ =	shalt  }
0x54: {  	_ =	shalt  }
0x55: {  	_ =	shalt  }
0x56: {  	_ =	shalt  }
0x57: {  	_ =	shalt  }
0x58: {  	_ =	shalt  }
0x59: {  	_ =	shalt  }
0x5a: {  	_ =	shalt  }
0x5b: {  	_ =	shalt  }
0x5c: {  	_ =	shalt  }
0x5d: {  	_ =	shalt  }
0x5e: {  	_ =	shalt  }
0x5f: {  	_ =	shalt  }
0x60: {  	_ =	shalt  }
0x61: {  	_ =	shalt  }
0x62: {  	_ =	shalt  }
0x63: {  	_ =	shalt  }
0x64: {  	_ =	shalt  }
0x65: {  	_ =	shalt  }
0x66: {  	_ =	shalt  }
0x67: {  	_ =	shalt  }
0x68: {  	_ =	shalt  }
0x69: {  	_ =	shalt  }
0x6a: {  	_ =	shalt  }
0x6b: {  	_ =	shalt  }
0x6c: {  	_ =	shalt  }
0x6d: {  	_ =	shalt  }
0x6e: {  	_ =	shalt  }
0x6f: {  	_ =	shalt  }
0x70: {  	_ =	shalt  }
0x71: {  	_ =	shalt  }
0x72: {  	_ =	shalt  }
0x73: {  	_ =	shalt  }
0x74: {  	_ =	shalt  }
0x75: {  	_ =	shalt  }
0x76: {  	_ =	shalt  }
0x77: {  	_ =	shalt  }
0x78: {  	_ =	shalt  }
0x79: {  	_ =	shalt  }
0x7a: {  	_ =	shalt  }
0x7b: {  	_ =	shalt  }
0x7c: {  	_ =	shalt  }
0x7d: {  	_ =	shalt  }
0x7e: {  	_ =	shalt  }
0x7f: {  	_ =	shalt  }
0x80: {  	_ =	shalt  }
0x81: {  	_ =	shalt  }
0x82: {  	_ =	shalt  }
0x83: {  	_ =	shalt  }
0x84: {  	_ =	shalt  }
0x85: {  	_ =	shalt  }
0x86: {  	_ =	shalt  }
0x87: {  	_ =	shalt  }
.Lfunc_end0:
.L_simem_size_0:
called_computation.2_lowered:
.L_overlay_start_0:
0x88: {  	s2 =	sld [smem:$0x3FD9]  }
0x89: {  	s3 =	sld [smem:$0x3FFE];
	_ =	sdelay $0x1  }
0x8a: {  	s1 =	srdreg.scid  }
0x8b: {  	s0 =	sand.u32 $0x1, s1  }
0x8c: {  	s17 =	sshll.u32 s0, $0xA;
	s2 =	sadd.s32 s3, s2  }
0x8d: {  	s2 =	sadd.s32 s2, s17  }
0x8e: {  	[smem:$0x3FC0] =	sst s2  }
0x8f: {  	_ = 	snop  }
0x90: {  	s2 =	sld [smem:$0x3FD0];
	(tm) =	ssettm $0x1  }
0x91: {  	s18 =	sld [smem:$0x3FFB];
	_ =	sdelay $0x3  }
0x92: {  	_ =	strace s18  }
0x93: {  	s3 =	sld [smem:$0x3FFC];
	_ =	sdelay $0x3  }
0x94: {  	_ =	strace s3  }
0x95: {  	s3 =	sld [smem:$0x3FFD];
	_ =	sdelay $0x3  }
0x96: {  	_ =	strace s3  }
0x97: {  	_ =	strace $0x8FFFFFFF  }
0x98: {  	s19 =	sld [smem:$0x3FDB];
	_ =	sdelay $0x1  }
0x99: {  	s4 =	simm.s32 $_scs_section_size  }
0x9a: {  	s5 =	simm.s32 $_size__tile_overlayer_lowered;
	s6 =	simm.s32 $_tile_overlayer_lowered  }
0x9b: {  	s22 =	simm.s32 $0x1BFF;
	s21 =	sshll.u32 s6, $0x1;
	s3 =	sadd.s32 s4, s19  }
0x9c: {  	s7 =	simm.s32 $0x0;
	s20 =	sshll.u32 s5, $0x1;
	s5 =	sadd.s32 s21, s3  }
0x9d: {  	[timem:s7], [sflag:s22] =	dma.local [hbm:s5], s20  }
0x9e: {  	_ =	swait.ge [sflag:s22], s20  }
0x9f: {  	s4 =	ssub.s32 $0x0, s20;
	[sflag:s22] =	ssyncset.done $0x0  }
0xa0: {  	[sflag:s22] =	ssyncadd.s32 s4;
	_ =	sdelay $0x1  }
0xa1: {  	s23 =	simm.s32 $0x1B8B  }
0xa2: {  	_ =	swait.ge [sflag:s23], $0x1  }
0xa3: {  	[sflag:s23] =	ssyncset.done $0x0  }
0xa4: {  	s25 =	simm.s32 $0x1B8E;
	s24 =	sld [smem:$0x3FFE];
	[sflag:s23] =	ssyncadd.s32 $0xFFFFFFFF  }
0xa5: {  	s26 =	simm.s32 $execute0_lowered;
	[smem:$0x3FD2] =	sst s25  }
0xa6: {  	s5 =	sshll.u32 s26, $0x1;
	_ =	strace $0x8000004C;
	[dreg:$0x1] =	wrdreg $0xFFFFFFFF  }
0xa7: {  	s28 =	simm.s32 $_size_execute0_lowered;
	s3 =	sadd.s32 s3, s5;
	[dreg:$0x0] =	wrdreg $0x0  }
0xa8: {  	s5 =	sshll.u32 s28, $0x1;
	[dreg:$0x2] =	wrdreg s3  }
0xa9: {  	[dreg:$0x3] =	wrdreg s5  }
0xaa: {  	[dreg:$0x4] =	wrdreg $0xC0  }
0xab: {  	_ =	task [dreg:s7], $0x5FFFF  }
0xac: {  	[dreg:$0x1] =	wrdreg $0xFFFFFFFF  }
0xad: {  	[dreg:$0x0] =	wrdreg $0x60  }
0xae: {  	[dreg:$0x2] =	wrdreg s24  }
0xaf: {  	[dreg:$0x3] =	wrdreg s2  }
0xb0: {  	[dreg:$0x4] =	wrdreg $0xDE000  }
0xb1: {  	[dreg:$0x5] =	wrdreg $0x9  }
0xb2: {  	_ =	task.clear_ibuf [dreg:s7], $0x6FFFF;
	_ =	strace $0x9000004C  }
0xb3: {  	s29 =	simm.s32 $0x9;
	_ =	strace $0x8000004E  }
0xb4: {  	_ =	swait.ge [sflag:s29], $0x1  }
0xb5: {  	[sflag:s29] =	ssyncadd.s32 $0xFFFFFFFF  }
0xb6: {  	_ =	strace $0x9000004E  }
0xb7: {  	_ =	sfence  }
0xb8: {  	s30 =	sld [smem:$0x0];
	_ =	sdelay $0x2  }
0xb9: {  	s31 =	sshll.u32 s1, $0xD;
	s1 =	sshrl.u32 s1, $0x2  }
0xba: {  	s3 =	sand.u32 $0x4000, s31;
	s1 =	sadd.s32 s1, s30  }
0xbb: {  	s0 =	sor.u32 s3, s0;
	s1 =	sshll.u32 s1, $0x11  }
0xbc: {  	s0 =	sor.u32 s1, s0  }
0xbd: {  	s0 =	sadd.s32 $0x8F2B, s0  }
0xbe: {  	[sflag:s0] =	ssyncadd.remote.s32 $0x1  }
0xbf: {  	_ =	sfence.sel $0xFFFF  }
0xc0: {  	[dreg:$0x0] =	wrdreg $0xFFFFFFFF;
	(pc) =	sbr.abs _section_cstart, $3  }
0xc1: {  	[dreg:$0x1] =	wrdreg $0xFFFFFFFF  }
0xc2: {  	_ =	task.clear_ibuf [dreg:s7], $0x2FFFF;
	_ =	strace $0x9FFFFFFF  }
0xc3: {  	(tm) =	ssettm $0x7FFFFFFF  }
tec
execute0_lowered:
.L_overlay_start_1:
0x0: {  	(tag) =	ssettag $0x1  }
0x1: {  	s0 =	rddreg [dreg:$0x0]  }
0x2: {  	s2 =	rddreg [dreg:$0x2]  }
0x3: {  	s3 =	simm.s32 $0x0;
	s4 =	srdreg.scid;
	s1 =	stileid.u32  }
0x4: {  	s28 =	simm.s32 $0x9E00;
	s29 =	simm.s32 $0xBE00;
	s5 =	smul.u32 $0x9E0, s1  }
0x5: {  	s30 =	simm.s32 $0x1;
	s31 =	simm.s32 $0x2;
	s6 =	smul.u32 $0x27000, s1  }
0x6: {  	[smem:$0x7FF] =	sst s3;
	s4 =	sand.u32 $0x1, s4;
	s18 =	smul.u32 $0x9C00, s1  }
0x7: {  	p0 =	sne.s32 s1, $0xF;
	s19 =	smul.u32 $0x9C400, s4;
	s4 =	ssub.s32 $0x2, s4  }
0x8: {  	_ =	strace $0x8000004D;
	s7 =	sadd.s32 s5, s0;
	s13 =	sshrl.u32 s4, $0x1  }
0x9: {  	s10 =	sshrl.u32 s6, $0x2;
	s11 =	sadd.s32 s18, s2;
	s22 =	sadd.s32 $0x4E00, s18  }
0xa: {  	s8 =	sshrl.u32 s19, $0x3;
	s4 =	ssub.s32 s4, s13;
	s14 =	sadd.s32 $0x20200, s7  }
0xb: {  	s15 =	sadd.s32 $0x2A000, s7;
	s24 =	sadd.s32 s10, s2;
	s7 =	sadd.s32 $0x9C000, s2  }
0xc: {  	s17 =	sadd.s32 s19, s18;
	s13 =	sadd.s32 $0x1A00, s18;
	[dreg:$0x4] =	wrdreg s14  }
0xd: {  	s9 =	sadd.s32 s8, s0;
	s0 =	sadd.s32 $0x5B000, s0;
	[dreg:$0x5] =	wrdreg s15  }
0xe: {  	s10 =	smax.u32 s4, $0x1;
	s4 =	sshrl.u32 s17, $0x3;
	s14 =	sadd.s32 s19, s13  }
0xf: {  	s15 =	sadd.s32 $0x3400, s18;
	s13 =	sadd.s32 s13, s2;
	s17 =	sadd.s32 s22, s2  }
0x10: {  	s16 =	sadd.s32 s0, s8;
	s8 =	sadd.s32 $0x33E00, s9;
	s12 =	sadd.s32 s0, s4  }
0x11: {  	s20 =	sshrl.u32 s14, $0x3;
	s4 =	sadd.s32 s19, s22;
	s22 =	sadd.s32 $0x8200, s18  }
0x12: {  	s9 =	sadd.s32 $0x13800, s16;
	s16 =	sadd.s32 s19, s15;
	s14 =	sadd.s32 s0, s20  }
0x13: {  	s15 =	sadd.s32 s15, s2;
	s20 =	sadd.s32 $0x6800, s18;
	s4 =	sshrl.u32 s4, $0x3  }
0x14: {  	s25 =	sadd.s32 s19, s22;
	s21 =	sshrl.u32 s16, $0x3;
	s18 =	sadd.s32 s0, s4  }
0x15: {  	s26 =	sshrl.u32 s25, $0x3;
	s16 =	sadd.s32 s0, s21;
	s21 =	sadd.s32 s19, s20  }
0x16: {  	s25 =	sshrl.u32 s24, $0x3;
	s19 =	sadd.s32 s20, s2;
	s23 =	sshrl.u32 s21, $0x3  }
0x17: {  	s21 =	sadd.s32 s22, s2;
	s22 =	sadd.s32 s0, s26;
	s26 =	simm.s32 $0x80  }
0x18: {  	s20 =	sadd.s32 s0, s23;
	s23 =	simm.s32 $0x3;
	s0 =	simm.s32 $0x0  }
.LBB2_1:
0x19: {  	s1 =	rddreg [dreg:$0x4]  }
0x1a: {  	[tilespmem:s3], [sflag:$0x3] =	stream.linear.gather [hbm4b:s1+s3], $0x4F00, $0x38;
	[tilespmem:$0x18240] =	vst v63  }
0x1b: {  	_ =	swait.ge [sflag:s23], $0x4F00  }
0x1c: {  	[sflag:s23] =	ssyncset.done $0x0  }
0x1d: {  	s4 =	simm.s32 $0x4F00;
	s5 =	rddreg [dreg:$0x5];
	[sflag:s23] =	ssyncadd.s32 $0xFFFFB100  }
0x1e: {  	[tilespmem:s4], [sflag:$0x3] =	stream.linear.gather [hbm4b:s5+s3], $0x4F00, $0x38;
	[tilespmem:$0x18240] =	vst v63  }
0x1f: {  	_ =	swait.ge [sflag:s23], $0x4F00  }
0x20: {  	s6 =	stileid.u32;
	[sflag:s23] =	ssyncset.done $0x0  }
0x21: {  	s24 =	sshll.u32 s6, $0x6;
	[sflag:s23] =	ssyncadd.s32 $0xFFFFB100  }
0x22: {  	s4 =	sor.u32 $0x1C03, s24;
	s1 =	rddreg [dreg:$0x1]  }
0x23: {  	[spmem:s25], [sflag:s4] =	dma.local [hbm:s1], $0x1380  }
0x24: {  	_ =	swait.ge [sflag:s23], $0x1380  }
0x25: {  	[sflag:s23] =	ssyncset.done $0x0  }
0x26: {  	s24 =	sshrl.u32 @!p0 s7, $0x3;
	[sflag:s23] =	ssyncadd.s32 $0xFFFFEC80  }
0x27: {  	[spmem:s24], [sflag:s4] =	dma.local @!p0 [hbm:s1], $0x1080  }
0x28: {  	s4 =	simm.s32 @!p0 $0x3  }
0x29: {  	_ =	swait.ge @!p0 [sflag:s4], $0x1080  }
0x2a: {  	[sflag:s4] =	ssyncset.done @!p0 $0x0  }
0x2b: {  	[sflag:s4] =	ssyncadd.s32 @!p0 $0xFFFFEF80  }
0x2c: {  	[bflag:$0x0] =	sbarrier.arrive $0xFFFF  }
0x2d: {  	[tilespmem:s28], [sflag:$0x1] =	stream.indirect.gather [hbm4b:s8+s26], $0x40, s3, s26, $0xb8;
	[tilespmem:$0x18240] =	vst v63  }
0x2e: {  	s1 =	simm.s32 $0x80  }
0x2f: {  	[tilespmem:s29], [sflag:$0x2] =	stream.indirect.gather [hbm4b:s8+s26], $0x40, s1, s26, $0xb8;
	[tilespmem:$0x18240] =	vst v63  }
0x30: {  	_ =	swait.ge [sflag:s30], $0x2000  }
0x31: {  	[sflag:s30] =	ssyncset.done $0x0  }
0x32: {  	s5 =	simm.s32 $0x4F00;
	[sflag:s30] =	ssyncadd.s32 $0xFFFFE000  }
0x33: {  	[spmem:s2] =	stream.indirect.scatter.add.f32 [tilespmem:s28], [sflag:$0x3], $0x40, s5, s26, $0xb8;
	[tilespmem:$0x18240] =	vst v63  }
0x34: {  	_ =	swait.ge [sflag:s23], $0x2000  }
0x35: {  	[sflag:s23] =	ssyncset.done $0x0  }
0x36: {  	s6 =	simm.s32 $0x100;
	[sflag:s23] =	ssyncadd.s32 $0xFFFFE000  }
0x37: {  	[tilespmem:s28], [sflag:$0x1] =	stream.indirect.gather [hbm4b:s8+s26], $0x40, s6, s26, $0xb8;
	[tilespmem:$0x18240] =	vst v63  }
0x38: {  	_ =	swait.ge [sflag:s31], $0x2000  }
0x39: {  	[sflag:s31] =	ssyncset.done $0x0  }
0x3a: {  	s24 =	simm.s32 $0x4F80;
	[sflag:s31] =	ssyncadd.s32 $0xFFFFE000  }
0x3b: {  	[spmem:s2] =	stream.indirect.scatter.add.f32 [tilespmem:s29], [sflag:$0x3], $0x40, s24, s26, $0xb8;
	[tilespmem:$0x18240] =	vst v63  }
0x3c: {  	_ =	swait.ge [sflag:s23], $0x2000  }
0x3d: {  	s4 =	simm.s32 $0x100;
	s24 =	simm.s32 $0x800;
	[sflag:s23] =	ssyncset.done $0x0  }
.LBB2_2:
0x3e: {  	s1 =	sadd.s32 $0x80, s4  }
0x3f: {  	[sflag:s23] =	ssyncadd.s32 $0xFFFFE000;
	s5 =	smov.u32 s24;
	s6 =	sadd.s32 $0x400, s24  }
0x40: {  	[tilespmem:s29], [sflag:$0x2] =	stream.indirect.gather [hbm4b:s8+s26], $0x40, s1, s26, $0xb8;
	[tilespmem:$0x18240] =	vst v63  }
0x41: {  	p1 =	sne.s32 s24, $0x13400;
	_ =	swait.ge [sflag:s30], $0x2000  }
0x42: {  	[sflag:s30] =	ssyncset.done $0x0  }
0x43: {  	s1 =	sadd.s32 $0x4F00, s4;
	[sflag:s30] =	ssyncadd.s32 $0xFFFFE000  }
0x44: {  	[spmem:s2] =	stream.indirect.scatter.add.f32 [tilespmem:s28], [sflag:$0x3], $0x40, s1, s26, $0xb8;
	[tilespmem:$0x18240] =	vst v63  }
0x45: {  	_ =	swait.ge [sflag:s23], $0x2000  }
0x46: {  	[sflag:s23] =	ssyncset.done $0x0  }
0x47: {  	s1 =	sadd.s32 $0x100, s4;
	[sflag:s23] =	ssyncadd.s32 $0xFFFFE000  }
0x48: {  	[tilespmem:s28], [sflag:$0x1] =	stream.indirect.gather [hbm4b:s8+s26], $0x40, s1, s26, $0xb8;
	[tilespmem:$0x18240] =	vst v63  }
0x49: {  	_ =	swait.ge [sflag:s31], $0x2000  }
.Ltmp0:
0x4a: {  	[sflag:s31] =	ssyncset.done $0x0;
	(pc) =	sbr.rel @p1 .LBB2_2-.Ltmp0, $4  }
0x4b: {  	s1 =	sadd.s32 $0x4F80, s4;
	[sflag:s31] =	ssyncadd.s32 $0xFFFFE000  }
0x4c: {  	[spmem:s2] =	stream.indirect.scatter.add.f32 [tilespmem:s29], [sflag:$0x3], $0x40, s1, s26, $0xb8;
	[tilespmem:$0x18240] =	vst v63  }
0x4d: {  	_ =	swait.ge [sflag:s23], $0x2000  }
0x4e: {  	s24 =	smov.u32 s6;
	s4 =	sshra.s32 s5, $0x2;
	[sflag:s23] =	ssyncset.done $0x0  }
0x4f: {  	s1 =	sadd.s32 $0x80, s4;
	[sflag:s23] =	ssyncadd.s32 $0xFFFFE000  }
0x50: {  	[tilespmem:s29], [sflag:$0x2] =	stream.indirect.gather [hbm4b:s8+s26], $0x40, s1, s26, $0xb8;
	[tilespmem:$0x18240] =	vst v63  }
0x51: {  	_ =	swait.ge [sflag:s30], $0x2000  }
0x52: {  	[sflag:s30] =	ssyncset.done $0x0  }
0x53: {  	s6 =	sadd.s32 $0x4F00, s4;
	[sflag:s30] =	ssyncadd.s32 $0xFFFFE000  }
0x54: {  	[spmem:s2] =	stream.indirect.scatter.add.f32 [tilespmem:s28], [sflag:$0x3], $0x40, s6, s26, $0xb8;
	[tilespmem:$0x18240] =	vst v63  }
0x55: {  	_ =	swait.ge [sflag:s23], $0x2000  }
0x56: {  	[sflag:s23] =	ssyncset.done $0x0  }
0x57: {  	s24 =	sadd.s32 $0x100, s4;
	[sflag:s23] =	ssyncadd.s32 $0xFFFFE000  }
0x58: {  	[tilespmem:s28], [sflag:$0x1] =	stream.indirect.gather [hbm4b:s8+s26], $0x40, s24, s26, $0xb8;
	[tilespmem:$0x18240] =	vst v63  }
0x59: {  	_ =	swait.ge [sflag:s31], $0x2000  }
0x5a: {  	[sflag:s31] =	ssyncset.done $0x0  }
0x5b: {  	s4 =	sadd.s32 $0x4F80, s4;
	[sflag:s31] =	ssyncadd.s32 $0xFFFFE000  }
0x5c: {  	[spmem:s2] =	stream.indirect.scatter.add.f32 [tilespmem:s29], [sflag:$0x3], $0x40, s4, s26, $0xb8;
	[tilespmem:$0x18240] =	vst v63  }
0x5d: {  	_ =	swait.ge [sflag:s23], $0x2000  }
0x5e: {  	[sflag:s23] =	ssyncset.done $0x0  }
0x5f: {  	s5 =	simm.s32 $0x4E80;
	[sflag:s23] =	ssyncadd.s32 $0xFFFFE000  }
0x60: {  	[tilespmem:s29], [sflag:$0x2] =	stream.indirect.gather [hbm4b:s8+s26], $0x40, s5, s26, $0xb8;
	[tilespmem:$0x18240] =	vst v63  }
0x61: {  	_ =	swait.ge [sflag:s30], $0x2000  }
0x62: {  	[sflag:s30] =	ssyncset.done $0x0  }
0x63: {  	s6 =	simm.s32 $0x9D00;
	[sflag:s30] =	ssyncadd.s32 $0xFFFFE000  }
0x64: {  	[spmem:s2] =	stream.indirect.scatter.add.f32 [tilespmem:s28], [sflag:$0x3], $0x40, s6, s26, $0xb8;
	[tilespmem:$0x18240] =	vst v63  }
0x65: {  	_ =	swait.ge [sflag:s23], $0x2000  }
0x66: {  	[sflag:s23] =	ssyncset.done $0x0  }
0x67: {  	[sflag:s23] =	ssyncadd.s32 $0xFFFFE000  }
0x68: {  	_ =	swait.ge [sflag:s31], $0x2000  }
0x69: {  	[sflag:s31] =	ssyncset.done $0x0  }
0x6a: {  	s24 =	simm.s32 $0x9D80;
	[sflag:s31] =	ssyncadd.s32 $0xFFFFE000  }
0x6b: {  	[spmem:s2] =	stream.indirect.scatter.add.f32 [tilespmem:s29], [sflag:$0x3], $0x40, s24, s26, $0xb8;
	[tilespmem:$0x18240] =	vst v63  }
0x6c: {  	_ =	swait.ge [sflag:s23], $0x2000  }
0x6d: {  	[sflag:s23] =	ssyncset.done $0x0  }
0x6e: {  	[sflag:s23] =	ssyncadd.s32 $0xFFFFE000  }
0x6f: {  	[bflag:$0x0] =	sbarrier.arrive $0xFFFF  }
0x70: {  	[tilespmem:s28], [sflag:$0x3] =	stream.linear.gather [spmem:s11], $0x1A00, $0x38;
	[tilespmem:$0x18240] =	vst v63  }
0x71: {  	_ =	swait.ge [sflag:s23], $0x1A00  }
0x72: {  	[sflag:s23] =	ssyncset.done $0x0  }
0x73: {  	[sflag:s23] =	ssyncadd.s32 $0xFFFFE600  }
0x74: {  	[hbm4b:s12+s3] =	stream.linear.scatter [tilespmem:s28], [sflag:$0x3], $0x1A00, $0x38;
	[tilespmem:$0x18240] =	vst v63  }
0x75: {  	_ =	swait.ge [sflag:s23], $0x1A00  }
0x76: {  	[sflag:s23] =	ssyncset.done $0x0  }
0x77: {  	[sflag:s23] =	ssyncadd.s32 $0xFFFFE600  }
0x78: {  	[tilespmem:s28], [sflag:$0x3] =	stream.linear.gather [spmem:s13], $0x1A00, $0x38;
	[tilespmem:$0x18240] =	vst v63  }
0x79: {  	_ =	swait.ge [sflag:s23], $0x1A00  }
0x7a: {  	[sflag:s23] =	ssyncset.done $0x0  }
0x7b: {  	[sflag:s23] =	ssyncadd.s32 $0xFFFFE600  }
0x7c: {  	[hbm4b:s14+s3] =	stream.linear.scatter [tilespmem:s28], [sflag:$0x3], $0x1A00, $0x38;
	[tilespmem:$0x18240] =	vst v63  }
0x7d: {  	_ =	swait.ge [sflag:s23], $0x1A00  }
0x7e: {  	[sflag:s23] =	ssyncset.done $0x0  }
0x7f: {  	[sflag:s23] =	ssyncadd.s32 $0xFFFFE600  }
0x80: {  	[tilespmem:s28], [sflag:$0x3] =	stream.linear.gather [spmem:s15], $0x1A00, $0x38;
	[tilespmem:$0x18240] =	vst v63  }
0x81: {  	_ =	swait.ge [sflag:s23], $0x1A00  }
0x82: {  	[sflag:s23] =	ssyncset.done $0x0  }
0x83: {  	[sflag:s23] =	ssyncadd.s32 $0xFFFFE600  }
0x84: {  	[hbm4b:s16+s3] =	stream.linear.scatter [tilespmem:s28], [sflag:$0x3], $0x1A00, $0x38;
	[tilespmem:$0x18240] =	vst v63  }
0x85: {  	_ =	swait.ge [sflag:s23], $0x1A00  }
0x86: {  	[sflag:s23] =	ssyncset.done $0x0  }
0x87: {  	[sflag:s23] =	ssyncadd.s32 $0xFFFFE600  }
0x88: {  	[tilespmem:s28], [sflag:$0x3] =	stream.linear.gather [spmem:s17], $0x1A00, $0x38;
	[tilespmem:$0x18240] =	vst v63  }
0x89: {  	_ =	swait.ge [sflag:s23], $0x1A00  }
0x8a: {  	[sflag:s23] =	ssyncset.done $0x0  }
0x8b: {  	[sflag:s23] =	ssyncadd.s32 $0xFFFFE600  }
0x8c: {  	[hbm4b:s18+s3] =	stream.linear.scatter [tilespmem:s28], [sflag:$0x3], $0x1A00, $0x38;
	[tilespmem:$0x18240] =	vst v63  }
0x8d: {  	_ =	swait.ge [sflag:s23], $0x1A00  }
0x8e: {  	[sflag:s23] =	ssyncset.done $0x0  }
0x8f: {  	[sflag:s23] =	ssyncadd.s32 $0xFFFFE600  }
0x90: {  	[tilespmem:s28], [sflag:$0x3] =	stream.linear.gather [spmem:s19], $0x1A00, $0x38;
	[tilespmem:$0x18240] =	vst v63  }
0x91: {  	_ =	swait.ge [sflag:s23], $0x1A00  }
0x92: {  	[sflag:s23] =	ssyncset.done $0x0  }
0x93: {  	[sflag:s23] =	ssyncadd.s32 $0xFFFFE600  }
0x94: {  	[hbm4b:s20+s3] =	stream.linear.scatter [tilespmem:s28], [sflag:$0x3], $0x1A00, $0x38;
	[tilespmem:$0x18240] =	vst v63  }
0x95: {  	_ =	swait.ge [sflag:s23], $0x1A00  }
0x96: {  	[sflag:s23] =	ssyncset.done $0x0  }
0x97: {  	[sflag:s23] =	ssyncadd.s32 $0xFFFFE600  }
0x98: {  	[tilespmem:s28], [sflag:$0x3] =	stream.linear.gather [spmem:s21], $0x1A00, $0x38;
	[tilespmem:$0x18240] =	vst v63  }
0x99: {  	_ =	swait.ge [sflag:s23], $0x1A00  }
0x9a: {  	[sflag:s23] =	ssyncset.done $0x0  }
0x9b: {  	[sflag:s23] =	ssyncadd.s32 $0xFFFFE600  }
0x9c: {  	[hbm4b:s22+s3] =	stream.linear.scatter [tilespmem:s28], [sflag:$0x3], $0x1A00, $0x38;
	[tilespmem:$0x18240] =	vst v63  }
0x9d: {  	_ =	swait.ge [sflag:s23], $0x1A00  }
0x9e: {  	[sflag:s23] =	ssyncset.done $0x0  }
0x9f: {  	s1 =	simm.s32 @!p0 $0x9E00;
	s4 =	simm.s32 @!p0 $0x3;
	[sflag:s23] =	ssyncadd.s32 $0xFFFFE600  }
0xa0: {  	[tilespmem:s1], [sflag:$0x3] =	stream.linear.gather @!p0 [spmem:s7], $0x400, $0x38;
	[tilespmem:$0x18240] =	vst v63  }
0xa1: {  	s0 =	sadd.s32 $0x1, s0;
	_ =	swait.ge @!p0 [sflag:s4], $0x400  }
0xa2: {  	p1 =	sne.s32 s0, s10;
	[sflag:s4] =	ssyncset.done @!p0 $0x0  }
.Ltmp1:
0xa3: {  	s5 =	simm.s32 @!p0 $0x0;
	[sflag:s4] =	ssyncadd.s32 @!p0 $0xFFFFFC00;
	(pc) =	sbr.rel @p1 .LBB2_1-.Ltmp1, $4  }
0xa4: {  	[hbm4b:s9+s5] =	stream.linear.scatter @!p0 [tilespmem:s1], [sflag:$0x3], $0x400, $0x38;
	[tilespmem:$0x18240] =	vst v63  }
0xa5: {  	_ =	swait.ge @!p0 [sflag:s4], $0x400  }
0xa6: {  	[sflag:s4] =	ssyncset.done @!p0 $0x0  }
0xa7: {  	[sflag:s4] =	ssyncadd.s32 @!p0 $0xFFFFFC00  }
0xa8: {  	_ =	sfence.sel $0x180000  }
0xa9: {  	[bflag:$0x0] =	sbarrier.arrive $0xFFFF  }
0xaa: {  	_ =	strace $0x9000004D  }
0xab: {  	s0 =	stileid.u32;
	[bflag:$0x2] =	sbarrier.arrive $0xFFFF  }
0xac: {  	p0 =	sne.s32 s0, $0x0;
	s0 =	rddreg [dreg:$0x3]  }
0xad: {  	s0 =	sadd.s32 @!p0 $0x100000, s0  }
0xae: {  	[sflag:s0] =	ssyncadd.tile.s32 @!p0 $0x1;
	_ =	shalt  }
.Lfunc_end2:
_tile_overlayer_lowered:
.L_overlay_start_2:
0xaf: {  	(tag) =	ssettag $0x2  }
0xb0: {  	s0 =	rddreg [dreg:$0x0];
	s2 =	stileid.u32  }
0xb1: {  	s1 =	rddreg [dreg:$0x1];
	p0 =	sne.s32 s2, $0x0  }
0xb2: {  	s3 =	rddreg [dreg:$0x2];
	[bflag:$0x3] =	sbarrier.arrive $0xFFFF;
	s2 =	simm.s32 @!p0 $0x1C03  }
0xb3: {  	[timem:s3], [sflag:s2] =	dma.local @!p0 [hbm:s0], s1  }
0xb4: {  	s0 =	simm.s32 @!p0 $0x3  }
0xb5: {  	_ =	swait.ge @!p0 [sflag:s0], s1  }
0xb6: {  	s1 =	ssub.s32 @!p0 $0x0, s1;
	[sflag:s0] =	ssyncset.done @!p0 $0x0  }
0xb7: {  	[sflag:s0] =	ssyncadd.s32 @!p0 s1  }
0xb8: {  	[bflag:$0x3] =	sbarrier.arrive $0xFFFF  }
0xb9: {  	_ =	shalt  }

// kernel: kernel.19.cloned.1.call-start
scs
__scs_entry_jumppad:
0x0: {  	(pc) =	sbr.rel $0x88, $3  }
0x1: {  	(tag) =	ssettag $0x0;
	lr =	simm.s32 $0x1  }
0x2: {  	[smem:$0x3F99] =	sst lr;
	_ =	strace $0xD0000000  }
0x3: {  	_ = 	snop  }
0x4: {  	_ = 	snop  }
0x5: {  	_ = 	snop  }
0x6: {  	_ = 	snop  }
0x7: {  	_ = 	snop  }
__scs_overlays_trampoline_lowered:
0x8: {  	[smem:$0x3FA8] =	sst s0  }
0x9: {  	[smem:$0x3FA9] =	sst s1  }
0xa: {  	[smem:$0x3FAA] =	sst s2  }
0xb: {  	[smem:$0x3FAB] =	sst s3  }
0xc: {  	[smem:$0x3FAC] =	sst s4  }
0xd: {  	[smem:$0x3FAD] =	sst s5  }
0xe: {  	[smem:$0x3FAE] =	sst s6  }
0xf: {  	[smem:$0x3FAF] =	sst s7  }
0x10: {  	[smem:$0x3FB0] =	sst s8  }
0x11: {  	[smem:$0x3FB1] =	sst s9;
	s0 =	simm.s32 @!p0 $0x0  }
0x12: {  	s1 =	sld [smem:$0x3F97];
	s0 =	simm.s32 @p0 $0x1  }
0x13: {  	[smem:$0x3FB2] =	sst s0;
	s0 =	simm.s32 @!p1 $0x0  }
0x14: {  	s2 =	sld [smem:$0x3F96];
	s0 =	simm.s32 @p1 $0x1  }
0x15: {  	[smem:$0x3FB3] =	sst s0;
	s0 =	simm.s32 @!p2 $0x0  }
0x16: {  	s3 =	sld [smem:$0x3FDB];
	s0 =	simm.s32 @p2 $0x1  }
0x17: {  	s4 =	simm.s32 $0x1BF5;
	[smem:$0x3FB5] =	sst s0  }
0x18: {  	s0 =	sld [smem:$0x3F98];
	_ =	swait.ge [sflag:s4], $0x0  }
0x19: {  	s7 =	sld [smem:$0x3F99]  }
0x1a: {  	s8 =	sadd.s32 $0xFFFFE003, lr  }
0x1b: {  	s9 =	sadd.s32 $0xFFFFFEF7, lr;
	s5 =	simm.s32 $0xFFFFFFFF;
	p2 =	slt.u32 s8, $0xFFFFF086  }
0x1c: {  	p1 =	slt.u32 s9, $0xF7A;
	s5 =	simm.s32 @!p2 $0x0  }
0x1d: {  	s5 =	simm.s32 @p1 $0x1;
	p0 =	seq.s32 s7, s2  }
0x1e: {  	s7 =	smul.u32 @!p0 $0xF7A, s2;
	p2 =	seq.s32 @!p0 s5, $0x0  }
0x1f: {  	s9 =	smul.u32 $0xF7A, s1;
	s8 =	simm.s32 @!p0 $0x1BF5;
	p2 =	por !p2, p0  }
0x20: {  	[sflag:s8] =	ssyncset.s32 @!p0 $0xFFFFF086;
	s6 =	sadd.s32 @!p0 s3, s7;
	s7 =	simm.s32 @!p0 $0x108  }
0x21: {  	s3 =	sadd.s32 s3, s9;
	s6 =	sadd.s32 @!p0 $0x88, s6;
	s7 =	simm.s32 @p2 $0x1082  }
0x22: {  	[simem:s7], [sflag:s8] =	dma.local @!p0 [hbm:s6], $0xF7A  }
0x23: {  	s9 =	sor.u32 $0xD0000000, s2;
	s6 =	simm.s32 $0x108;
	_ =	swait.ge @!p0 [sflag:s8], $0x0  }
0x24: {  	s3 =	sadd.s32 $0x88, s3;
	s6 =	simm.s32 @!p1 $0x1082;
	[sflag:s4] =	ssyncset.s32 $0xFFFFF086  }
0x25: {  	[simem:s6], [sflag:s4] =	dma.local [hbm:s3], $0xF7A  }
0x26: {  	[smem:$0x3F99] =	sst s1;
	(tag) =	ssettag s2;
	_ =	strace s9  }
0x27: {  	s1 =	sld [smem:$0x3FA9]  }
0x28: {  	s2 =	sld [smem:$0x3FAA]  }
0x29: {  	s4 =	sld [smem:$0x3FAC]  }
0x2a: {  	p0 =	seq.s32 s5, $0x0;
	s5 =	sld [smem:$0x3FAD]  }
0x2b: {  	s6 =	sld [smem:$0x3FAE]  }
0x2c: {  	s7 =	sld [smem:$0x3FAF]  }
0x2d: {  	s3 =	simm.s32 $0x108;
	s8 =	sld [smem:$0x3FB0]  }
0x2e: {  	s3 =	simm.s32 @!p0 $0x1082;
	s9 =	sld [smem:$0x3FB1]  }
0x2f: {  	lr =	sadd.s32 s0, s3;
	s0 =	sld [smem:$0x3FA8]  }
0x30: {  	s3 =	sld [smem:$0x3FAB]  }
0x31: {  	[smem:$0x3FB4] =	sst s10  }
0x32: {  	s10 =	sld [smem:$0x3FB2];
	_ =	sdelay $0x3  }
0x33: {  	p0 =	seq.s32 s10, $0x1;
	s10 =	sld [smem:$0x3FB4];
	_ =	sdelay $0x3  }
0x34: {  	[smem:$0x3FB4] =	sst s10  }
0x35: {  	s10 =	sld [smem:$0x3FB3];
	_ =	sdelay $0x3  }
0x36: {  	p1 =	seq.s32 s10, $0x1;
	s10 =	sld [smem:$0x3FB4];
	_ =	sdelay $0x3  }
0x37: {  	[smem:$0x3FB4] =	sst s10  }
0x38: {  	s10 =	sld [smem:$0x3FB5]  }
0x39: {  	_ = 	snop;
	(pc) =	sbr.ind lr, $3  }
0x3a: {  	_ = 	snop  }
0x3b: {  	_ = 	snop  }
0x3c: {  	p2 =	seq.s32 s10, $0x1;
	s10 =	sld [smem:$0x3FB4]  }
0x3d: {  	_ =	shalt  }
0x3e: {  	_ =	shalt  }
0x3f: {  	_ =	shalt  }
0x40: {  	_ =	shalt  }
0x41: {  	_ =	shalt  }
0x42: {  	_ =	shalt  }
0x43: {  	_ =	shalt  }
0x44: {  	_ =	shalt  }
0x45: {  	_ =	shalt  }
0x46: {  	_ =	shalt  }
0x47: {  	_ =	shalt  }
0x48: {  	_ =	shalt  }
0x49: {  	_ =	shalt  }
0x4a: {  	_ =	shalt  }
0x4b: {  	_ =	shalt  }
0x4c: {  	_ =	shalt  }
0x4d: {  	_ =	shalt  }
0x4e: {  	_ =	shalt  }
0x4f: {  	_ =	shalt  }
0x50: {  	_ =	shalt  }
0x51: {  	_ =	shalt  }
0x52: {  	_ =	shalt  }
0x53: {  	_ =	shalt  }
0x54: {  	_ =	shalt  }
0x55: {  	_ =	shalt  }
0x56: {  	_ =	shalt  }
0x57: {  	_ =	shalt  }
0x58: {  	_ =	shalt  }
0x59: {  	_ =	shalt  }
0x5a: {  	_ =	shalt  }
0x5b: {  	_ =	shalt  }
0x5c: {  	_ =	shalt  }
0x5d: {  	_ =	shalt  }
0x5e: {  	_ =	shalt  }
0x5f: {  	_ =	shalt  }
0x60: {  	_ =	shalt  }
0x61: {  	_ =	shalt  }
0x62: {  	_ =	shalt  }
0x63: {  	_ =	shalt  }
0x64: {  	_ =	shalt  }
0x65: {  	_ =	shalt  }
0x66: {  	_ =	shalt  }
0x67: {  	_ =	shalt  }
0x68: {  	_ =	shalt  }
0x69: {  	_ =	shalt  }
0x6a: {  	_ =	shalt  }
0x6b: {  	_ =	shalt  }
0x6c: {  	_ =	shalt  }
0x6d: {  	_ =	shalt  }
0x6e: {  	_ =	shalt  }
0x6f: {  	_ =	shalt  }
0x70: {  	_ =	shalt  }
0x71: {  	_ =	shalt  }
0x72: {  	_ =	shalt  }
0x73: {  	_ =	shalt  }
0x74: {  	_ =	shalt  }
0x75: {  	_ =	shalt  }
0x76: {  	_ =	shalt  }
0x77: {  	_ =	shalt  }
0x78: {  	_ =	shalt  }
0x79: {  	_ =	shalt  }
0x7a: {  	_ =	shalt  }
0x7b: {  	_ =	shalt  }
0x7c: {  	_ =	shalt  }
0x7d: {  	_ =	shalt  }
0x7e: {  	_ =	shalt  }
0x7f: {  	_ =	shalt  }
0x80: {  	_ =	shalt  }
0x81: {  	_ =	shalt  }
0x82: {  	_ =	shalt  }
0x83: {  	_ =	shalt  }
0x84: {  	_ =	shalt  }
0x85: {  	_ =	shalt  }
0x86: {  	_ =	shalt  }
0x87: {  	_ =	shalt  }
.Lfunc_end0:
.L_simem_size_0:
called_computation.3_lowered:
.L_overlay_start_0:
0x88: {  	s2 =	sld [smem:$0x3FD9]  }
0x89: {  	s3 =	sld [smem:$0x3FFE];
	_ =	sdelay $0x1  }
0x8a: {  	s1 =	srdreg.scid  }
0x8b: {  	s0 =	sand.u32 $0x1, s1  }
0x8c: {  	s17 =	sshll.u32 s0, $0xA;
	s2 =	sadd.s32 s3, s2  }
0x8d: {  	s2 =	sadd.s32 s2, s17  }
0x8e: {  	[smem:$0x3FC0] =	sst s2  }
0x8f: {  	_ = 	snop  }
0x90: {  	s2 =	sld [smem:$0x3FD0];
	(tm) =	ssettm $0x1  }
0x91: {  	s18 =	sld [smem:$0x3FFB];
	_ =	sdelay $0x3  }
0x92: {  	_ =	strace s18  }
0x93: {  	s3 =	sld [smem:$0x3FFC];
	_ =	sdelay $0x3  }
0x94: {  	_ =	strace s3  }
0x95: {  	s3 =	sld [smem:$0x3FFD];
	_ =	sdelay $0x3  }
0x96: {  	_ =	strace s3  }
0x97: {  	_ =	strace $0x8FFFFFFF  }
0x98: {  	s19 =	sld [smem:$0x3FDB];
	_ =	sdelay $0x1  }
0x99: {  	s4 =	simm.s32 $_scs_section_size  }
0x9a: {  	s5 =	simm.s32 $_size__tile_overlayer_lowered;
	s6 =	simm.s32 $_tile_overlayer_lowered  }
0x9b: {  	s22 =	simm.s32 $0x1BFF;
	s21 =	sshll.u32 s6, $0x1;
	s3 =	sadd.s32 s4, s19  }
0x9c: {  	s7 =	simm.s32 $0x0;
	s20 =	sshll.u32 s5, $0x1;
	s5 =	sadd.s32 s21, s3  }
0x9d: {  	[timem:s7], [sflag:s22] =	dma.local [hbm:s5], s20  }
0x9e: {  	_ =	swait.ge [sflag:s22], s20  }
0x9f: {  	s4 =	ssub.s32 $0x0, s20;
	[sflag:s22] =	ssyncset.done $0x0  }
0xa0: {  	[sflag:s22] =	ssyncadd.s32 s4;
	_ =	sdelay $0x1  }
0xa1: {  	s23 =	simm.s32 $0x1B8B  }
0xa2: {  	_ =	swait.ge [sflag:s23], $0x1  }
0xa3: {  	[sflag:s23] =	ssyncset.done $0x0  }
0xa4: {  	s25 =	simm.s32 $0x1B8E;
	s24 =	sld [smem:$0x3FFE];
	[sflag:s23] =	ssyncadd.s32 $0xFFFFFFFF  }
0xa5: {  	s26 =	simm.s32 $execute0_lowered;
	[smem:$0x3FD2] =	sst s25  }
0xa6: {  	s5 =	sshll.u32 s26, $0x1;
	_ =	strace $0x8000004F;
	[dreg:$0x1] =	wrdreg $0xFFFFFFFF  }
0xa7: {  	s28 =	simm.s32 $_size_execute0_lowered;
	s3 =	sadd.s32 s3, s5;
	[dreg:$0x0] =	wrdreg $0x0  }
0xa8: {  	s5 =	sshll.u32 s28, $0x1;
	[dreg:$0x2] =	wrdreg s3  }
0xa9: {  	[dreg:$0x3] =	wrdreg s5  }
0xaa: {  	[dreg:$0x4] =	wrdreg $0xC0  }
0xab: {  	_ =	task [dreg:s7], $0x5FFFF  }
0xac: {  	[dreg:$0x1] =	wrdreg $0xFFFFFFFF  }
0xad: {  	[dreg:$0x0] =	wrdreg $0x60  }
0xae: {  	[dreg:$0x2] =	wrdreg s2  }
0xaf: {  	[dreg:$0x3] =	wrdreg s24  }
0xb0: {  	[dreg:$0x4] =	wrdreg $0xBE000  }
0xb1: {  	[dreg:$0x5] =	wrdreg $0x9  }
0xb2: {  	_ =	task.clear_ibuf [dreg:s7], $0x6FFFF;
	_ =	strace $0x9000004F  }
0xb3: {  	s29 =	simm.s32 $0x9;
	_ =	strace $0x80000051  }
0xb4: {  	_ =	swait.ge [sflag:s29], $0x1  }
0xb5: {  	[sflag:s29] =	ssyncadd.s32 $0xFFFFFFFF  }
0xb6: {  	_ =	strace $0x90000051  }
0xb7: {  	_ =	sfence  }
0xb8: {  	s30 =	sld [smem:$0x0];
	_ =	sdelay $0x2  }
0xb9: {  	s31 =	sshll.u32 s1, $0xD;
	s1 =	sshrl.u32 s1, $0x2  }
0xba: {  	s3 =	sand.u32 $0x4000, s31;
	s1 =	sadd.s32 s1, s30  }
0xbb: {  	s0 =	sor.u32 s3, s0;
	s1 =	sshll.u32 s1, $0x11  }
0xbc: {  	s0 =	sor.u32 s1, s0  }
0xbd: {  	s0 =	sadd.s32 $0x8F2B, s0  }
0xbe: {  	[sflag:s0] =	ssyncadd.remote.s32 $0x1  }
0xbf: {  	_ =	sfence.sel $0xFFFF  }
0xc0: {  	[dreg:$0x0] =	wrdreg $0xFFFFFFFF;
	(pc) =	sbr.abs _section_cstart, $3  }
0xc1: {  	[dreg:$0x1] =	wrdreg $0xFFFFFFFF  }
0xc2: {  	_ =	task.clear_ibuf [dreg:s7], $0x2FFFF;
	_ =	strace $0x9FFFFFFF  }
0xc3: {  	(tm) =	ssettm $0x7FFFFFFF  }
tec
execute0_lowered:
.L_overlay_start_1:
0x0: {  	(tag) =	ssettag $0x1  }
0x1: {  	s0 =	rddreg [dreg:$0x0]  }
0x2: {  	s1 =	rddreg [dreg:$0x1]  }
0x3: {  	s2 =	rddreg [dreg:$0x2];
	s23 =	stileid.u32  }
0x4: {  	s3 =	simm.s32 $0x0;
	s5 =	srdreg.scid;
	s28 =	simm.s32 $0x9E00  }
0x5: {  	s29 =	simm.s32 $0xAE00;
	s30 =	simm.s32 $0x1;
	s4 =	smul.u32 $0x9E0, s23  }
0x6: {  	s31 =	simm.s32 $0x2;
	[smem:$0x7FF] =	sst s3;
	s8 =	smul.u32 $0x13800, s23  }
0x7: {  	s5 =	sand.u32 $0x1, s5;
	s18 =	smul.u32 $0x4E00, s23;
	p0 =	sne.s32 s23, $0xF  }
0x8: {  	s23 =	simm.s32 $0x3;
	_ =	strace $0x80000050;
	s7 =	ssub.s32 $0x2, s5  }
0x9: {  	s19 =	smul.u32 $0x4E200, s5;
	s6 =	sadd.s32 s4, s1;
	s4 =	sadd.s32 $0x2800, s1  }
0xa: {  	s1 =	sadd.s32 $0x3200, s1;
	s9 =	sshrl.u32 s7, $0x1;
	s25 =	sshrl.u32 s8, $0x2  }
0xb: {  	s13 =	sadd.s32 $0xD00, s18;
	s15 =	sadd.s32 $0x1A00, s18;
	s20 =	sadd.s32 $0x2700, s18  }
0xc: {  	s22 =	sadd.s32 $0x4100, s18;
	s10 =	ssub.s32 s7, s9;
	s24 =	sadd.s32 $0x20200, s6  }
0xd: {  	s26 =	sadd.s32 $0x2A000, s6;
	s5 =	sshrl.u32 s19, $0x3;
	s7 =	sadd.s32 $0x4E000, s2  }
0xe: {  	s12 =	sadd.s32 s19, s18;
	s14 =	sadd.s32 s19, s13;
	s16 =	sadd.s32 s19, s15  }
0xf: {  	s13 =	sadd.s32 s13, s2;
	s15 =	sadd.s32 s15, s2;
	[dreg:$0x4] =	wrdreg s24  }
0x10: {  	[dreg:$0x5] =	wrdreg s26;
	s24 =	sadd.s32 s25, s2;
	s6 =	sadd.s32 s1, s5  }
0x11: {  	s8 =	sadd.s32 s0, s5;
	s10 =	smax.u32 s10, $0x1;
	s0 =	sshrl.u32 s12, $0x3  }
0x12: {  	s14 =	sshrl.u32 s14, $0x3;
	s17 =	sshrl.u32 s16, $0x3;
	s25 =	sadd.s32 s19, s22  }
0x13: {  	s11 =	sadd.s32 $0x9C00, s6;
	s12 =	sadd.s32 s1, s0;
	s14 =	sadd.s32 s1, s14  }
0x14: {  	s16 =	sadd.s32 s1, s17;
	s17 =	sadd.s32 s20, s2;
	s0 =	sadd.s32 s19, s20  }
0x15: {  	s20 =	sadd.s32 $0x3400, s18;
	s26 =	sshrl.u32 s25, $0x3;
	s25 =	sshrl.u32 s24, $0x3  }
0x16: {  	[dreg:$0x6] =	wrdreg s11;
	s11 =	sadd.s32 s18, s2;
	s21 =	sadd.s32 s19, s20  }
0x17: {  	s0 =	sshrl.u32 s0, $0x3;
	s19 =	sadd.s32 s20, s2;
	s21 =	sshrl.u32 s21, $0x3  }
0x18: {  	s18 =	sadd.s32 s1, s0;
	s0 =	simm.s32 $0x0;
	s20 =	sadd.s32 s1, s21  }
0x19: {  	s21 =	sadd.s32 s22, s2;
	s22 =	sadd.s32 s1, s26;
	s26 =	simm.s32 $0x80  }
.LBB2_1:
0x1a: {  	s1 =	rddreg [dreg:$0x4]  }
0x1b: {  	[tilespmem:s3], [sflag:$0x3] =	stream.linear.gather [hbm4b:s1+s3], $0x4F00, $0x38;
	[tilespmem:$0x11020] =	vst v63  }
0x1c: {  	_ =	swait.ge [sflag:s23], $0x4F00  }
0x1d: {  	[sflag:s23] =	ssyncset.done $0x0  }
0x1e: {  	s5 =	simm.s32 $0x4F00;
	s9 =	rddreg [dreg:$0x5];
	[sflag:s23] =	ssyncadd.s32 $0xFFFFB100  }
0x1f: {  	[tilespmem:s5], [sflag:$0x3] =	stream.linear.gather [hbm4b:s9+s3], $0x4F00, $0x38;
	[tilespmem:$0x11020] =	vst v63  }
0x20: {  	s24 =	stileid.u32;
	_ =	swait.ge [sflag:s23], $0x4F00  }
0x21: {  	s1 =	sshll.u32 s24, $0x6;
	[sflag:s23] =	ssyncset.done $0x0  }
0x22: {  	s1 =	sor.u32 $0x1C03, s1;
	[sflag:s23] =	ssyncadd.s32 $0xFFFFB100  }
0x23: {  	[spmem:s25], [sflag:s1] =	dma.local [hbm:s4], $0x9C0  }
0x24: {  	_ =	swait.ge [sflag:s23], $0x9C0  }
0x25: {  	[sflag:s23] =	ssyncset.done $0x0  }
0x26: {  	s24 =	sshrl.u32 @!p0 s7, $0x3;
	[sflag:s23] =	ssyncadd.s32 $0xFFFFF640  }
0x27: {  	[spmem:s24], [sflag:s1] =	dma.local @!p0 [hbm:s4], $0x840  }
0x28: {  	s1 =	simm.s32 @!p0 $0x3  }
0x29: {  	_ =	swait.ge @!p0 [sflag:s1], $0x840  }
0x2a: {  	[sflag:s1] =	ssyncset.done @!p0 $0x0  }
0x2b: {  	[sflag:s1] =	ssyncadd.s32 @!p0 $0xFFFFF7C0  }
0x2c: {  	[bflag:$0x0] =	sbarrier.arrive $0xFFFF  }
0x2d: {  	[tilespmem:s28], [sflag:$0x1] =	stream.indirect.gather [hbm4b:s8+s26], $0x20, s3, s26, $0xb8;
	[tilespmem:$0x11020] =	vst v63  }
0x2e: {  	s5 =	simm.s32 $0x80  }
0x2f: {  	[tilespmem:s29], [sflag:$0x2] =	stream.indirect.gather [hbm4b:s8+s26], $0x20, s5, s26, $0xb8;
	[tilespmem:$0x11020] =	vst v63  }
0x30: {  	_ =	swait.ge [sflag:s30], $0x1000  }
0x31: {  	[sflag:s30] =	ssyncset.done $0x0  }
0x32: {  	s6 =	simm.s32 $0x4F00;
	[sflag:s30] =	ssyncadd.s32 $0xFFFFF000  }
0x33: {  	[spmem:s2] =	stream.indirect.scatter.add.f32 [tilespmem:s28], [sflag:$0x3], $0x20, s6, s26, $0xb8;
	[tilespmem:$0x11020] =	vst v63  }
0x34: {  	_ =	swait.ge [sflag:s23], $0x1000  }
0x35: {  	[sflag:s23] =	ssyncset.done $0x0  }
0x36: {  	s9 =	simm.s32 $0x100;
	[sflag:s23] =	ssyncadd.s32 $0xFFFFF000  }
0x37: {  	[tilespmem:s28], [sflag:$0x1] =	stream.indirect.gather [hbm4b:s8+s26], $0x20, s9, s26, $0xb8;
	[tilespmem:$0x11020] =	vst v63  }
0x38: {  	_ =	swait.ge [sflag:s31], $0x1000  }
0x39: {  	[sflag:s31] =	ssyncset.done $0x0  }
0x3a: {  	s24 =	simm.s32 $0x4F80;
	[sflag:s31] =	ssyncadd.s32 $0xFFFFF000  }
0x3b: {  	[spmem:s2] =	stream.indirect.scatter.add.f32 [tilespmem:s29], [sflag:$0x3], $0x20, s24, s26, $0xb8;
	[tilespmem:$0x11020] =	vst v63  }
0x3c: {  	_ =	swait.ge [sflag:s23], $0x1000  }
0x3d: {  	s1 =	simm.s32 $0x100;
	s24 =	simm.s32 $0x800;
	[sflag:s23] =	ssyncset.done $0x0  }
.LBB2_2:
0x3e: {  	s5 =	sadd.s32 $0x80, s1  }
0x3f: {  	[sflag:s23] =	ssyncadd.s32 $0xFFFFF000;
	s6 =	smov.u32 s24;
	s9 =	sadd.s32 $0x400, s24  }
0x40: {  	[tilespmem:s29], [sflag:$0x2] =	stream.indirect.gather [hbm4b:s8+s26], $0x20, s5, s26, $0xb8;
	[tilespmem:$0x11020] =	vst v63  }
0x41: {  	p1 =	sne.s32 s24, $0x13400;
	_ =	swait.ge [sflag:s30], $0x1000  }
0x42: {  	[sflag:s30] =	ssyncset.done $0x0  }
0x43: {  	s5 =	sadd.s32 $0x4F00, s1;
	[sflag:s30] =	ssyncadd.s32 $0xFFFFF000  }
0x44: {  	[spmem:s2] =	stream.indirect.scatter.add.f32 [tilespmem:s28], [sflag:$0x3], $0x20, s5, s26, $0xb8;
	[tilespmem:$0x11020] =	vst v63  }
0x45: {  	_ =	swait.ge [sflag:s23], $0x1000  }
0x46: {  	[sflag:s23] =	ssyncset.done $0x0  }
0x47: {  	s5 =	sadd.s32 $0x100, s1;
	[sflag:s23] =	ssyncadd.s32 $0xFFFFF000  }
0x48: {  	[tilespmem:s28], [sflag:$0x1] =	stream.indirect.gather [hbm4b:s8+s26], $0x20, s5, s26, $0xb8;
	[tilespmem:$0x11020] =	vst v63  }
0x49: {  	_ =	swait.ge [sflag:s31], $0x1000  }
.Ltmp0:
0x4a: {  	[sflag:s31] =	ssyncset.done $0x0;
	(pc) =	sbr.rel @p1 .LBB2_2-.Ltmp0, $4  }
0x4b: {  	s1 =	sadd.s32 $0x4F80, s1;
	[sflag:s31] =	ssyncadd.s32 $0xFFFFF000  }
0x4c: {  	[spmem:s2] =	stream.indirect.scatter.add.f32 [tilespmem:s29], [sflag:$0x3], $0x20, s1, s26, $0xb8;
	[tilespmem:$0x11020] =	vst v63  }
0x4d: {  	_ =	swait.ge [sflag:s23], $0x1000  }
0x4e: {  	s24 =	smov.u32 s9;
	s1 =	sshra.s32 s6, $0x2;
	[sflag:s23] =	ssyncset.done $0x0  }
0x4f: {  	s5 =	sadd.s32 $0x80, s1;
	[sflag:s23] =	ssyncadd.s32 $0xFFFFF000  }
0x50: {  	[tilespmem:s29], [sflag:$0x2] =	stream.indirect.gather [hbm4b:s8+s26], $0x20, s5, s26, $0xb8;
	[tilespmem:$0x11020] =	vst v63  }
0x51: {  	_ =	swait.ge [sflag:s30], $0x1000  }
0x52: {  	[sflag:s30] =	ssyncset.done $0x0  }
0x53: {  	s9 =	sadd.s32 $0x4F00, s1;
	[sflag:s30] =	ssyncadd.s32 $0xFFFFF000  }
0x54: {  	[spmem:s2] =	stream.indirect.scatter.add.f32 [tilespmem:s28], [sflag:$0x3], $0x20, s9, s26, $0xb8;
	[tilespmem:$0x11020] =	vst v63  }
0x55: {  	_ =	swait.ge [sflag:s23], $0x1000  }
0x56: {  	[sflag:s23] =	ssyncset.done $0x0  }
0x57: {  	s24 =	sadd.s32 $0x100, s1;
	[sflag:s23] =	ssyncadd.s32 $0xFFFFF000  }
0x58: {  	[tilespmem:s28], [sflag:$0x1] =	stream.indirect.gather [hbm4b:s8+s26], $0x20, s24, s26, $0xb8;
	[tilespmem:$0x11020] =	vst v63  }
0x59: {  	_ =	swait.ge [sflag:s31], $0x1000  }
0x5a: {  	[sflag:s31] =	ssyncset.done $0x0  }
0x5b: {  	s5 =	sadd.s32 $0x4F80, s1;
	[sflag:s31] =	ssyncadd.s32 $0xFFFFF000  }
0x5c: {  	[spmem:s2] =	stream.indirect.scatter.add.f32 [tilespmem:s29], [sflag:$0x3], $0x20, s5, s26, $0xb8;
	[tilespmem:$0x11020] =	vst v63  }
0x5d: {  	_ =	swait.ge [sflag:s23], $0x1000  }
0x5e: {  	[sflag:s23] =	ssyncset.done $0x0  }
0x5f: {  	s6 =	simm.s32 $0x4E80;
	[sflag:s23] =	ssyncadd.s32 $0xFFFFF000  }
0x60: {  	[tilespmem:s29], [sflag:$0x2] =	stream.indirect.gather [hbm4b:s8+s26], $0x20, s6, s26, $0xb8;
	[tilespmem:$0x11020] =	vst v63  }
0x61: {  	_ =	swait.ge [sflag:s30], $0x1000  }
0x62: {  	[sflag:s30] =	ssyncset.done $0x0  }
0x63: {  	s9 =	simm.s32 $0x9D00;
	[sflag:s30] =	ssyncadd.s32 $0xFFFFF000  }
0x64: {  	[spmem:s2] =	stream.indirect.scatter.add.f32 [tilespmem:s28], [sflag:$0x3], $0x20, s9, s26, $0xb8;
	[tilespmem:$0x11020] =	vst v63  }
0x65: {  	_ =	swait.ge [sflag:s23], $0x1000  }
0x66: {  	[sflag:s23] =	ssyncset.done $0x0  }
0x67: {  	[sflag:s23] =	ssyncadd.s32 $0xFFFFF000  }
0x68: {  	_ =	swait.ge [sflag:s31], $0x1000  }
0x69: {  	[sflag:s31] =	ssyncset.done $0x0  }
0x6a: {  	s24 =	simm.s32 $0x9D80;
	[sflag:s31] =	ssyncadd.s32 $0xFFFFF000  }
0x6b: {  	[spmem:s2] =	stream.indirect.scatter.add.f32 [tilespmem:s29], [sflag:$0x3], $0x20, s24, s26, $0xb8;
	[tilespmem:$0x11020] =	vst v63  }
0x6c: {  	_ =	swait.ge [sflag:s23], $0x1000  }
0x6d: {  	[sflag:s23] =	ssyncset.done $0x0  }
0x6e: {  	[sflag:s23] =	ssyncadd.s32 $0xFFFFF000  }
0x6f: {  	[bflag:$0x0] =	sbarrier.arrive $0xFFFF  }
0x70: {  	[tilespmem:s28], [sflag:$0x3] =	stream.linear.gather [spmem:s11], $0xD00, $0x38;
	[tilespmem:$0x11020] =	vst v63  }
0x71: {  	_ =	swait.ge [sflag:s23], $0xD00  }
0x72: {  	[sflag:s23] =	ssyncset.done $0x0  }
0x73: {  	[sflag:s23] =	ssyncadd.s32 $0xFFFFF300  }
0x74: {  	[hbm4b:s12+s3] =	stream.linear.scatter [tilespmem:s28], [sflag:$0x3], $0xD00, $0x38;
	[tilespmem:$0x11020] =	vst v63  }
0x75: {  	_ =	swait.ge [sflag:s23], $0xD00  }
0x76: {  	[sflag:s23] =	ssyncset.done $0x0  }
0x77: {  	[sflag:s23] =	ssyncadd.s32 $0xFFFFF300  }
0x78: {  	[tilespmem:s28], [sflag:$0x3] =	stream.linear.gather [spmem:s13], $0xD00, $0x38;
	[tilespmem:$0x11020] =	vst v63  }
0x79: {  	_ =	swait.ge [sflag:s23], $0xD00  }
0x7a: {  	[sflag:s23] =	ssyncset.done $0x0  }
0x7b: {  	[sflag:s23] =	ssyncadd.s32 $0xFFFFF300  }
0x7c: {  	[hbm4b:s14+s3] =	stream.linear.scatter [tilespmem:s28], [sflag:$0x3], $0xD00, $0x38;
	[tilespmem:$0x11020] =	vst v63  }
0x7d: {  	_ =	swait.ge [sflag:s23], $0xD00  }
0x7e: {  	[sflag:s23] =	ssyncset.done $0x0  }
0x7f: {  	[sflag:s23] =	ssyncadd.s32 $0xFFFFF300  }
0x80: {  	[tilespmem:s28], [sflag:$0x3] =	stream.linear.gather [spmem:s15], $0xD00, $0x38;
	[tilespmem:$0x11020] =	vst v63  }
0x81: {  	_ =	swait.ge [sflag:s23], $0xD00  }
0x82: {  	[sflag:s23] =	ssyncset.done $0x0  }
0x83: {  	[sflag:s23] =	ssyncadd.s32 $0xFFFFF300  }
0x84: {  	[hbm4b:s16+s3] =	stream.linear.scatter [tilespmem:s28], [sflag:$0x3], $0xD00, $0x38;
	[tilespmem:$0x11020] =	vst v63  }
0x85: {  	_ =	swait.ge [sflag:s23], $0xD00  }
0x86: {  	[sflag:s23] =	ssyncset.done $0x0  }
0x87: {  	[sflag:s23] =	ssyncadd.s32 $0xFFFFF300  }
0x88: {  	[tilespmem:s28], [sflag:$0x3] =	stream.linear.gather [spmem:s17], $0xD00, $0x38;
	[tilespmem:$0x11020] =	vst v63  }
0x89: {  	_ =	swait.ge [sflag:s23], $0xD00  }
0x8a: {  	[sflag:s23] =	ssyncset.done $0x0  }
0x8b: {  	[sflag:s23] =	ssyncadd.s32 $0xFFFFF300  }
0x8c: {  	[hbm4b:s18+s3] =	stream.linear.scatter [tilespmem:s28], [sflag:$0x3], $0xD00, $0x38;
	[tilespmem:$0x11020] =	vst v63  }
0x8d: {  	_ =	swait.ge [sflag:s23], $0xD00  }
0x8e: {  	[sflag:s23] =	ssyncset.done $0x0  }
0x8f: {  	[sflag:s23] =	ssyncadd.s32 $0xFFFFF300  }
0x90: {  	[tilespmem:s28], [sflag:$0x3] =	stream.linear.gather [spmem:s19], $0xD00, $0x38;
	[tilespmem:$0x11020] =	vst v63  }
0x91: {  	_ =	swait.ge [sflag:s23], $0xD00  }
0x92: {  	[sflag:s23] =	ssyncset.done $0x0  }
0x93: {  	[sflag:s23] =	ssyncadd.s32 $0xFFFFF300  }
0x94: {  	[hbm4b:s20+s3] =	stream.linear.scatter [tilespmem:s28], [sflag:$0x3], $0xD00, $0x38;
	[tilespmem:$0x11020] =	vst v63  }
0x95: {  	_ =	swait.ge [sflag:s23], $0xD00  }
0x96: {  	[sflag:s23] =	ssyncset.done $0x0  }
0x97: {  	[sflag:s23] =	ssyncadd.s32 $0xFFFFF300  }
0x98: {  	[tilespmem:s28], [sflag:$0x3] =	stream.linear.gather [spmem:s21], $0xD00, $0x38;
	[tilespmem:$0x11020] =	vst v63  }
0x99: {  	_ =	swait.ge [sflag:s23], $0xD00  }
0x9a: {  	[sflag:s23] =	ssyncset.done $0x0  }
0x9b: {  	[sflag:s23] =	ssyncadd.s32 $0xFFFFF300  }
0x9c: {  	[hbm4b:s22+s3] =	stream.linear.scatter [tilespmem:s28], [sflag:$0x3], $0xD00, $0x38;
	[tilespmem:$0x11020] =	vst v63  }
0x9d: {  	_ =	swait.ge [sflag:s23], $0xD00  }
0x9e: {  	[sflag:s23] =	ssyncset.done $0x0  }
0x9f: {  	s1 =	simm.s32 @!p0 $0x9E00;
	s5 =	simm.s32 @!p0 $0x3;
	[sflag:s23] =	ssyncadd.s32 $0xFFFFF300  }
0xa0: {  	[tilespmem:s1], [sflag:$0x3] =	stream.linear.gather @!p0 [spmem:s7], $0x200, $0x38;
	[tilespmem:$0x11020] =	vst v63  }
0xa1: {  	s0 =	sadd.s32 $0x1, s0;
	_ =	swait.ge @!p0 [sflag:s5], $0x200  }
0xa2: {  	p1 =	sne.s32 s0, s10;
	s6 =	simm.s32 @!p0 $0x0;
	[sflag:s5] =	ssyncset.done @!p0 $0x0  }
.Ltmp1:
0xa3: {  	s9 =	rddreg [dreg:$0x6];
	[sflag:s5] =	ssyncadd.s32 @!p0 $0xFFFFFE00;
	(pc) =	sbr.rel @p1 .LBB2_1-.Ltmp1, $4  }
0xa4: {  	[hbm4b:s9+s6] =	stream.linear.scatter @!p0 [tilespmem:s1], [sflag:$0x3], $0x200, $0x38;
	[tilespmem:$0x11020] =	vst v63  }
0xa5: {  	_ =	swait.ge @!p0 [sflag:s5], $0x200  }
0xa6: {  	[sflag:s5] =	ssyncset.done @!p0 $0x0  }
0xa7: {  	[sflag:s5] =	ssyncadd.s32 @!p0 $0xFFFFFE00  }
0xa8: {  	_ =	sfence.sel $0x180000  }
0xa9: {  	[bflag:$0x0] =	sbarrier.arrive $0xFFFF  }
0xaa: {  	_ =	strace $0x90000050  }
0xab: {  	s0 =	stileid.u32;
	[bflag:$0x2] =	sbarrier.arrive $0xFFFF  }
0xac: {  	p0 =	sne.s32 s0, $0x0;
	s0 =	rddreg [dreg:$0x3]  }
0xad: {  	s0 =	sadd.s32 @!p0 $0x100000, s0  }
0xae: {  	[sflag:s0] =	ssyncadd.tile.s32 @!p0 $0x1;
	_ =	shalt  }
.Lfunc_end2:
_tile_overlayer_lowered:
.L_overlay_start_2:
0xaf: {  	(tag) =	ssettag $0x2  }
0xb0: {  	s0 =	rddreg [dreg:$0x0];
	s2 =	stileid.u32  }
0xb1: {  	s1 =	rddreg [dreg:$0x1];
	p0 =	sne.s32 s2, $0x0  }
0xb2: {  	s3 =	rddreg [dreg:$0x2];
	[bflag:$0x3] =	sbarrier.arrive $0xFFFF;
	s2 =	simm.s32 @!p0 $0x1C03  }
0xb3: {  	[timem:s3], [sflag:s2] =	dma.local @!p0 [hbm:s0], s1  }
0xb4: {  	s0 =	simm.s32 @!p0 $0x3  }
0xb5: {  	_ =	swait.ge @!p0 [sflag:s0], s1  }
0xb6: {  	s1 =	ssub.s32 @!p0 $0x0, s1;
	[sflag:s0] =	ssyncset.done @!p0 $0x0  }
0xb7: {  	[sflag:s0] =	ssyncadd.s32 @!p0 s1  }
0xb8: {  	[bflag:$0x3] =	sbarrier.arrive $0xFFFF  }
0xb9: {  	_ =	shalt  }

</sc_bundles>
